<compile_context>
chip_gen: v7x
topology: tpu7x:2x2x1
jax: 0.10.2.dev20260603
libtpu: 0.0.44.dev20260713+nightly
codegen_flags: <defaults>
</compile_context>

<pallas_src>
import functools

import jax
import jax.numpy as jnp
from jax import lax
from jax.experimental import pallas as pl
from jax.experimental.pallas import tpu as pltpu
from jax.experimental.pallas import tpu_sc as plsc

_C = 1000
_L = 256
_DF = 150
_B = 1024
_WROWS = _DF * _C
_OROWS = _DF * _B


@functools.cache
def _build():
    info = plsc.get_sparse_core_info()
    nc, ns = info.num_cores, info.num_subcores
    nw = nc * ns
    mw = _OROWS // nw
    kk = 64
    nch = mw // kk
    nbuf = 5
    lag = 2
    ng = nch // nbuf

    mesh = plsc.VectorSubcoreMesh(core_axis_name="c", subcore_axis_name="s")

    def body(w_hbm, cls_hbm, out_hbm, cls_v, idx_buf, bufs,
             s0, s1, s2, s3, s4):
        sems = (s0, s1, s2, s3, s4)
        w2 = w_hbm.reshape(_WROWS, _L)
        out2 = out_hbm.reshape(_OROWS, _L)
        wid = lax.axis_index("s") * nc + lax.axis_index("c")
        wbase = wid * mw

        pltpu.sync_copy(cls_hbm, cls_v)

        def fill_idx(ch):
            row = idx_buf.at[ch]
            n0 = wbase + ch * kk
            for k in range(kk // 16):
                nk = n0 + 16 * k
                d = nk >> 10
                row[pl.ds(16 * k, 16)] = (
                    cls_v[pl.ds(nk & 1023, 16)] + d * 1000)

        def wait_slot(s):
            pltpu.make_async_copy(
                bufs.at[s], out2.at[pl.ds(0, kk)], sems[s]).wait()

        def issue_gather(c, s):
            pltpu.async_copy(w2.at[idx_buf.at[c]], bufs.at[s], sems[s])

        def issue_out(c, s):
            pltpu.async_copy(
                bufs.at[s], out2.at[pl.ds(wbase + c * kk, kk)], sems[s])

        for s in range(nbuf):
            fill_idx(s)
        for s in range(nbuf):
            issue_gather(s, s)
        for s in range(nbuf):
            fill_idx(nbuf + s)
        for s in range(nbuf - lag):
            wait_slot(s)
            issue_out(s, s)

        @pl.loop(0, ng - 1)
        def _go(h):
            g = h + 1
            for s in range(nbuf):
                c = g * nbuf + s
                wait_slot(s)
                issue_gather(c, s)
                s2 = (s - lag) % nbuf
                wait_slot(s2)
                issue_out(c - lag, s2)

            @pl.when(h < ng - 2)
            def _prep():
                for s in range(nbuf):
                    fill_idx((g + 1) * nbuf + s)

        for i in range(lag):
            c = nch - lag + i
            wait_slot(c % nbuf)
            issue_out(c, c % nbuf)
        for s in range(nbuf):
            wait_slot(s)

    return pl.kernel(
        body,
        out_type=jax.ShapeDtypeStruct((_DF, _B, _L), jnp.float32),
        mesh=mesh,
        scratch_types=[
            pltpu.VMEM((_B,), jnp.int32),
            pltpu.VMEM((nch, kk), jnp.int32),
            pltpu.VMEM((nbuf, kk, _L), jnp.float32),
            pltpu.SemaphoreType.DMA,
            pltpu.SemaphoreType.DMA,
            pltpu.SemaphoreType.DMA,
            pltpu.SemaphoreType.DMA,
            pltpu.SemaphoreType.DMA,
        ],
    )


def kernel(classes, W):
    w_t = jnp.transpose(W, (2, 0, 1))
    cls = classes.astype(jnp.int32)
    out_t = _build()(w_t, cls)
    return jnp.transpose(out_t, (1, 2, 0))

# --- scband reference (transcript-rebuilt; emitter-appended) ---
"""Pipeline reference for scband-pre-opt-hyper-dream-3393024164424 (READ-ONLY COPY).

The authoritative reference and input builder live on the scoring server;
editing this copy changes nothing except your own understanding.
"""

import jax, jax.numpy as jnp
import numpy as np

NUM_CLASSES = 1000  # number of class-specific pre-optimized weight tables
LENGTH = 256        # number of LiLoRA modules
RANK = 1
DOWN_DIM = 100
UP_DIM = 50
DIM_FULL = (DOWN_DIM + UP_DIM) * RANK  # 150
B = 1024


def setup_inputs(seed: int = 0) -> dict:
    key = jax.random.key(seed)
    k1, k2 = jax.random.split(key)
    classes = jax.random.randint(k1, (B,), 0, NUM_CLASSES)
    # Parameters: per-class weight table, torch init = cat([randn(down), zeros(up)], -1)
    down = jax.random.normal(k2, (NUM_CLASSES, LENGTH, DOWN_DIM * RANK), dtype=jnp.float32)
    up = jnp.zeros((NUM_CLASSES, LENGTH, UP_DIM * RANK), dtype=jnp.float32)
    W = jnp.concatenate([down, up], axis=-1)  # [NUM_CLASSES, LENGTH, DIM_FULL]
    return {"classes": classes, "W": W}


def reference(classes, W):
    # gen_weight: gather per-class tables per-sample; gathering W at unique
    # classes and re-expanding via the inverse map is element-for-element
    # identical to gathering W directly at each sample's class index.
    class_idx = classes
    weights_per_sample = jnp.take(W, class_idx, axis=0)  # [B, LENGTH, DIM_FULL]
    # torch also returns weight_list = split along dim 1 (trivial views of the same tensor);
    # we return the dense per-sample weights which contain identical data.
    return weights_per_sample

if __name__ == "__main__":
    import jax
    _d = setup_inputs()
    print(jax.jit(kernel)(*tuple(_d.values())))

</pallas_src>

<mosaic_0001>
#map = affine_map<(d0, d1) -> (0, 0, 0)>
#map1 = affine_map<(d0, d1) -> (0)>
module attributes {stable_mosaic.version = 14 : i64} {
  func.func @body(%arg0: i32, %arg1: i32, %arg2: memref<150x1000x256xf32, #tpu.memory_space<hbm>>, %arg3: memref<1024xi32, #tpu.memory_space<hbm>>, %arg4: memref<150x1024x256xf32, #tpu.memory_space<hbm>>, %arg5: memref<1024xi32, #tpu.memory_space<vmem>>, %arg6: memref<75x64xi32, #tpu.memory_space<vmem>>, %arg7: memref<5x64x256xf32, #tpu.memory_space<vmem>>, %arg8: memref<!tpu.dma_semaphore, #tpu.memory_space<semaphore_mem>>, %arg9: memref<!tpu.dma_semaphore, #tpu.memory_space<semaphore_mem>>, %arg10: memref<!tpu.dma_semaphore, #tpu.memory_space<semaphore_mem>>, %arg11: memref<!tpu.dma_semaphore, #tpu.memory_space<semaphore_mem>>, %arg12: memref<!tpu.dma_semaphore, #tpu.memory_space<semaphore_mem>>) attributes {dimension_semantics = [#tpu.dimension_semantics<core_parallel>, #tpu.dimension_semantics<subcore_parallel>], iteration_bounds = array<i64: 2, 16>, scalar_prefetch = 0 : i64, scratch_operands = 8 : i64, tpu.core_type = #tpu.core_type<sc_vector_subcore>, window_params = [{transform_indices = #map}, {transform_indices = #map1}, {transform_indices = #map}]} {
    %mul3A = arith.constant 2 : i32
    %mul3A_0 = arith.muli %arg1, %mul3A : i32
    %add3A = arith.addi %mul3A_0, %arg0 : i32
    %mul3A_1 = arith.constant 4800 : i32
    %mul3A_2 = arith.muli %add3A, %mul3A_1 : i32
    "tpu.region"() ({
      %run_scoped3A = tpu.sem_alloc : memref<!tpu.dma_semaphore, #tpu.memory_space<semaphore_mem>>
      tpu.enqueue_dma source(%arg3 : memref<1024xi32, #tpu.memory_space<hbm>>) target(%arg5 : memref<1024xi32, #tpu.memory_space<vmem>>) target_semaphore(%run_scoped3A : memref<!tpu.dma_semaphore, #tpu.memory_space<semaphore_mem>>)
      tpu.wait_dma2 semaphore(%run_scoped3A : memref<!tpu.dma_semaphore, #tpu.memory_space<semaphore_mem>>) src(%arg3 : memref<1024xi32, #tpu.memory_space<hbm>>) dst(%arg5 : memref<1024xi32, #tpu.memory_space<vmem>>)
      tpu.yield
    }) : () -> ()
    %add3A_3 = arith.constant 0 : i32
    %add3A_4 = arith.addi %mul3A_2, %add3A_3 : i32
    %add3A_5 = arith.constant 0 : i32
    %add3A_6 = arith.addi %add3A_4, %add3A_5 : i32
    %shift_right_arithmetic3A = arith.constant 10 : i32
    %shift_right_arithmetic3A_7 = arith.shrsi %add3A_6, %shift_right_arithmetic3A : i32
    %and3A = arith.constant 1023 : i32
    %and3A_8 = arith.andi %add3A_6, %and3A : i32
    %get3A = arith.index_cast %and3A_8 : i32 to index
    %get3A_9 = tpu.vector_load %arg5[%get3A] {strides = array<i32>} : memref<1024xi32, #tpu.memory_space<vmem>>, vector<16xi32>,
    %get3A_10 = vector.shape_cast %get3A_9 : vector<16xi32> to vector<16xi32>
    %mul3A_11 = arith.constant 1000 : i32
    %mul3A_12 = arith.muli %shift_right_arithmetic3A_7, %mul3A_11 : i32
    %add3A_13 = vector.broadcast %mul3A_12 : i32 to vector<16xi32>
    %add3A_14 = arith.addi %get3A_10, %add3A_13 : vector<16xi32>
    %swap3A = arith.constant 0 : i32
    %swap3A_15 = arith.constant 0 : i32
    %swap3A_16 = tpu.memref_slice %arg6[%swap3A, %swap3A_15] : memref<75x64xi32, #tpu.memory_space<vmem>> -> memref<1x64xi32, #tpu.memory_space<vmem>>
    %swap3A_17 = tpu.memref_squeeze %swap3A_16 : memref<1x64xi32, #tpu.memory_space<vmem>> -> memref<64xi32, #tpu.memory_space<vmem>>
    %swap3A_18 = arith.constant 0 : index
    %swap3A_19 = tpu.vector_load %swap3A_17[%swap3A_18] {strides = array<i32>} : memref<64xi32, #tpu.memory_space<vmem>>, vector<16xi32>,
    %swap3A_20 = vector.shape_cast %swap3A_19 : vector<16xi32> to vector<16xi32>
    %swap3A_21 = vector.shape_cast %add3A_14 : vector<16xi32> to vector<16xi32>
    tpu.vector_store %swap3A_17[%swap3A_18], %swap3A_21 {strides = array<i32>} : memref<64xi32, #tpu.memory_space<vmem>>, vector<16xi32>,
    %add3A_22 = arith.constant 16 : i32
    %add3A_23 = arith.addi %add3A_4, %add3A_22 : i32
    %shift_right_arithmetic3A_24 = arith.constant 10 : i32
    %shift_right_arithmetic3A_25 = arith.shrsi %add3A_23, %shift_right_arithmetic3A_24 : i32
    %and3A_26 = arith.constant 1023 : i32
    %and3A_27 = arith.andi %add3A_23, %and3A_26 : i32
    %get3A_28 = arith.index_cast %and3A_27 : i32 to index
    %get3A_29 = tpu.vector_load %arg5[%get3A_28] {strides = array<i32>} : memref<1024xi32, #tpu.memory_space<vmem>>, vector<16xi32>,
    %get3A_30 = vector.shape_cast %get3A_29 : vector<16xi32> to vector<16xi32>
    %mul3A_31 = arith.constant 1000 : i32
    %mul3A_32 = arith.muli %shift_right_arithmetic3A_25, %mul3A_31 : i32
    %add3A_33 = vector.broadcast %mul3A_32 : i32 to vector<16xi32>
    %add3A_34 = arith.addi %get3A_30, %add3A_33 : vector<16xi32>
    %swap3A_35 = arith.constant 0 : i32
    %swap3A_36 = arith.constant 0 : i32
    %swap3A_37 = tpu.memref_slice %arg6[%swap3A_35, %swap3A_36] : memref<75x64xi32, #tpu.memory_space<vmem>> -> memref<1x64xi32, #tpu.memory_space<vmem>>
    %swap3A_38 = tpu.memref_squeeze %swap3A_37 : memref<1x64xi32, #tpu.memory_space<vmem>> -> memref<64xi32, #tpu.memory_space<vmem>>
    %swap3A_39 = arith.constant 16 : index
    %swap3A_40 = tpu.vector_load %swap3A_38[%swap3A_39] {strides = array<i32>} : memref<64xi32, #tpu.memory_space<vmem>>, vector<16xi32>,
    %swap3A_41 = vector.shape_cast %swap3A_40 : vector<16xi32> to vector<16xi32>
    %swap3A_42 = vector.shape_cast %add3A_34 : vector<16xi32> to vector<16xi32>
    tpu.vector_store %swap3A_38[%swap3A_39], %swap3A_42 {strides = array<i32>} : memref<64xi32, #tpu.memory_space<vmem>>, vector<16xi32>,
    %add3A_43 = arith.constant 32 : i32
    %add3A_44 = arith.addi %add3A_4, %add3A_43 : i32
    %shift_right_arithmetic3A_45 = arith.constant 10 : i32
    %shift_right_arithmetic3A_46 = arith.shrsi %add3A_44, %shift_right_arithmetic3A_45 : i32
    %and3A_47 = arith.constant 1023 : i32
    %and3A_48 = arith.andi %add3A_44, %and3A_47 : i32
    %get3A_49 = arith.index_cast %and3A_48 : i32 to index
    %get3A_50 = tpu.vector_load %arg5[%get3A_49] {strides = array<i32>} : memref<1024xi32, #tpu.memory_space<vmem>>, vector<16xi32>,
    %get3A_51 = vector.shape_cast %get3A_50 : vector<16xi32> to vector<16xi32>
    %mul3A_52 = arith.constant 1000 : i32
    %mul3A_53 = arith.muli %shift_right_arithmetic3A_46, %mul3A_52 : i32
    %add3A_54 = vector.broadcast %mul3A_53 : i32 to vector<16xi32>
    %add3A_55 = arith.addi %get3A_51, %add3A_54 : vector<16xi32>
    %swap3A_56 = arith.constant 0 : i32
    %swap3A_57 = arith.constant 0 : i32
    %swap3A_58 = tpu.memref_slice %arg6[%swap3A_56, %swap3A_57] : memref<75x64xi32, #tpu.memory_space<vmem>> -> memref<1x64xi32, #tpu.memory_space<vmem>>
    %swap3A_59 = tpu.memref_squeeze %swap3A_58 : memref<1x64xi32, #tpu.memory_space<vmem>> -> memref<64xi32, #tpu.memory_space<vmem>>
    %swap3A_60 = arith.constant 32 : index
    %swap3A_61 = tpu.vector_load %swap3A_59[%swap3A_60] {strides = array<i32>} : memref<64xi32, #tpu.memory_space<vmem>>, vector<16xi32>,
    %swap3A_62 = vector.shape_cast %swap3A_61 : vector<16xi32> to vector<16xi32>
    %swap3A_63 = vector.shape_cast %add3A_55 : vector<16xi32> to vector<16xi32>
    tpu.vector_store %swap3A_59[%swap3A_60], %swap3A_63 {strides = array<i32>} : memref<64xi32, #tpu.memory_space<vmem>>, vector<16xi32>,
    %add3A_64 = arith.constant 48 : i32
    %add3A_65 = arith.addi %add3A_4, %add3A_64 : i32
    %shift_right_arithmetic3A_66 = arith.constant 10 : i32
    %shift_right_arithmetic3A_67 = arith.shrsi %add3A_65, %shift_right_arithmetic3A_66 : i32
    %and3A_68 = arith.constant 1023 : i32
    %and3A_69 = arith.andi %add3A_65, %and3A_68 : i32
    %get3A_70 = arith.index_cast %and3A_69 : i32 to index
    %get3A_71 = tpu.vector_load %arg5[%get3A_70] {strides = array<i32>} : memref<1024xi32, #tpu.memory_space<vmem>>, vector<16xi32>,
    %get3A_72 = vector.shape_cast %get3A_71 : vector<16xi32> to vector<16xi32>
    %mul3A_73 = arith.constant 1000 : i32
    %mul3A_74 = arith.muli %shift_right_arithmetic3A_67, %mul3A_73 : i32
    %add3A_75 = vector.broadcast %mul3A_74 : i32 to vector<16xi32>
    %add3A_76 = arith.addi %get3A_72, %add3A_75 : vector<16xi32>
    %swap3A_77 = arith.constant 0 : i32
    %swap3A_78 = arith.constant 0 : i32
    %swap3A_79 = tpu.memref_slice %arg6[%swap3A_77, %swap3A_78] : memref<75x64xi32, #tpu.memory_space<vmem>> -> memref<1x64xi32, #tpu.memory_space<vmem>>
    %swap3A_80 = tpu.memref_squeeze %swap3A_79 : memref<1x64xi32, #tpu.memory_space<vmem>> -> memref<64xi32, #tpu.memory_space<vmem>>
    %swap3A_81 = arith.constant 48 : index
    %swap3A_82 = tpu.vector_load %swap3A_80[%swap3A_81] {strides = array<i32>} : memref<64xi32, #tpu.memory_space<vmem>>, vector<16xi32>,
    %swap3A_83 = vector.shape_cast %swap3A_82 : vector<16xi32> to vector<16xi32>
    %swap3A_84 = vector.shape_cast %add3A_76 : vector<16xi32> to vector<16xi32>
    tpu.vector_store %swap3A_80[%swap3A_81], %swap3A_84 {strides = array<i32>} : memref<64xi32, #tpu.memory_space<vmem>>, vector<16xi32>,
    %add3A_85 = arith.constant 64 : i32
    %add3A_86 = arith.addi %mul3A_2, %add3A_85 : i32
    %add3A_87 = arith.constant 0 : i32
    %add3A_88 = arith.addi %add3A_86, %add3A_87 : i32
    %shift_right_arithmetic3A_89 = arith.constant 10 : i32
    %shift_right_arithmetic3A_90 = arith.shrsi %add3A_88, %shift_right_arithmetic3A_89 : i32
    %and3A_91 = arith.constant 1023 : i32
    %and3A_92 = arith.andi %add3A_88, %and3A_91 : i32
    %get3A_93 = arith.index_cast %and3A_92 : i32 to index
    %get3A_94 = tpu.vector_load %arg5[%get3A_93] {strides = array<i32>} : memref<1024xi32, #tpu.memory_space<vmem>>, vector<16xi32>,
    %get3A_95 = vector.shape_cast %get3A_94 : vector<16xi32> to vector<16xi32>
    %mul3A_96 = arith.constant 1000 : i32
    %mul3A_97 = arith.muli %shift_right_arithmetic3A_90, %mul3A_96 : i32
    %add3A_98 = vector.broadcast %mul3A_97 : i32 to vector<16xi32>
    %add3A_99 = arith.addi %get3A_95, %add3A_98 : vector<16xi32>
    %swap3A_100 = arith.constant 1 : i32
    %swap3A_101 = arith.constant 0 : i32
    %swap3A_102 = tpu.memref_slice %arg6[%swap3A_100, %swap3A_101] : memref<75x64xi32, #tpu.memory_space<vmem>> -> memref<1x64xi32, #tpu.memory_space<vmem>>
    %swap3A_103 = tpu.memref_squeeze %swap3A_102 : memref<1x64xi32, #tpu.memory_space<vmem>> -> memref<64xi32, #tpu.memory_space<vmem>>
    %swap3A_104 = arith.constant 0 : index
    %swap3A_105 = tpu.vector_load %swap3A_103[%swap3A_104] {strides = array<i32>} : memref<64xi32, #tpu.memory_space<vmem>>, vector<16xi32>,
    %swap3A_106 = vector.shape_cast %swap3A_105 : vector<16xi32> to vector<16xi32>
    %swap3A_107 = vector.shape_cast %add3A_99 : vector<16xi32> to vector<16xi32>
    tpu.vector_store %swap3A_103[%swap3A_104], %swap3A_107 {strides = array<i32>} : memref<64xi32, #tpu.memory_space<vmem>>, vector<16xi32>,
    %add3A_108 = arith.constant 16 : i32
    %add3A_109 = arith.addi %add3A_86, %add3A_108 : i32
    %shift_right_arithmetic3A_110 = arith.constant 10 : i32
    %shift_right_arithmetic3A_111 = arith.shrsi %add3A_109, %shift_right_arithmetic3A_110 : i32
    %and3A_112 = arith.constant 1023 : i32
    %and3A_113 = arith.andi %add3A_109, %and3A_112 : i32
    %get3A_114 = arith.index_cast %and3A_113 : i32 to index
    %get3A_115 = tpu.vector_load %arg5[%get3A_114] {strides = array<i32>} : memref<1024xi32, #tpu.memory_space<vmem>>, vector<16xi32>,
    %get3A_116 = vector.shape_cast %get3A_115 : vector<16xi32> to vector<16xi32>
    %mul3A_117 = arith.constant 1000 : i32
    %mul3A_118 = arith.muli %shift_right_arithmetic3A_111, %mul3A_117 : i32
    %add3A_119 = vector.broadcast %mul3A_118 : i32 to vector<16xi32>
    %add3A_120 = arith.addi %get3A_116, %add3A_119 : vector<16xi32>
    %swap3A_121 = arith.constant 1 : i32
    %swap3A_122 = arith.constant 0 : i32
    %swap3A_123 = tpu.memref_slice %arg6[%swap3A_121, %swap3A_122] : memref<75x64xi32, #tpu.memory_space<vmem>> -> memref<1x64xi32, #tpu.memory_space<vmem>>
    %swap3A_124 = tpu.memref_squeeze %swap3A_123 : memref<1x64xi32, #tpu.memory_space<vmem>> -> memref<64xi32, #tpu.memory_space<vmem>>
    %swap3A_125 = arith.constant 16 : index
    %swap3A_126 = tpu.vector_load %swap3A_124[%swap3A_125] {strides = array<i32>} : memref<64xi32, #tpu.memory_space<vmem>>, vector<16xi32>,
    %swap3A_127 = vector.shape_cast %swap3A_126 : vector<16xi32> to vector<16xi32>
    %swap3A_128 = vector.shape_cast %add3A_120 : vector<16xi32> to vector<16xi32>
    tpu.vector_store %swap3A_124[%swap3A_125], %swap3A_128 {strides = array<i32>} : memref<64xi32, #tpu.memory_space<vmem>>, vector<16xi32>,
    %add3A_129 = arith.constant 32 : i32
    %add3A_130 = arith.addi %add3A_86, %add3A_129 : i32
    %shift_right_arithmetic3A_131 = arith.constant 10 : i32
    %shift_right_arithmetic3A_132 = arith.shrsi %add3A_130, %shift_right_arithmetic3A_131 : i32
    %and3A_133 = arith.constant 1023 : i32
    %and3A_134 = arith.andi %add3A_130, %and3A_133 : i32
    %get3A_135 = arith.index_cast %and3A_134 : i32 to index
    %get3A_136 = tpu.vector_load %arg5[%get3A_135] {strides = array<i32>} : memref<1024xi32, #tpu.memory_space<vmem>>, vector<16xi32>,
    %get3A_137 = vector.shape_cast %get3A_136 : vector<16xi32> to vector<16xi32>
    %mul3A_138 = arith.constant 1000 : i32
    %mul3A_139 = arith.muli %shift_right_arithmetic3A_132, %mul3A_138 : i32
    %add3A_140 = vector.broadcast %mul3A_139 : i32 to vector<16xi32>
    %add3A_141 = arith.addi %get3A_137, %add3A_140 : vector<16xi32>
    %swap3A_142 = arith.constant 1 : i32
    %swap3A_143 = arith.constant 0 : i32
    %swap3A_144 = tpu.memref_slice %arg6[%swap3A_142, %swap3A_143] : memref<75x64xi32, #tpu.memory_space<vmem>> -> memref<1x64xi32, #tpu.memory_space<vmem>>
    %swap3A_145 = tpu.memref_squeeze %swap3A_144 : memref<1x64xi32, #tpu.memory_space<vmem>> -> memref<64xi32, #tpu.memory_space<vmem>>
    %swap3A_146 = arith.constant 32 : index
    %swap3A_147 = tpu.vector_load %swap3A_145[%swap3A_146] {strides = array<i32>} : memref<64xi32, #tpu.memory_space<vmem>>, vector<16xi32>,
    %swap3A_148 = vector.shape_cast %swap3A_147 : vector<16xi32> to vector<16xi32>
    %swap3A_149 = vector.shape_cast %add3A_141 : vector<16xi32> to vector<16xi32>
    tpu.vector_store %swap3A_145[%swap3A_146], %swap3A_149 {strides = array<i32>} : memref<64xi32, #tpu.memory_space<vmem>>, vector<16xi32>,
    %add3A_150 = arith.constant 48 : i32
    %add3A_151 = arith.addi %add3A_86, %add3A_150 : i32
    %shift_right_arithmetic3A_152 = arith.constant 10 : i32
    %shift_right_arithmetic3A_153 = arith.shrsi %add3A_151, %shift_right_arithmetic3A_152 : i32
    %and3A_154 = arith.constant 1023 : i32
    %and3A_155 = arith.andi %add3A_151, %and3A_154 : i32
    %get3A_156 = arith.index_cast %and3A_155 : i32 to index
    %get3A_157 = tpu.vector_load %arg5[%get3A_156] {strides = array<i32>} : memref<1024xi32, #tpu.memory_space<vmem>>, vector<16xi32>,
    %get3A_158 = vector.shape_cast %get3A_157 : vector<16xi32> to vector<16xi32>
    %mul3A_159 = arith.constant 1000 : i32
    %mul3A_160 = arith.muli %shift_right_arithmetic3A_153, %mul3A_159 : i32
    %add3A_161 = vector.broadcast %mul3A_160 : i32 to vector<16xi32>
    %add3A_162 = arith.addi %get3A_158, %add3A_161 : vector<16xi32>
    %swap3A_163 = arith.constant 1 : i32
    %swap3A_164 = arith.constant 0 : i32
    %swap3A_165 = tpu.memref_slice %arg6[%swap3A_163, %swap3A_164] : memref<75x64xi32, #tpu.memory_space<vmem>> -> memref<1x64xi32, #tpu.memory_space<vmem>>
    %swap3A_166 = tpu.memref_squeeze %swap3A_165 : memref<1x64xi32, #tpu.memory_space<vmem>> -> memref<64xi32, #tpu.memory_space<vmem>>
    %swap3A_167 = arith.constant 48 : index
    %swap3A_168 = tpu.vector_load %swap3A_166[%swap3A_167] {strides = array<i32>} : memref<64xi32, #tpu.memory_space<vmem>>, vector<16xi32>,
    %swap3A_169 = vector.shape_cast %swap3A_168 : vector<16xi32> to vector<16xi32>
    %swap3A_170 = vector.shape_cast %add3A_162 : vector<16xi32> to vector<16xi32>
    tpu.vector_store %swap3A_166[%swap3A_167], %swap3A_170 {strides = array<i32>} : memref<64xi32, #tpu.memory_space<vmem>>, vector<16xi32>,
    %add3A_171 = arith.constant 128 : i32
    %add3A_172 = arith.addi %mul3A_2, %add3A_171 : i32
    %add3A_173 = arith.constant 0 : i32
    %add3A_174 = arith.addi %add3A_172, %add3A_173 : i32
    %shift_right_arithmetic3A_175 = arith.constant 10 : i32
    %shift_right_arithmetic3A_176 = arith.shrsi %add3A_174, %shift_right_arithmetic3A_175 : i32
    %and3A_177 = arith.constant 1023 : i32
    %and3A_178 = arith.andi %add3A_174, %and3A_177 : i32
    %get3A_179 = arith.index_cast %and3A_178 : i32 to index
    %get3A_180 = tpu.vector_load %arg5[%get3A_179] {strides = array<i32>} : memref<1024xi32, #tpu.memory_space<vmem>>, vector<16xi32>,
    %get3A_181 = vector.shape_cast %get3A_180 : vector<16xi32> to vector<16xi32>
    %mul3A_182 = arith.constant 1000 : i32
    %mul3A_183 = arith.muli %shift_right_arithmetic3A_176, %mul3A_182 : i32
    %add3A_184 = vector.broadcast %mul3A_183 : i32 to vector<16xi32>
    %add3A_185 = arith.addi %get3A_181, %add3A_184 : vector<16xi32>
    %swap3A_186 = arith.constant 2 : i32
    %swap3A_187 = arith.constant 0 : i32
    %swap3A_188 = tpu.memref_slice %arg6[%swap3A_186, %swap3A_187] : memref<75x64xi32, #tpu.memory_space<vmem>> -> memref<1x64xi32, #tpu.memory_space<vmem>>
    %swap3A_189 = tpu.memref_squeeze %swap3A_188 : memref<1x64xi32, #tpu.memory_space<vmem>> -> memref<64xi32, #tpu.memory_space<vmem>>
    %swap3A_190 = arith.constant 0 : index
    %swap3A_191 = tpu.vector_load %swap3A_189[%swap3A_190] {strides = array<i32>} : memref<64xi32, #tpu.memory_space<vmem>>, vector<16xi32>,
    %swap3A_192 = vector.shape_cast %swap3A_191 : vector<16xi32> to vector<16xi32>
    %swap3A_193 = vector.shape_cast %add3A_185 : vector<16xi32> to vector<16xi32>
    tpu.vector_store %swap3A_189[%swap3A_190], %swap3A_193 {strides = array<i32>} : memref<64xi32, #tpu.memory_space<vmem>>, vector<16xi32>,
    %add3A_194 = arith.constant 16 : i32
    %add3A_195 = arith.addi %add3A_172, %add3A_194 : i32
    %shift_right_arithmetic3A_196 = arith.constant 10 : i32
    %shift_right_arithmetic3A_197 = arith.shrsi %add3A_195, %shift_right_arithmetic3A_196 : i32
    %and3A_198 = arith.constant 1023 : i32
    %and3A_199 = arith.andi %add3A_195, %and3A_198 : i32
    %get3A_200 = arith.index_cast %and3A_199 : i32 to index
    %get3A_201 = tpu.vector_load %arg5[%get3A_200] {strides = array<i32>} : memref<1024xi32, #tpu.memory_space<vmem>>, vector<16xi32>,
    %get3A_202 = vector.shape_cast %get3A_201 : vector<16xi32> to vector<16xi32>
    %mul3A_203 = arith.constant 1000 : i32
    %mul3A_204 = arith.muli %shift_right_arithmetic3A_197, %mul3A_203 : i32
    %add3A_205 = vector.broadcast %mul3A_204 : i32 to vector<16xi32>
    %add3A_206 = arith.addi %get3A_202, %add3A_205 : vector<16xi32>
    %swap3A_207 = arith.constant 2 : i32
    %swap3A_208 = arith.constant 0 : i32
    %swap3A_209 = tpu.memref_slice %arg6[%swap3A_207, %swap3A_208] : memref<75x64xi32, #tpu.memory_space<vmem>> -> memref<1x64xi32, #tpu.memory_space<vmem>>
    %swap3A_210 = tpu.memref_squeeze %swap3A_209 : memref<1x64xi32, #tpu.memory_space<vmem>> -> memref<64xi32, #tpu.memory_space<vmem>>
    %swap3A_211 = arith.constant 16 : index
    %swap3A_212 = tpu.vector_load %swap3A_210[%swap3A_211] {strides = array<i32>} : memref<64xi32, #tpu.memory_space<vmem>>, vector<16xi32>,
    %swap3A_213 = vector.shape_cast %swap3A_212 : vector<16xi32> to vector<16xi32>
    %swap3A_214 = vector.shape_cast %add3A_206 : vector<16xi32> to vector<16xi32>
    tpu.vector_store %swap3A_210[%swap3A_211], %swap3A_214 {strides = array<i32>} : memref<64xi32, #tpu.memory_space<vmem>>, vector<16xi32>,
    %add3A_215 = arith.constant 32 : i32
    %add3A_216 = arith.addi %add3A_172, %add3A_215 : i32
    %shift_right_arithmetic3A_217 = arith.constant 10 : i32
    %shift_right_arithmetic3A_218 = arith.shrsi %add3A_216, %shift_right_arithmetic3A_217 : i32
    %and3A_219 = arith.constant 1023 : i32
    %and3A_220 = arith.andi %add3A_216, %and3A_219 : i32
    %get3A_221 = arith.index_cast %and3A_220 : i32 to index
    %get3A_222 = tpu.vector_load %arg5[%get3A_221] {strides = array<i32>} : memref<1024xi32, #tpu.memory_space<vmem>>, vector<16xi32>,
    %get3A_223 = vector.shape_cast %get3A_222 : vector<16xi32> to vector<16xi32>
    %mul3A_224 = arith.constant 1000 : i32
    %mul3A_225 = arith.muli %shift_right_arithmetic3A_218, %mul3A_224 : i32
    %add3A_226 = vector.broadcast %mul3A_225 : i32 to vector<16xi32>
    %add3A_227 = arith.addi %get3A_223, %add3A_226 : vector<16xi32>
    %swap3A_228 = arith.constant 2 : i32
    %swap3A_229 = arith.constant 0 : i32
    %swap3A_230 = tpu.memref_slice %arg6[%swap3A_228, %swap3A_229] : memref<75x64xi32, #tpu.memory_space<vmem>> -> memref<1x64xi32, #tpu.memory_space<vmem>>
    %swap3A_231 = tpu.memref_squeeze %swap3A_230 : memref<1x64xi32, #tpu.memory_space<vmem>> -> memref<64xi32, #tpu.memory_space<vmem>>
    %swap3A_232 = arith.constant 32 : index
    %swap3A_233 = tpu.vector_load %swap3A_231[%swap3A_232] {strides = array<i32>} : memref<64xi32, #tpu.memory_space<vmem>>, vector<16xi32>,
    %swap3A_234 = vector.shape_cast %swap3A_233 : vector<16xi32> to vector<16xi32>
    %swap3A_235 = vector.shape_cast %add3A_227 : vector<16xi32> to vector<16xi32>
    tpu.vector_store %swap3A_231[%swap3A_232], %swap3A_235 {strides = array<i32>} : memref<64xi32, #tpu.memory_space<vmem>>, vector<16xi32>,
    %add3A_236 = arith.constant 48 : i32
    %add3A_237 = arith.addi %add3A_172, %add3A_236 : i32
    %shift_right_arithmetic3A_238 = arith.constant 10 : i32
    %shift_right_arithmetic3A_239 = arith.shrsi %add3A_237, %shift_right_arithmetic3A_238 : i32
    %and3A_240 = arith.constant 1023 : i32
    %and3A_241 = arith.andi %add3A_237, %and3A_240 : i32
    %get3A_242 = arith.index_cast %and3A_241 : i32 to index
    %get3A_243 = tpu.vector_load %arg5[%get3A_242] {strides = array<i32>} : memref<1024xi32, #tpu.memory_space<vmem>>, vector<16xi32>,
    %get3A_244 = vector.shape_cast %get3A_243 : vector<16xi32> to vector<16xi32>
    %mul3A_245 = arith.constant 1000 : i32
    %mul3A_246 = arith.muli %shift_right_arithmetic3A_239, %mul3A_245 : i32
    %add3A_247 = vector.broadcast %mul3A_246 : i32 to vector<16xi32>
    %add3A_248 = arith.addi %get3A_244, %add3A_247 : vector<16xi32>
    %swap3A_249 = arith.constant 2 : i32
    %swap3A_250 = arith.constant 0 : i32
    %swap3A_251 = tpu.memref_slice %arg6[%swap3A_249, %swap3A_250] : memref<75x64xi32, #tpu.memory_space<vmem>> -> memref<1x64xi32, #tpu.memory_space<vmem>>
    %swap3A_252 = tpu.memref_squeeze %swap3A_251 : memref<1x64xi32, #tpu.memory_space<vmem>> -> memref<64xi32, #tpu.memory_space<vmem>>
    %swap3A_253 = arith.constant 48 : index
    %swap3A_254 = tpu.vector_load %swap3A_252[%swap3A_253] {strides = array<i32>} : memref<64xi32, #tpu.memory_space<vmem>>, vector<16xi32>,
    %swap3A_255 = vector.shape_cast %swap3A_254 : vector<16xi32> to vector<16xi32>
    %swap3A_256 = vector.shape_cast %add3A_248 : vector<16xi32> to vector<16xi32>
    tpu.vector_store %swap3A_252[%swap3A_253], %swap3A_256 {strides = array<i32>} : memref<64xi32, #tpu.memory_space<vmem>>, vector<16xi32>,
    %add3A_257 = arith.constant 192 : i32
    %add3A_258 = arith.addi %mul3A_2, %add3A_257 : i32
    %add3A_259 = arith.constant 0 : i32
    %add3A_260 = arith.addi %add3A_258, %add3A_259 : i32
    %shift_right_arithmetic3A_261 = arith.constant 10 : i32
    %shift_right_arithmetic3A_262 = arith.shrsi %add3A_260, %shift_right_arithmetic3A_261 : i32
    %and3A_263 = arith.constant 1023 : i32
    %and3A_264 = arith.andi %add3A_260, %and3A_263 : i32
    %get3A_265 = arith.index_cast %and3A_264 : i32 to index
    %get3A_266 = tpu.vector_load %arg5[%get3A_265] {strides = array<i32>} : memref<1024xi32, #tpu.memory_space<vmem>>, vector<16xi32>,
    %get3A_267 = vector.shape_cast %get3A_266 : vector<16xi32> to vector<16xi32>
    %mul3A_268 = arith.constant 1000 : i32
    %mul3A_269 = arith.muli %shift_right_arithmetic3A_262, %mul3A_268 : i32
    %add3A_270 = vector.broadcast %mul3A_269 : i32 to vector<16xi32>
    %add3A_271 = arith.addi %get3A_267, %add3A_270 : vector<16xi32>
    %swap3A_272 = arith.constant 3 : i32
    %swap3A_273 = arith.constant 0 : i32
    %swap3A_274 = tpu.memref_slice %arg6[%swap3A_272, %swap3A_273] : memref<75x64xi32, #tpu.memory_space<vmem>> -> memref<1x64xi32, #tpu.memory_space<vmem>>
    %swap3A_275 = tpu.memref_squeeze %swap3A_274 : memref<1x64xi32, #tpu.memory_space<vmem>> -> memref<64xi32, #tpu.memory_space<vmem>>
    %swap3A_276 = arith.constant 0 : index
    %swap3A_277 = tpu.vector_load %swap3A_275[%swap3A_276] {strides = array<i32>} : memref<64xi32, #tpu.memory_space<vmem>>, vector<16xi32>,
    %swap3A_278 = vector.shape_cast %swap3A_277 : vector<16xi32> to vector<16xi32>
    %swap3A_279 = vector.shape_cast %add3A_271 : vector<16xi32> to vector<16xi32>
    tpu.vector_store %swap3A_275[%swap3A_276], %swap3A_279 {strides = array<i32>} : memref<64xi32, #tpu.memory_space<vmem>>, vector<16xi32>,
    %add3A_280 = arith.constant 16 : i32
    %add3A_281 = arith.addi %add3A_258, %add3A_280 : i32
    %shift_right_arithmetic3A_282 = arith.constant 10 : i32
    %shift_right_arithmetic3A_283 = arith.shrsi %add3A_281, %shift_right_arithmetic3A_282 : i32
    %and3A_284 = arith.constant 1023 : i32
    %and3A_285 = arith.andi %add3A_281, %and3A_284 : i32
    %get3A_286 = arith.index_cast %and3A_285 : i32 to index
    %get3A_287 = tpu.vector_load %arg5[%get3A_286] {strides = array<i32>} : memref<1024xi32, #tpu.memory_space<vmem>>, vector<16xi32>,
    %get3A_288 = vector.shape_cast %get3A_287 : vector<16xi32> to vector<16xi32>
    %mul3A_289 = arith.constant 1000 : i32
    %mul3A_290 = arith.muli %shift_right_arithmetic3A_283, %mul3A_289 : i32
    %add3A_291 = vector.broadcast %mul3A_290 : i32 to vector<16xi32>
    %add3A_292 = arith.addi %get3A_288, %add3A_291 : vector<16xi32>
    %swap3A_293 = arith.constant 3 : i32
    %swap3A_294 = arith.constant 0 : i32
    %swap3A_295 = tpu.memref_slice %arg6[%swap3A_293, %swap3A_294] : memref<75x64xi32, #tpu.memory_space<vmem>> -> memref<1x64xi32, #tpu.memory_space<vmem>>
    %swap3A_296 = tpu.memref_squeeze %swap3A_295 : memref<1x64xi32, #tpu.memory_space<vmem>> -> memref<64xi32, #tpu.memory_space<vmem>>
    %swap3A_297 = arith.constant 16 : index
    %swap3A_298 = tpu.vector_load %swap3A_296[%swap3A_297] {strides = array<i32>} : memref<64xi32, #tpu.memory_space<vmem>>, vector<16xi32>,
    %swap3A_299 = vector.shape_cast %swap3A_298 : vector<16xi32> to vector<16xi32>
    %swap3A_300 = vector.shape_cast %add3A_292 : vector<16xi32> to vector<16xi32>
    tpu.vector_store %swap3A_296[%swap3A_297], %swap3A_300 {strides = array<i32>} : memref<64xi32, #tpu.memory_space<vmem>>, vector<16xi32>,
    %add3A_301 = arith.constant 32 : i32
    %add3A_302 = arith.addi %add3A_258, %add3A_301 : i32
    %shift_right_arithmetic3A_303 = arith.constant 10 : i32
    %shift_right_arithmetic3A_304 = arith.shrsi %add3A_302, %shift_right_arithmetic3A_303 : i32
    %and3A_305 = arith.constant 1023 : i32
    %and3A_306 = arith.andi %add3A_302, %and3A_305 : i32
    %get3A_307 = arith.index_cast %and3A_306 : i32 to index
    %get3A_308 = tpu.vector_load %arg5[%get3A_307] {strides = array<i32>} : memref<1024xi32, #tpu.memory_space<vmem>>, vector<16xi32>,
    %get3A_309 = vector.shape_cast %get3A_308 : vector<16xi32> to vector<16xi32>
    %mul3A_310 = arith.constant 1000 : i32
    %mul3A_311 = arith.muli %shift_right_arithmetic3A_304, %mul3A_310 : i32
    %add3A_312 = vector.broadcast %mul3A_311 : i32 to vector<16xi32>
    %add3A_313 = arith.addi %get3A_309, %add3A_312 : vector<16xi32>
    %swap3A_314 = arith.constant 3 : i32
    %swap3A_315 = arith.constant 0 : i32
    %swap3A_316 = tpu.memref_slice %arg6[%swap3A_314, %swap3A_315] : memref<75x64xi32, #tpu.memory_space<vmem>> -> memref<1x64xi32, #tpu.memory_space<vmem>>
    %swap3A_317 = tpu.memref_squeeze %swap3A_316 : memref<1x64xi32, #tpu.memory_space<vmem>> -> memref<64xi32, #tpu.memory_space<vmem>>
    %swap3A_318 = arith.constant 32 : index
    %swap3A_319 = tpu.vector_load %swap3A_317[%swap3A_318] {strides = array<i32>} : memref<64xi32, #tpu.memory_space<vmem>>, vector<16xi32>,
    %swap3A_320 = vector.shape_cast %swap3A_319 : vector<16xi32> to vector<16xi32>
    %swap3A_321 = vector.shape_cast %add3A_313 : vector<16xi32> to vector<16xi32>
    tpu.vector_store %swap3A_317[%swap3A_318], %swap3A_321 {strides = array<i32>} : memref<64xi32, #tpu.memory_space<vmem>>, vector<16xi32>,
    %add3A_322 = arith.constant 48 : i32
    %add3A_323 = arith.addi %add3A_258, %add3A_322 : i32
    %shift_right_arithmetic3A_324 = arith.constant 10 : i32
    %shift_right_arithmetic3A_325 = arith.shrsi %add3A_323, %shift_right_arithmetic3A_324 : i32
    %and3A_326 = arith.constant 1023 : i32
    %and3A_327 = arith.andi %add3A_323, %and3A_326 : i32
    %get3A_328 = arith.index_cast %and3A_327 : i32 to index
    %get3A_329 = tpu.vector_load %arg5[%get3A_328] {strides = array<i32>} : memref<1024xi32, #tpu.memory_space<vmem>>, vector<16xi32>,
    %get3A_330 = vector.shape_cast %get3A_329 : vector<16xi32> to vector<16xi32>
    %mul3A_331 = arith.constant 1000 : i32
    %mul3A_332 = arith.muli %shift_right_arithmetic3A_325, %mul3A_331 : i32
    %add3A_333 = vector.broadcast %mul3A_332 : i32 to vector<16xi32>
    %add3A_334 = arith.addi %get3A_330, %add3A_333 : vector<16xi32>
    %swap3A_335 = arith.constant 3 : i32
    %swap3A_336 = arith.constant 0 : i32
    %swap3A_337 = tpu.memref_slice %arg6[%swap3A_335, %swap3A_336] : memref<75x64xi32, #tpu.memory_space<vmem>> -> memref<1x64xi32, #tpu.memory_space<vmem>>
    %swap3A_338 = tpu.memref_squeeze %swap3A_337 : memref<1x64xi32, #tpu.memory_space<vmem>> -> memref<64xi32, #tpu.memory_space<vmem>>
    %swap3A_339 = arith.constant 48 : index
    %swap3A_340 = tpu.vector_load %swap3A_338[%swap3A_339] {strides = array<i32>} : memref<64xi32, #tpu.memory_space<vmem>>, vector<16xi32>,
    %swap3A_341 = vector.shape_cast %swap3A_340 : vector<16xi32> to vector<16xi32>
    %swap3A_342 = vector.shape_cast %add3A_334 : vector<16xi32> to vector<16xi32>
    tpu.vector_store %swap3A_338[%swap3A_339], %swap3A_342 {strides = array<i32>} : memref<64xi32, #tpu.memory_space<vmem>>, vector<16xi32>,
    %add3A_343 = arith.constant 256 : i32
    %add3A_344 = arith.addi %mul3A_2, %add3A_343 : i32
    %add3A_345 = arith.constant 0 : i32
    %add3A_346 = arith.addi %add3A_344, %add3A_345 : i32
    %shift_right_arithmetic3A_347 = arith.constant 10 : i32
    %shift_right_arithmetic3A_348 = arith.shrsi %add3A_346, %shift_right_arithmetic3A_347 : i32
    %and3A_349 = arith.constant 1023 : i32
    %and3A_350 = arith.andi %add3A_346, %and3A_349 : i32
    %get3A_351 = arith.index_cast %and3A_350 : i32 to index
    %get3A_352 = tpu.vector_load %arg5[%get3A_351] {strides = array<i32>} : memref<1024xi32, #tpu.memory_space<vmem>>, vector<16xi32>,
    %get3A_353 = vector.shape_cast %get3A_352 : vector<16xi32> to vector<16xi32>
    %mul3A_354 = arith.constant 1000 : i32
    %mul3A_355 = arith.muli %shift_right_arithmetic3A_348, %mul3A_354 : i32
    %add3A_356 = vector.broadcast %mul3A_355 : i32 to vector<16xi32>
    %add3A_357 = arith.addi %get3A_353, %add3A_356 : vector<16xi32>
    %swap3A_358 = arith.constant 4 : i32
    %swap3A_359 = arith.constant 0 : i32
    %swap3A_360 = tpu.memref_slice %arg6[%swap3A_358, %swap3A_359] : memref<75x64xi32, #tpu.memory_space<vmem>> -> memref<1x64xi32, #tpu.memory_space<vmem>>
    %swap3A_361 = tpu.memref_squeeze %swap3A_360 : memref<1x64xi32, #tpu.memory_space<vmem>> -> memref<64xi32, #tpu.memory_space<vmem>>
    %swap3A_362 = arith.constant 0 : index
    %swap3A_363 = tpu.vector_load %swap3A_361[%swap3A_362] {strides = array<i32>} : memref<64xi32, #tpu.memory_space<vmem>>, vector<16xi32>,
    %swap3A_364 = vector.shape_cast %swap3A_363 : vector<16xi32> to vector<16xi32>
    %swap3A_365 = vector.shape_cast %add3A_357 : vector<16xi32> to vector<16xi32>
    tpu.vector_store %swap3A_361[%swap3A_362], %swap3A_365 {strides = array<i32>} : memref<64xi32, #tpu.memory_space<vmem>>, vector<16xi32>,
    %add3A_366 = arith.constant 16 : i32
    %add3A_367 = arith.addi %add3A_344, %add3A_366 : i32
    %shift_right_arithmetic3A_368 = arith.constant 10 : i32
    %shift_right_arithmetic3A_369 = arith.shrsi %add3A_367, %shift_right_arithmetic3A_368 : i32
    %and3A_370 = arith.constant 1023 : i32
    %and3A_371 = arith.andi %add3A_367, %and3A_370 : i32
    %get3A_372 = arith.index_cast %and3A_371 : i32 to index
    %get3A_373 = tpu.vector_load %arg5[%get3A_372] {strides = array<i32>} : memref<1024xi32, #tpu.memory_space<vmem>>, vector<16xi32>,
    %get3A_374 = vector.shape_cast %get3A_373 : vector<16xi32> to vector<16xi32>
    %mul3A_375 = arith.constant 1000 : i32
    %mul3A_376 = arith.muli %shift_right_arithmetic3A_369, %mul3A_375 : i32
    %add3A_377 = vector.broadcast %mul3A_376 : i32 to vector<16xi32>
    %add3A_378 = arith.addi %get3A_374, %add3A_377 : vector<16xi32>
    %swap3A_379 = arith.constant 4 : i32
    %swap3A_380 = arith.constant 0 : i32
    %swap3A_381 = tpu.memref_slice %arg6[%swap3A_379, %swap3A_380] : memref<75x64xi32, #tpu.memory_space<vmem>> -> memref<1x64xi32, #tpu.memory_space<vmem>>
    %swap3A_382 = tpu.memref_squeeze %swap3A_381 : memref<1x64xi32, #tpu.memory_space<vmem>> -> memref<64xi32, #tpu.memory_space<vmem>>
    %swap3A_383 = arith.constant 16 : index
    %swap3A_384 = tpu.vector_load %swap3A_382[%swap3A_383] {strides = array<i32>} : memref<64xi32, #tpu.memory_space<vmem>>, vector<16xi32>,
    %swap3A_385 = vector.shape_cast %swap3A_384 : vector<16xi32> to vector<16xi32>
    %swap3A_386 = vector.shape_cast %add3A_378 : vector<16xi32> to vector<16xi32>
    tpu.vector_store %swap3A_382[%swap3A_383], %swap3A_386 {strides = array<i32>} : memref<64xi32, #tpu.memory_space<vmem>>, vector<16xi32>,
    %add3A_387 = arith.constant 32 : i32
    %add3A_388 = arith.addi %add3A_344, %add3A_387 : i32
    %shift_right_arithmetic3A_389 = arith.constant 10 : i32
    %shift_right_arithmetic3A_390 = arith.shrsi %add3A_388, %shift_right_arithmetic3A_389 : i32
    %and3A_391 = arith.constant 1023 : i32
    %and3A_392 = arith.andi %add3A_388, %and3A_391 : i32
    %get3A_393 = arith.index_cast %and3A_392 : i32 to index
    %get3A_394 = tpu.vector_load %arg5[%get3A_393] {strides = array<i32>} : memref<1024xi32, #tpu.memory_space<vmem>>, vector<16xi32>,
    %get3A_395 = vector.shape_cast %get3A_394 : vector<16xi32> to vector<16xi32>
    %mul3A_396 = arith.constant 1000 : i32
    %mul3A_397 = arith.muli %shift_right_arithmetic3A_390, %mul3A_396 : i32
    %add3A_398 = vector.broadcast %mul3A_397 : i32 to vector<16xi32>
    %add3A_399 = arith.addi %get3A_395, %add3A_398 : vector<16xi32>
    %swap3A_400 = arith.constant 4 : i32
    %swap3A_401 = arith.constant 0 : i32
    %swap3A_402 = tpu.memref_slice %arg6[%swap3A_400, %swap3A_401] : memref<75x64xi32, #tpu.memory_space<vmem>> -> memref<1x64xi32, #tpu.memory_space<vmem>>
    %swap3A_403 = tpu.memref_squeeze %swap3A_402 : memref<1x64xi32, #tpu.memory_space<vmem>> -> memref<64xi32, #tpu.memory_space<vmem>>
    %swap3A_404 = arith.constant 32 : index
    %swap3A_405 = tpu.vector_load %swap3A_403[%swap3A_404] {strides = array<i32>} : memref<64xi32, #tpu.memory_space<vmem>>, vector<16xi32>,
    %swap3A_406 = vector.shape_cast %swap3A_405 : vector<16xi32> to vector<16xi32>
    %swap3A_407 = vector.shape_cast %add3A_399 : vector<16xi32> to vector<16xi32>
    tpu.vector_store %swap3A_403[%swap3A_404], %swap3A_407 {strides = array<i32>} : memref<64xi32, #tpu.memory_space<vmem>>, vector<16xi32>,
    %add3A_408 = arith.constant 48 : i32
    %add3A_409 = arith.addi %add3A_344, %add3A_408 : i32
    %shift_right_arithmetic3A_410 = arith.constant 10 : i32
    %shift_right_arithmetic3A_411 = arith.shrsi %add3A_409, %shift_right_arithmetic3A_410 : i32
    %and3A_412 = arith.constant 1023 : i32
    %and3A_413 = arith.andi %add3A_409, %and3A_412 : i32
    %get3A_414 = arith.index_cast %and3A_413 : i32 to index
    %get3A_415 = tpu.vector_load %arg5[%get3A_414] {strides = array<i32>} : memref<1024xi32, #tpu.memory_space<vmem>>, vector<16xi32>,
    %get3A_416 = vector.shape_cast %get3A_415 : vector<16xi32> to vector<16xi32>
    %mul3A_417 = arith.constant 1000 : i32
    %mul3A_418 = arith.muli %shift_right_arithmetic3A_411, %mul3A_417 : i32
    %add3A_419 = vector.broadcast %mul3A_418 : i32 to vector<16xi32>
    %add3A_420 = arith.addi %get3A_416, %add3A_419 : vector<16xi32>
    %swap3A_421 = arith.constant 4 : i32
    %swap3A_422 = arith.constant 0 : i32
    %swap3A_423 = tpu.memref_slice %arg6[%swap3A_421, %swap3A_422] : memref<75x64xi32, #tpu.memory_space<vmem>> -> memref<1x64xi32, #tpu.memory_space<vmem>>
    %swap3A_424 = tpu.memref_squeeze %swap3A_423 : memref<1x64xi32, #tpu.memory_space<vmem>> -> memref<64xi32, #tpu.memory_space<vmem>>
    %swap3A_425 = arith.constant 48 : index
    %swap3A_426 = tpu.vector_load %swap3A_424[%swap3A_425] {strides = array<i32>} : memref<64xi32, #tpu.memory_space<vmem>>, vector<16xi32>,
    %swap3A_427 = vector.shape_cast %swap3A_426 : vector<16xi32> to vector<16xi32>
    %swap3A_428 = vector.shape_cast %add3A_420 : vector<16xi32> to vector<16xi32>
    tpu.vector_store %swap3A_424[%swap3A_425], %swap3A_428 {strides = array<i32>} : memref<64xi32, #tpu.memory_space<vmem>>, vector<16xi32>,
    %dma_start3A = arith.constant 0 : i32
    %dma_start3A_429 = arith.constant 0 : i32
    %dma_start3A_430 = arith.constant 0 : i32
    %dma_start3A_431 = arith.constant 0 : i32
    %dma_start3A_432 = tpu.memref_slice %arg7[%dma_start3A_429, %dma_start3A_430, %dma_start3A_431] : memref<5x64x256xf32, #tpu.memory_space<vmem>> -> memref<1x64x256xf32, #tpu.memory_space<vmem>>
    %dma_start3A_433 = tpu.memref_squeeze %dma_start3A_432 : memref<1x64x256xf32, #tpu.memory_space<vmem>> -> memref<64x256xf32, #tpu.memory_space<vmem>>
    %dma_start3A_434 = arith.constant 0 : i32
    %dma_start3A_435 = tpu.memref_slice %arg6[%dma_start3A, %dma_start3A_434] : memref<75x64xi32, #tpu.memory_space<vmem>> -> memref<1x64xi32, #tpu.memory_space<vmem>>
    %dma_start3A_436 = tpu.memref_squeeze %dma_start3A_435 : memref<1x64xi32, #tpu.memory_space<vmem>> -> memref<64xi32, #tpu.memory_space<vmem>>
    %dma_start3A_437 = tpu.memref_reshape %arg2 : memref<150x1000x256xf32, #tpu.memory_space<hbm>> -> memref<150000x256xf32, #tpu.memory_space<hbm>>
    %dma_start3A_438 = arith.constant 0 : i32
    %dma_start3A_439 = arith.constant 0 : i32
    %dma_start3A_440 = tpu.memref_slice %dma_start3A_437[%dma_start3A_438, %dma_start3A_439] : memref<150000x256xf32, #tpu.memory_space<hbm>> -> memref<150000x256xf32, #tpu.memory_space<hbm>>
    tpu.enqueue_indirect_dma source(%dma_start3A_440 : memref<150000x256xf32, #tpu.memory_space<hbm>>) target(%dma_start3A_433 : memref<64x256xf32, #tpu.memory_space<vmem>>) offsets(%dma_start3A_436 : memref<64xi32, #tpu.memory_space<vmem>>) semaphore(%arg8 : memref<!tpu.dma_semaphore, #tpu.memory_space<semaphore_mem>>)
    %dma_start3A_441 = arith.constant 1 : i32
    %dma_start3A_442 = arith.constant 1 : i32
    %dma_start3A_443 = arith.constant 0 : i32
    %dma_start3A_444 = arith.constant 0 : i32
    %dma_start3A_445 = tpu.memref_slice %arg7[%dma_start3A_442, %dma_start3A_443, %dma_start3A_444] : memref<5x64x256xf32, #tpu.memory_space<vmem>> -> memref<1x64x256xf32, #tpu.memory_space<vmem>>
    %dma_start3A_446 = tpu.memref_squeeze %dma_start3A_445 : memref<1x64x256xf32, #tpu.memory_space<vmem>> -> memref<64x256xf32, #tpu.memory_space<vmem>>
    %dma_start3A_447 = arith.constant 0 : i32
    %dma_start3A_448 = tpu.memref_slice %arg6[%dma_start3A_441, %dma_start3A_447] : memref<75x64xi32, #tpu.memory_space<vmem>> -> memref<1x64xi32, #tpu.memory_space<vmem>>
    %dma_start3A_449 = tpu.memref_squeeze %dma_start3A_448 : memref<1x64xi32, #tpu.memory_space<vmem>> -> memref<64xi32, #tpu.memory_space<vmem>>
    %dma_start3A_450 = tpu.memref_reshape %arg2 : memref<150x1000x256xf32, #tpu.memory_space<hbm>> -> memref<150000x256xf32, #tpu.memory_space<hbm>>
    %dma_start3A_451 = arith.constant 0 : i32
    %dma_start3A_452 = arith.constant 0 : i32
    %dma_start3A_453 = tpu.memref_slice %dma_start3A_450[%dma_start3A_451, %dma_start3A_452] : memref<150000x256xf32, #tpu.memory_space<hbm>> -> memref<150000x256xf32, #tpu.memory_space<hbm>>
    tpu.enqueue_indirect_dma source(%dma_start3A_453 : memref<150000x256xf32, #tpu.memory_space<hbm>>) target(%dma_start3A_446 : memref<64x256xf32, #tpu.memory_space<vmem>>) offsets(%dma_start3A_449 : memref<64xi32, #tpu.memory_space<vmem>>) semaphore(%arg9 : memref<!tpu.dma_semaphore, #tpu.memory_space<semaphore_mem>>)
    %dma_start3A_454 = arith.constant 2 : i32
    %dma_start3A_455 = arith.constant 2 : i32
    %dma_start3A_456 = arith.constant 0 : i32
    %dma_start3A_457 = arith.constant 0 : i32
    %dma_start3A_458 = tpu.memref_slice %arg7[%dma_start3A_455, %dma_start3A_456, %dma_start3A_457] : memref<5x64x256xf32, #tpu.memory_space<vmem>> -> memref<1x64x256xf32, #tpu.memory_space<vmem>>
    %dma_start3A_459 = tpu.memref_squeeze %dma_start3A_458 : memref<1x64x256xf32, #tpu.memory_space<vmem>> -> memref<64x256xf32, #tpu.memory_space<vmem>>
    %dma_start3A_460 = arith.constant 0 : i32
    %dma_start3A_461 = tpu.memref_slice %arg6[%dma_start3A_454, %dma_start3A_460] : memref<75x64xi32, #tpu.memory_space<vmem>> -> memref<1x64xi32, #tpu.memory_space<vmem>>
    %dma_start3A_462 = tpu.memref_squeeze %dma_start3A_461 : memref<1x64xi32, #tpu.memory_space<vmem>> -> memref<64xi32, #tpu.memory_space<vmem>>
    %dma_start3A_463 = tpu.memref_reshape %arg2 : memref<150x1000x256xf32, #tpu.memory_space<hbm>> -> memref<150000x256xf32, #tpu.memory_space<hbm>>
    %dma_start3A_464 = arith.constant 0 : i32
    %dma_start3A_465 = arith.constant 0 : i32
    %dma_start3A_466 = tpu.memref_slice %dma_start3A_463[%dma_start3A_464, %dma_start3A_465] : memref<150000x256xf32, #tpu.memory_space<hbm>> -> memref<150000x256xf32, #tpu.memory_space<hbm>>
    tpu.enqueue_indirect_dma source(%dma_start3A_466 : memref<150000x256xf32, #tpu.memory_space<hbm>>) target(%dma_start3A_459 : memref<64x256xf32, #tpu.memory_space<vmem>>) offsets(%dma_start3A_462 : memref<64xi32, #tpu.memory_space<vmem>>) semaphore(%arg10 : memref<!tpu.dma_semaphore, #tpu.memory_space<semaphore_mem>>)
    %dma_start3A_467 = arith.constant 3 : i32
    %dma_start3A_468 = arith.constant 3 : i32
    %dma_start3A_469 = arith.constant 0 : i32
    %dma_start3A_470 = arith.constant 0 : i32
    %dma_start3A_471 = tpu.memref_slice %arg7[%dma_start3A_468, %dma_start3A_469, %dma_start3A_470] : memref<5x64x256xf32, #tpu.memory_space<vmem>> -> memref<1x64x256xf32, #tpu.memory_space<vmem>>
    %dma_start3A_472 = tpu.memref_squeeze %dma_start3A_471 : memref<1x64x256xf32, #tpu.memory_space<vmem>> -> memref<64x256xf32, #tpu.memory_space<vmem>>
    %dma_start3A_473 = arith.constant 0 : i32
    %dma_start3A_474 = tpu.memref_slice %arg6[%dma_start3A_467, %dma_start3A_473] : memref<75x64xi32, #tpu.memory_space<vmem>> -> memref<1x64xi32, #tpu.memory_space<vmem>>
    %dma_start3A_475 = tpu.memref_squeeze %dma_start3A_474 : memref<1x64xi32, #tpu.memory_space<vmem>> -> memref<64xi32, #tpu.memory_space<vmem>>
    %dma_start3A_476 = tpu.memref_reshape %arg2 : memref<150x1000x256xf32, #tpu.memory_space<hbm>> -> memref<150000x256xf32, #tpu.memory_space<hbm>>
    %dma_start3A_477 = arith.constant 0 : i32
    %dma_start3A_478 = arith.constant 0 : i32
    %dma_start3A_479 = tpu.memref_slice %dma_start3A_476[%dma_start3A_477, %dma_start3A_478] : memref<150000x256xf32, #tpu.memory_space<hbm>> -> memref<150000x256xf32, #tpu.memory_space<hbm>>
    tpu.enqueue_indirect_dma source(%dma_start3A_479 : memref<150000x256xf32, #tpu.memory_space<hbm>>) target(%dma_start3A_472 : memref<64x256xf32, #tpu.memory_space<vmem>>) offsets(%dma_start3A_475 : memref<64xi32, #tpu.memory_space<vmem>>) semaphore(%arg11 : memref<!tpu.dma_semaphore, #tpu.memory_space<semaphore_mem>>)
    %dma_start3A_480 = arith.constant 4 : i32
    %dma_start3A_481 = arith.constant 4 : i32
    %dma_start3A_482 = arith.constant 0 : i32
    %dma_start3A_483 = arith.constant 0 : i32
    %dma_start3A_484 = tpu.memref_slice %arg7[%dma_start3A_481, %dma_start3A_482, %dma_start3A_483] : memref<5x64x256xf32, #tpu.memory_space<vmem>> -> memref<1x64x256xf32, #tpu.memory_space<vmem>>
    %dma_start3A_485 = tpu.memref_squeeze %dma_start3A_484 : memref<1x64x256xf32, #tpu.memory_space<vmem>> -> memref<64x256xf32, #tpu.memory_space<vmem>>
    %dma_start3A_486 = arith.constant 0 : i32
    %dma_start3A_487 = tpu.memref_slice %arg6[%dma_start3A_480, %dma_start3A_486] : memref<75x64xi32, #tpu.memory_space<vmem>> -> memref<1x64xi32, #tpu.memory_space<vmem>>
    %dma_start3A_488 = tpu.memref_squeeze %dma_start3A_487 : memref<1x64xi32, #tpu.memory_space<vmem>> -> memref<64xi32, #tpu.memory_space<vmem>>
    %dma_start3A_489 = tpu.memref_reshape %arg2 : memref<150x1000x256xf32, #tpu.memory_space<hbm>> -> memref<150000x256xf32, #tpu.memory_space<hbm>>
    %dma_start3A_490 = arith.constant 0 : i32
    %dma_start3A_491 = arith.constant 0 : i32
    %dma_start3A_492 = tpu.memref_slice %dma_start3A_489[%dma_start3A_490, %dma_start3A_491] : memref<150000x256xf32, #tpu.memory_space<hbm>> -> memref<150000x256xf32, #tpu.memory_space<hbm>>
    tpu.enqueue_indirect_dma source(%dma_start3A_492 : memref<150000x256xf32, #tpu.memory_space<hbm>>) target(%dma_start3A_485 : memref<64x256xf32, #tpu.memory_space<vmem>>) offsets(%dma_start3A_488 : memref<64xi32, #tpu.memory_space<vmem>>) semaphore(%arg12 : memref<!tpu.dma_semaphore, #tpu.memory_space<semaphore_mem>>)
    %add3A_493 = arith.constant 320 : i32
    %add3A_494 = arith.addi %mul3A_2, %add3A_493 : i32
    %add3A_495 = arith.constant 0 : i32
    %add3A_496 = arith.addi %add3A_494, %add3A_495 : i32
    %shift_right_arithmetic3A_497 = arith.constant 10 : i32
    %shift_right_arithmetic3A_498 = arith.shrsi %add3A_496, %shift_right_arithmetic3A_497 : i32
    %and3A_499 = arith.constant 1023 : i32
    %and3A_500 = arith.andi %add3A_496, %and3A_499 : i32
    %get3A_501 = arith.index_cast %and3A_500 : i32 to index
    %get3A_502 = tpu.vector_load %arg5[%get3A_501] {strides = array<i32>} : memref<1024xi32, #tpu.memory_space<vmem>>, vector<16xi32>,
    %get3A_503 = vector.shape_cast %get3A_502 : vector<16xi32> to vector<16xi32>
    %mul3A_504 = arith.constant 1000 : i32
    %mul3A_505 = arith.muli %shift_right_arithmetic3A_498, %mul3A_504 : i32
    %add3A_506 = vector.broadcast %mul3A_505 : i32 to vector<16xi32>
    %add3A_507 = arith.addi %get3A_503, %add3A_506 : vector<16xi32>
    %swap3A_508 = arith.constant 5 : i32
    %swap3A_509 = arith.constant 0 : i32
    %swap3A_510 = tpu.memref_slice %arg6[%swap3A_508, %swap3A_509] : memref<75x64xi32, #tpu.memory_space<vmem>> -> memref<1x64xi32, #tpu.memory_space<vmem>>
    %swap3A_511 = tpu.memref_squeeze %swap3A_510 : memref<1x64xi32, #tpu.memory_space<vmem>> -> memref<64xi32, #tpu.memory_space<vmem>>
    %swap3A_512 = arith.constant 0 : index
    %swap3A_513 = tpu.vector_load %swap3A_511[%swap3A_512] {strides = array<i32>} : memref<64xi32, #tpu.memory_space<vmem>>, vector<16xi32>,
    %swap3A_514 = vector.shape_cast %swap3A_513 : vector<16xi32> to vector<16xi32>
    %swap3A_515 = vector.shape_cast %add3A_507 : vector<16xi32> to vector<16xi32>
    tpu.vector_store %swap3A_511[%swap3A_512], %swap3A_515 {strides = array<i32>} : memref<64xi32, #tpu.memory_space<vmem>>, vector<16xi32>,
    %add3A_516 = arith.constant 16 : i32
    %add3A_517 = arith.addi %add3A_494, %add3A_516 : i32
    %shift_right_arithmetic3A_518 = arith.constant 10 : i32
    %shift_right_arithmetic3A_519 = arith.shrsi %add3A_517, %shift_right_arithmetic3A_518 : i32
    %and3A_520 = arith.constant 1023 : i32
    %and3A_521 = arith.andi %add3A_517, %and3A_520 : i32
    %get3A_522 = arith.index_cast %and3A_521 : i32 to index
    %get3A_523 = tpu.vector_load %arg5[%get3A_522] {strides = array<i32>} : memref<1024xi32, #tpu.memory_space<vmem>>, vector<16xi32>,
    %get3A_524 = vector.shape_cast %get3A_523 : vector<16xi32> to vector<16xi32>
    %mul3A_525 = arith.constant 1000 : i32
    %mul3A_526 = arith.muli %shift_right_arithmetic3A_519, %mul3A_525 : i32
    %add3A_527 = vector.broadcast %mul3A_526 : i32 to vector<16xi32>
    %add3A_528 = arith.addi %get3A_524, %add3A_527 : vector<16xi32>
    %swap3A_529 = arith.constant 5 : i32
    %swap3A_530 = arith.constant 0 : i32
    %swap3A_531 = tpu.memref_slice %arg6[%swap3A_529, %swap3A_530] : memref<75x64xi32, #tpu.memory_space<vmem>> -> memref<1x64xi32, #tpu.memory_space<vmem>>
    %swap3A_532 = tpu.memref_squeeze %swap3A_531 : memref<1x64xi32, #tpu.memory_space<vmem>> -> memref<64xi32, #tpu.memory_space<vmem>>
    %swap3A_533 = arith.constant 16 : index
    %swap3A_534 = tpu.vector_load %swap3A_532[%swap3A_533] {strides = array<i32>} : memref<64xi32, #tpu.memory_space<vmem>>, vector<16xi32>,
    %swap3A_535 = vector.shape_cast %swap3A_534 : vector<16xi32> to vector<16xi32>
    %swap3A_536 = vector.shape_cast %add3A_528 : vector<16xi32> to vector<16xi32>
    tpu.vector_store %swap3A_532[%swap3A_533], %swap3A_536 {strides = array<i32>} : memref<64xi32, #tpu.memory_space<vmem>>, vector<16xi32>,
    %add3A_537 = arith.constant 32 : i32
    %add3A_538 = arith.addi %add3A_494, %add3A_537 : i32
    %shift_right_arithmetic3A_539 = arith.constant 10 : i32
    %shift_right_arithmetic3A_540 = arith.shrsi %add3A_538, %shift_right_arithmetic3A_539 : i32
    %and3A_541 = arith.constant 1023 : i32
    %and3A_542 = arith.andi %add3A_538, %and3A_541 : i32
    %get3A_543 = arith.index_cast %and3A_542 : i32 to index
    %get3A_544 = tpu.vector_load %arg5[%get3A_543] {strides = array<i32>} : memref<1024xi32, #tpu.memory_space<vmem>>, vector<16xi32>,
    %get3A_545 = vector.shape_cast %get3A_544 : vector<16xi32> to vector<16xi32>
    %mul3A_546 = arith.constant 1000 : i32
    %mul3A_547 = arith.muli %shift_right_arithmetic3A_540, %mul3A_546 : i32
    %add3A_548 = vector.broadcast %mul3A_547 : i32 to vector<16xi32>
    %add3A_549 = arith.addi %get3A_545, %add3A_548 : vector<16xi32>
    %swap3A_550 = arith.constant 5 : i32
    %swap3A_551 = arith.constant 0 : i32
    %swap3A_552 = tpu.memref_slice %arg6[%swap3A_550, %swap3A_551] : memref<75x64xi32, #tpu.memory_space<vmem>> -> memref<1x64xi32, #tpu.memory_space<vmem>>
    %swap3A_553 = tpu.memref_squeeze %swap3A_552 : memref<1x64xi32, #tpu.memory_space<vmem>> -> memref<64xi32, #tpu.memory_space<vmem>>
    %swap3A_554 = arith.constant 32 : index
    %swap3A_555 = tpu.vector_load %swap3A_553[%swap3A_554] {strides = array<i32>} : memref<64xi32, #tpu.memory_space<vmem>>, vector<16xi32>,
    %swap3A_556 = vector.shape_cast %swap3A_555 : vector<16xi32> to vector<16xi32>
    %swap3A_557 = vector.shape_cast %add3A_549 : vector<16xi32> to vector<16xi32>
    tpu.vector_store %swap3A_553[%swap3A_554], %swap3A_557 {strides = array<i32>} : memref<64xi32, #tpu.memory_space<vmem>>, vector<16xi32>,
    %add3A_558 = arith.constant 48 : i32
    %add3A_559 = arith.addi %add3A_494, %add3A_558 : i32
    %shift_right_arithmetic3A_560 = arith.constant 10 : i32
    %shift_right_arithmetic3A_561 = arith.shrsi %add3A_559, %shift_right_arithmetic3A_560 : i32
    %and3A_562 = arith.constant 1023 : i32
    %and3A_563 = arith.andi %add3A_559, %and3A_562 : i32
    %get3A_564 = arith.index_cast %and3A_563 : i32 to index
    %get3A_565 = tpu.vector_load %arg5[%get3A_564] {strides = array<i32>} : memref<1024xi32, #tpu.memory_space<vmem>>, vector<16xi32>,
    %get3A_566 = vector.shape_cast %get3A_565 : vector<16xi32> to vector<16xi32>
    %mul3A_567 = arith.constant 1000 : i32
    %mul3A_568 = arith.muli %shift_right_arithmetic3A_561, %mul3A_567 : i32
    %add3A_569 = vector.broadcast %mul3A_568 : i32 to vector<16xi32>
    %add3A_570 = arith.addi %get3A_566, %add3A_569 : vector<16xi32>
    %swap3A_571 = arith.constant 5 : i32
    %swap3A_572 = arith.constant 0 : i32
    %swap3A_573 = tpu.memref_slice %arg6[%swap3A_571, %swap3A_572] : memref<75x64xi32, #tpu.memory_space<vmem>> -> memref<1x64xi32, #tpu.memory_space<vmem>>
    %swap3A_574 = tpu.memref_squeeze %swap3A_573 : memref<1x64xi32, #tpu.memory_space<vmem>> -> memref<64xi32, #tpu.memory_space<vmem>>
    %swap3A_575 = arith.constant 48 : index
    %swap3A_576 = tpu.vector_load %swap3A_574[%swap3A_575] {strides = array<i32>} : memref<64xi32, #tpu.memory_space<vmem>>, vector<16xi32>,
    %swap3A_577 = vector.shape_cast %swap3A_576 : vector<16xi32> to vector<16xi32>
    %swap3A_578 = vector.shape_cast %add3A_570 : vector<16xi32> to vector<16xi32>
    tpu.vector_store %swap3A_574[%swap3A_575], %swap3A_578 {strides = array<i32>} : memref<64xi32, #tpu.memory_space<vmem>>, vector<16xi32>,
    %add3A_579 = arith.constant 384 : i32
    %add3A_580 = arith.addi %mul3A_2, %add3A_579 : i32
    %add3A_581 = arith.constant 0 : i32
    %add3A_582 = arith.addi %add3A_580, %add3A_581 : i32
    %shift_right_arithmetic3A_583 = arith.constant 10 : i32
    %shift_right_arithmetic3A_584 = arith.shrsi %add3A_582, %shift_right_arithmetic3A_583 : i32
    %and3A_585 = arith.constant 1023 : i32
    %and3A_586 = arith.andi %add3A_582, %and3A_585 : i32
    %get3A_587 = arith.index_cast %and3A_586 : i32 to index
    %get3A_588 = tpu.vector_load %arg5[%get3A_587] {strides = array<i32>} : memref<1024xi32, #tpu.memory_space<vmem>>, vector<16xi32>,
    %get3A_589 = vector.shape_cast %get3A_588 : vector<16xi32> to vector<16xi32>
    %mul3A_590 = arith.constant 1000 : i32
    %mul3A_591 = arith.muli %shift_right_arithmetic3A_584, %mul3A_590 : i32
    %add3A_592 = vector.broadcast %mul3A_591 : i32 to vector<16xi32>
    %add3A_593 = arith.addi %get3A_589, %add3A_592 : vector<16xi32>
    %swap3A_594 = arith.constant 6 : i32
    %swap3A_595 = arith.constant 0 : i32
    %swap3A_596 = tpu.memref_slice %arg6[%swap3A_594, %swap3A_595] : memref<75x64xi32, #tpu.memory_space<vmem>> -> memref<1x64xi32, #tpu.memory_space<vmem>>
    %swap3A_597 = tpu.memref_squeeze %swap3A_596 : memref<1x64xi32, #tpu.memory_space<vmem>> -> memref<64xi32, #tpu.memory_space<vmem>>
    %swap3A_598 = arith.constant 0 : index
    %swap3A_599 = tpu.vector_load %swap3A_597[%swap3A_598] {strides = array<i32>} : memref<64xi32, #tpu.memory_space<vmem>>, vector<16xi32>,
    %swap3A_600 = vector.shape_cast %swap3A_599 : vector<16xi32> to vector<16xi32>
    %swap3A_601 = vector.shape_cast %add3A_593 : vector<16xi32> to vector<16xi32>
    tpu.vector_store %swap3A_597[%swap3A_598], %swap3A_601 {strides = array<i32>} : memref<64xi32, #tpu.memory_space<vmem>>, vector<16xi32>,
    %add3A_602 = arith.constant 16 : i32
    %add3A_603 = arith.addi %add3A_580, %add3A_602 : i32
    %shift_right_arithmetic3A_604 = arith.constant 10 : i32
    %shift_right_arithmetic3A_605 = arith.shrsi %add3A_603, %shift_right_arithmetic3A_604 : i32
    %and3A_606 = arith.constant 1023 : i32
    %and3A_607 = arith.andi %add3A_603, %and3A_606 : i32
    %get3A_608 = arith.index_cast %and3A_607 : i32 to index
    %get3A_609 = tpu.vector_load %arg5[%get3A_608] {strides = array<i32>} : memref<1024xi32, #tpu.memory_space<vmem>>, vector<16xi32>,
    %get3A_610 = vector.shape_cast %get3A_609 : vector<16xi32> to vector<16xi32>
    %mul3A_611 = arith.constant 1000 : i32
    %mul3A_612 = arith.muli %shift_right_arithmetic3A_605, %mul3A_611 : i32
    %add3A_613 = vector.broadcast %mul3A_612 : i32 to vector<16xi32>
    %add3A_614 = arith.addi %get3A_610, %add3A_613 : vector<16xi32>
    %swap3A_615 = arith.constant 6 : i32
    %swap3A_616 = arith.constant 0 : i32
    %swap3A_617 = tpu.memref_slice %arg6[%swap3A_615, %swap3A_616] : memref<75x64xi32, #tpu.memory_space<vmem>> -> memref<1x64xi32, #tpu.memory_space<vmem>>
    %swap3A_618 = tpu.memref_squeeze %swap3A_617 : memref<1x64xi32, #tpu.memory_space<vmem>> -> memref<64xi32, #tpu.memory_space<vmem>>
    %swap3A_619 = arith.constant 16 : index
    %swap3A_620 = tpu.vector_load %swap3A_618[%swap3A_619] {strides = array<i32>} : memref<64xi32, #tpu.memory_space<vmem>>, vector<16xi32>,
    %swap3A_621 = vector.shape_cast %swap3A_620 : vector<16xi32> to vector<16xi32>
    %swap3A_622 = vector.shape_cast %add3A_614 : vector<16xi32> to vector<16xi32>
    tpu.vector_store %swap3A_618[%swap3A_619], %swap3A_622 {strides = array<i32>} : memref<64xi32, #tpu.memory_space<vmem>>, vector<16xi32>,
    %add3A_623 = arith.constant 32 : i32
    %add3A_624 = arith.addi %add3A_580, %add3A_623 : i32
    %shift_right_arithmetic3A_625 = arith.constant 10 : i32
    %shift_right_arithmetic3A_626 = arith.shrsi %add3A_624, %shift_right_arithmetic3A_625 : i32
    %and3A_627 = arith.constant 1023 : i32
    %and3A_628 = arith.andi %add3A_624, %and3A_627 : i32
    %get3A_629 = arith.index_cast %and3A_628 : i32 to index
    %get3A_630 = tpu.vector_load %arg5[%get3A_629] {strides = array<i32>} : memref<1024xi32, #tpu.memory_space<vmem>>, vector<16xi32>,
    %get3A_631 = vector.shape_cast %get3A_630 : vector<16xi32> to vector<16xi32>
    %mul3A_632 = arith.constant 1000 : i32
    %mul3A_633 = arith.muli %shift_right_arithmetic3A_626, %mul3A_632 : i32
    %add3A_634 = vector.broadcast %mul3A_633 : i32 to vector<16xi32>
    %add3A_635 = arith.addi %get3A_631, %add3A_634 : vector<16xi32>
    %swap3A_636 = arith.constant 6 : i32
    %swap3A_637 = arith.constant 0 : i32
    %swap3A_638 = tpu.memref_slice %arg6[%swap3A_636, %swap3A_637] : memref<75x64xi32, #tpu.memory_space<vmem>> -> memref<1x64xi32, #tpu.memory_space<vmem>>
    %swap3A_639 = tpu.memref_squeeze %swap3A_638 : memref<1x64xi32, #tpu.memory_space<vmem>> -> memref<64xi32, #tpu.memory_space<vmem>>
    %swap3A_640 = arith.constant 32 : index
    %swap3A_641 = tpu.vector_load %swap3A_639[%swap3A_640] {strides = array<i32>} : memref<64xi32, #tpu.memory_space<vmem>>, vector<16xi32>,
    %swap3A_642 = vector.shape_cast %swap3A_641 : vector<16xi32> to vector<16xi32>
    %swap3A_643 = vector.shape_cast %add3A_635 : vector<16xi32> to vector<16xi32>
    tpu.vector_store %swap3A_639[%swap3A_640], %swap3A_643 {strides = array<i32>} : memref<64xi32, #tpu.memory_space<vmem>>, vector<16xi32>,
    %add3A_644 = arith.constant 48 : i32
    %add3A_645 = arith.addi %add3A_580, %add3A_644 : i32
    %shift_right_arithmetic3A_646 = arith.constant 10 : i32
    %shift_right_arithmetic3A_647 = arith.shrsi %add3A_645, %shift_right_arithmetic3A_646 : i32
    %and3A_648 = arith.constant 1023 : i32
    %and3A_649 = arith.andi %add3A_645, %and3A_648 : i32
    %get3A_650 = arith.index_cast %and3A_649 : i32 to index
    %get3A_651 = tpu.vector_load %arg5[%get3A_650] {strides = array<i32>} : memref<1024xi32, #tpu.memory_space<vmem>>, vector<16xi32>,
    %get3A_652 = vector.shape_cast %get3A_651 : vector<16xi32> to vector<16xi32>
    %mul3A_653 = arith.constant 1000 : i32
    %mul3A_654 = arith.muli %shift_right_arithmetic3A_647, %mul3A_653 : i32
    %add3A_655 = vector.broadcast %mul3A_654 : i32 to vector<16xi32>
    %add3A_656 = arith.addi %get3A_652, %add3A_655 : vector<16xi32>
    %swap3A_657 = arith.constant 6 : i32
    %swap3A_658 = arith.constant 0 : i32
    %swap3A_659 = tpu.memref_slice %arg6[%swap3A_657, %swap3A_658] : memref<75x64xi32, #tpu.memory_space<vmem>> -> memref<1x64xi32, #tpu.memory_space<vmem>>
    %swap3A_660 = tpu.memref_squeeze %swap3A_659 : memref<1x64xi32, #tpu.memory_space<vmem>> -> memref<64xi32, #tpu.memory_space<vmem>>
    %swap3A_661 = arith.constant 48 : index
    %swap3A_662 = tpu.vector_load %swap3A_660[%swap3A_661] {strides = array<i32>} : memref<64xi32, #tpu.memory_space<vmem>>, vector<16xi32>,
    %swap3A_663 = vector.shape_cast %swap3A_662 : vector<16xi32> to vector<16xi32>
    %swap3A_664 = vector.shape_cast %add3A_656 : vector<16xi32> to vector<16xi32>
    tpu.vector_store %swap3A_660[%swap3A_661], %swap3A_664 {strides = array<i32>} : memref<64xi32, #tpu.memory_space<vmem>>, vector<16xi32>,
    %add3A_665 = arith.constant 448 : i32
    %add3A_666 = arith.addi %mul3A_2, %add3A_665 : i32
    %add3A_667 = arith.constant 0 : i32
    %add3A_668 = arith.addi %add3A_666, %add3A_667 : i32
    %shift_right_arithmetic3A_669 = arith.constant 10 : i32
    %shift_right_arithmetic3A_670 = arith.shrsi %add3A_668, %shift_right_arithmetic3A_669 : i32
    %and3A_671 = arith.constant 1023 : i32
    %and3A_672 = arith.andi %add3A_668, %and3A_671 : i32
    %get3A_673 = arith.index_cast %and3A_672 : i32 to index
    %get3A_674 = tpu.vector_load %arg5[%get3A_673] {strides = array<i32>} : memref<1024xi32, #tpu.memory_space<vmem>>, vector<16xi32>,
    %get3A_675 = vector.shape_cast %get3A_674 : vector<16xi32> to vector<16xi32>
    %mul3A_676 = arith.constant 1000 : i32
    %mul3A_677 = arith.muli %shift_right_arithmetic3A_670, %mul3A_676 : i32
    %add3A_678 = vector.broadcast %mul3A_677 : i32 to vector<16xi32>
    %add3A_679 = arith.addi %get3A_675, %add3A_678 : vector<16xi32>
    %swap3A_680 = arith.constant 7 : i32
    %swap3A_681 = arith.constant 0 : i32
    %swap3A_682 = tpu.memref_slice %arg6[%swap3A_680, %swap3A_681] : memref<75x64xi32, #tpu.memory_space<vmem>> -> memref<1x64xi32, #tpu.memory_space<vmem>>
    %swap3A_683 = tpu.memref_squeeze %swap3A_682 : memref<1x64xi32, #tpu.memory_space<vmem>> -> memref<64xi32, #tpu.memory_space<vmem>>
    %swap3A_684 = arith.constant 0 : index
    %swap3A_685 = tpu.vector_load %swap3A_683[%swap3A_684] {strides = array<i32>} : memref<64xi32, #tpu.memory_space<vmem>>, vector<16xi32>,
    %swap3A_686 = vector.shape_cast %swap3A_685 : vector<16xi32> to vector<16xi32>
    %swap3A_687 = vector.shape_cast %add3A_679 : vector<16xi32> to vector<16xi32>
    tpu.vector_store %swap3A_683[%swap3A_684], %swap3A_687 {strides = array<i32>} : memref<64xi32, #tpu.memory_space<vmem>>, vector<16xi32>,
    %add3A_688 = arith.constant 16 : i32
    %add3A_689 = arith.addi %add3A_666, %add3A_688 : i32
    %shift_right_arithmetic3A_690 = arith.constant 10 : i32
    %shift_right_arithmetic3A_691 = arith.shrsi %add3A_689, %shift_right_arithmetic3A_690 : i32
    %and3A_692 = arith.constant 1023 : i32
    %and3A_693 = arith.andi %add3A_689, %and3A_692 : i32
    %get3A_694 = arith.index_cast %and3A_693 : i32 to index
    %get3A_695 = tpu.vector_load %arg5[%get3A_694] {strides = array<i32>} : memref<1024xi32, #tpu.memory_space<vmem>>, vector<16xi32>,
    %get3A_696 = vector.shape_cast %get3A_695 : vector<16xi32> to vector<16xi32>
    %mul3A_697 = arith.constant 1000 : i32
    %mul3A_698 = arith.muli %shift_right_arithmetic3A_691, %mul3A_697 : i32
    %add3A_699 = vector.broadcast %mul3A_698 : i32 to vector<16xi32>
    %add3A_700 = arith.addi %get3A_696, %add3A_699 : vector<16xi32>
    %swap3A_701 = arith.constant 7 : i32
    %swap3A_702 = arith.constant 0 : i32
    %swap3A_703 = tpu.memref_slice %arg6[%swap3A_701, %swap3A_702] : memref<75x64xi32, #tpu.memory_space<vmem>> -> memref<1x64xi32, #tpu.memory_space<vmem>>
    %swap3A_704 = tpu.memref_squeeze %swap3A_703 : memref<1x64xi32, #tpu.memory_space<vmem>> -> memref<64xi32, #tpu.memory_space<vmem>>
    %swap3A_705 = arith.constant 16 : index
    %swap3A_706 = tpu.vector_load %swap3A_704[%swap3A_705] {strides = array<i32>} : memref<64xi32, #tpu.memory_space<vmem>>, vector<16xi32>,
    %swap3A_707 = vector.shape_cast %swap3A_706 : vector<16xi32> to vector<16xi32>
    %swap3A_708 = vector.shape_cast %add3A_700 : vector<16xi32> to vector<16xi32>
    tpu.vector_store %swap3A_704[%swap3A_705], %swap3A_708 {strides = array<i32>} : memref<64xi32, #tpu.memory_space<vmem>>, vector<16xi32>,
    %add3A_709 = arith.constant 32 : i32
    %add3A_710 = arith.addi %add3A_666, %add3A_709 : i32
    %shift_right_arithmetic3A_711 = arith.constant 10 : i32
    %shift_right_arithmetic3A_712 = arith.shrsi %add3A_710, %shift_right_arithmetic3A_711 : i32
    %and3A_713 = arith.constant 1023 : i32
    %and3A_714 = arith.andi %add3A_710, %and3A_713 : i32
    %get3A_715 = arith.index_cast %and3A_714 : i32 to index
    %get3A_716 = tpu.vector_load %arg5[%get3A_715] {strides = array<i32>} : memref<1024xi32, #tpu.memory_space<vmem>>, vector<16xi32>,
    %get3A_717 = vector.shape_cast %get3A_716 : vector<16xi32> to vector<16xi32>
    %mul3A_718 = arith.constant 1000 : i32
    %mul3A_719 = arith.muli %shift_right_arithmetic3A_712, %mul3A_718 : i32
    %add3A_720 = vector.broadcast %mul3A_719 : i32 to vector<16xi32>
    %add3A_721 = arith.addi %get3A_717, %add3A_720 : vector<16xi32>
    %swap3A_722 = arith.constant 7 : i32
    %swap3A_723 = arith.constant 0 : i32
    %swap3A_724 = tpu.memref_slice %arg6[%swap3A_722, %swap3A_723] : memref<75x64xi32, #tpu.memory_space<vmem>> -> memref<1x64xi32, #tpu.memory_space<vmem>>
    %swap3A_725 = tpu.memref_squeeze %swap3A_724 : memref<1x64xi32, #tpu.memory_space<vmem>> -> memref<64xi32, #tpu.memory_space<vmem>>
    %swap3A_726 = arith.constant 32 : index
    %swap3A_727 = tpu.vector_load %swap3A_725[%swap3A_726] {strides = array<i32>} : memref<64xi32, #tpu.memory_space<vmem>>, vector<16xi32>,
    %swap3A_728 = vector.shape_cast %swap3A_727 : vector<16xi32> to vector<16xi32>
    %swap3A_729 = vector.shape_cast %add3A_721 : vector<16xi32> to vector<16xi32>
    tpu.vector_store %swap3A_725[%swap3A_726], %swap3A_729 {strides = array<i32>} : memref<64xi32, #tpu.memory_space<vmem>>, vector<16xi32>,
    %add3A_730 = arith.constant 48 : i32
    %add3A_731 = arith.addi %add3A_666, %add3A_730 : i32
    %shift_right_arithmetic3A_732 = arith.constant 10 : i32
    %shift_right_arithmetic3A_733 = arith.shrsi %add3A_731, %shift_right_arithmetic3A_732 : i32
    %and3A_734 = arith.constant 1023 : i32
    %and3A_735 = arith.andi %add3A_731, %and3A_734 : i32
    %get3A_736 = arith.index_cast %and3A_735 : i32 to index
    %get3A_737 = tpu.vector_load %arg5[%get3A_736] {strides = array<i32>} : memref<1024xi32, #tpu.memory_space<vmem>>, vector<16xi32>,
    %get3A_738 = vector.shape_cast %get3A_737 : vector<16xi32> to vector<16xi32>
    %mul3A_739 = arith.constant 1000 : i32
    %mul3A_740 = arith.muli %shift_right_arithmetic3A_733, %mul3A_739 : i32
    %add3A_741 = vector.broadcast %mul3A_740 : i32 to vector<16xi32>
    %add3A_742 = arith.addi %get3A_738, %add3A_741 : vector<16xi32>
    %swap3A_743 = arith.constant 7 : i32
    %swap3A_744 = arith.constant 0 : i32
    %swap3A_745 = tpu.memref_slice %arg6[%swap3A_743, %swap3A_744] : memref<75x64xi32, #tpu.memory_space<vmem>> -> memref<1x64xi32, #tpu.memory_space<vmem>>
    %swap3A_746 = tpu.memref_squeeze %swap3A_745 : memref<1x64xi32, #tpu.memory_space<vmem>> -> memref<64xi32, #tpu.memory_space<vmem>>
    %swap3A_747 = arith.constant 48 : index
    %swap3A_748 = tpu.vector_load %swap3A_746[%swap3A_747] {strides = array<i32>} : memref<64xi32, #tpu.memory_space<vmem>>, vector<16xi32>,
    %swap3A_749 = vector.shape_cast %swap3A_748 : vector<16xi32> to vector<16xi32>
    %swap3A_750 = vector.shape_cast %add3A_742 : vector<16xi32> to vector<16xi32>
    tpu.vector_store %swap3A_746[%swap3A_747], %swap3A_750 {strides = array<i32>} : memref<64xi32, #tpu.memory_space<vmem>>, vector<16xi32>,
    %add3A_751 = arith.constant 512 : i32
    %add3A_752 = arith.addi %mul3A_2, %add3A_751 : i32
    %add3A_753 = arith.constant 0 : i32
    %add3A_754 = arith.addi %add3A_752, %add3A_753 : i32
    %shift_right_arithmetic3A_755 = arith.constant 10 : i32
    %shift_right_arithmetic3A_756 = arith.shrsi %add3A_754, %shift_right_arithmetic3A_755 : i32
    %and3A_757 = arith.constant 1023 : i32
    %and3A_758 = arith.andi %add3A_754, %and3A_757 : i32
    %get3A_759 = arith.index_cast %and3A_758 : i32 to index
    %get3A_760 = tpu.vector_load %arg5[%get3A_759] {strides = array<i32>} : memref<1024xi32, #tpu.memory_space<vmem>>, vector<16xi32>,
    %get3A_761 = vector.shape_cast %get3A_760 : vector<16xi32> to vector<16xi32>
    %mul3A_762 = arith.constant 1000 : i32
    %mul3A_763 = arith.muli %shift_right_arithmetic3A_756, %mul3A_762 : i32
    %add3A_764 = vector.broadcast %mul3A_763 : i32 to vector<16xi32>
    %add3A_765 = arith.addi %get3A_761, %add3A_764 : vector<16xi32>
    %swap3A_766 = arith.constant 8 : i32
    %swap3A_767 = arith.constant 0 : i32
    %swap3A_768 = tpu.memref_slice %arg6[%swap3A_766, %swap3A_767] : memref<75x64xi32, #tpu.memory_space<vmem>> -> memref<1x64xi32, #tpu.memory_space<vmem>>
    %swap3A_769 = tpu.memref_squeeze %swap3A_768 : memref<1x64xi32, #tpu.memory_space<vmem>> -> memref<64xi32, #tpu.memory_space<vmem>>
    %swap3A_770 = arith.constant 0 : index
    %swap3A_771 = tpu.vector_load %swap3A_769[%swap3A_770] {strides = array<i32>} : memref<64xi32, #tpu.memory_space<vmem>>, vector<16xi32>,
    %swap3A_772 = vector.shape_cast %swap3A_771 : vector<16xi32> to vector<16xi32>
    %swap3A_773 = vector.shape_cast %add3A_765 : vector<16xi32> to vector<16xi32>
    tpu.vector_store %swap3A_769[%swap3A_770], %swap3A_773 {strides = array<i32>} : memref<64xi32, #tpu.memory_space<vmem>>, vector<16xi32>,
    %add3A_774 = arith.constant 16 : i32
    %add3A_775 = arith.addi %add3A_752, %add3A_774 : i32
    %shift_right_arithmetic3A_776 = arith.constant 10 : i32
    %shift_right_arithmetic3A_777 = arith.shrsi %add3A_775, %shift_right_arithmetic3A_776 : i32
    %and3A_778 = arith.constant 1023 : i32
    %and3A_779 = arith.andi %add3A_775, %and3A_778 : i32
    %get3A_780 = arith.index_cast %and3A_779 : i32 to index
    %get3A_781 = tpu.vector_load %arg5[%get3A_780] {strides = array<i32>} : memref<1024xi32, #tpu.memory_space<vmem>>, vector<16xi32>,
    %get3A_782 = vector.shape_cast %get3A_781 : vector<16xi32> to vector<16xi32>
    %mul3A_783 = arith.constant 1000 : i32
    %mul3A_784 = arith.muli %shift_right_arithmetic3A_777, %mul3A_783 : i32
    %add3A_785 = vector.broadcast %mul3A_784 : i32 to vector<16xi32>
    %add3A_786 = arith.addi %get3A_782, %add3A_785 : vector<16xi32>
    %swap3A_787 = arith.constant 8 : i32
    %swap3A_788 = arith.constant 0 : i32
    %swap3A_789 = tpu.memref_slice %arg6[%swap3A_787, %swap3A_788] : memref<75x64xi32, #tpu.memory_space<vmem>> -> memref<1x64xi32, #tpu.memory_space<vmem>>
    %swap3A_790 = tpu.memref_squeeze %swap3A_789 : memref<1x64xi32, #tpu.memory_space<vmem>> -> memref<64xi32, #tpu.memory_space<vmem>>
    %swap3A_791 = arith.constant 16 : index
    %swap3A_792 = tpu.vector_load %swap3A_790[%swap3A_791] {strides = array<i32>} : memref<64xi32, #tpu.memory_space<vmem>>, vector<16xi32>,
    %swap3A_793 = vector.shape_cast %swap3A_792 : vector<16xi32> to vector<16xi32>
    %swap3A_794 = vector.shape_cast %add3A_786 : vector<16xi32> to vector<16xi32>
    tpu.vector_store %swap3A_790[%swap3A_791], %swap3A_794 {strides = array<i32>} : memref<64xi32, #tpu.memory_space<vmem>>, vector<16xi32>,
    %add3A_795 = arith.constant 32 : i32
    %add3A_796 = arith.addi %add3A_752, %add3A_795 : i32
    %shift_right_arithmetic3A_797 = arith.constant 10 : i32
    %shift_right_arithmetic3A_798 = arith.shrsi %add3A_796, %shift_right_arithmetic3A_797 : i32
    %and3A_799 = arith.constant 1023 : i32
    %and3A_800 = arith.andi %add3A_796, %and3A_799 : i32
    %get3A_801 = arith.index_cast %and3A_800 : i32 to index
    %get3A_802 = tpu.vector_load %arg5[%get3A_801] {strides = array<i32>} : memref<1024xi32, #tpu.memory_space<vmem>>, vector<16xi32>,
    %get3A_803 = vector.shape_cast %get3A_802 : vector<16xi32> to vector<16xi32>
    %mul3A_804 = arith.constant 1000 : i32
    %mul3A_805 = arith.muli %shift_right_arithmetic3A_798, %mul3A_804 : i32
    %add3A_806 = vector.broadcast %mul3A_805 : i32 to vector<16xi32>
    %add3A_807 = arith.addi %get3A_803, %add3A_806 : vector<16xi32>
    %swap3A_808 = arith.constant 8 : i32
    %swap3A_809 = arith.constant 0 : i32
    %swap3A_810 = tpu.memref_slice %arg6[%swap3A_808, %swap3A_809] : memref<75x64xi32, #tpu.memory_space<vmem>> -> memref<1x64xi32, #tpu.memory_space<vmem>>
    %swap3A_811 = tpu.memref_squeeze %swap3A_810 : memref<1x64xi32, #tpu.memory_space<vmem>> -> memref<64xi32, #tpu.memory_space<vmem>>
    %swap3A_812 = arith.constant 32 : index
    %swap3A_813 = tpu.vector_load %swap3A_811[%swap3A_812] {strides = array<i32>} : memref<64xi32, #tpu.memory_space<vmem>>, vector<16xi32>,
    %swap3A_814 = vector.shape_cast %swap3A_813 : vector<16xi32> to vector<16xi32>
    %swap3A_815 = vector.shape_cast %add3A_807 : vector<16xi32> to vector<16xi32>
    tpu.vector_store %swap3A_811[%swap3A_812], %swap3A_815 {strides = array<i32>} : memref<64xi32, #tpu.memory_space<vmem>>, vector<16xi32>,
    %add3A_816 = arith.constant 48 : i32
    %add3A_817 = arith.addi %add3A_752, %add3A_816 : i32
    %shift_right_arithmetic3A_818 = arith.constant 10 : i32
    %shift_right_arithmetic3A_819 = arith.shrsi %add3A_817, %shift_right_arithmetic3A_818 : i32
    %and3A_820 = arith.constant 1023 : i32
    %and3A_821 = arith.andi %add3A_817, %and3A_820 : i32
    %get3A_822 = arith.index_cast %and3A_821 : i32 to index
    %get3A_823 = tpu.vector_load %arg5[%get3A_822] {strides = array<i32>} : memref<1024xi32, #tpu.memory_space<vmem>>, vector<16xi32>,
    %get3A_824 = vector.shape_cast %get3A_823 : vector<16xi32> to vector<16xi32>
    %mul3A_825 = arith.constant 1000 : i32
    %mul3A_826 = arith.muli %shift_right_arithmetic3A_819, %mul3A_825 : i32
    %add3A_827 = vector.broadcast %mul3A_826 : i32 to vector<16xi32>
    %add3A_828 = arith.addi %get3A_824, %add3A_827 : vector<16xi32>
    %swap3A_829 = arith.constant 8 : i32
    %swap3A_830 = arith.constant 0 : i32
    %swap3A_831 = tpu.memref_slice %arg6[%swap3A_829, %swap3A_830] : memref<75x64xi32, #tpu.memory_space<vmem>> -> memref<1x64xi32, #tpu.memory_space<vmem>>
    %swap3A_832 = tpu.memref_squeeze %swap3A_831 : memref<1x64xi32, #tpu.memory_space<vmem>> -> memref<64xi32, #tpu.memory_space<vmem>>
    %swap3A_833 = arith.constant 48 : index
    %swap3A_834 = tpu.vector_load %swap3A_832[%swap3A_833] {strides = array<i32>} : memref<64xi32, #tpu.memory_space<vmem>>, vector<16xi32>,
    %swap3A_835 = vector.shape_cast %swap3A_834 : vector<16xi32> to vector<16xi32>
    %swap3A_836 = vector.shape_cast %add3A_828 : vector<16xi32> to vector<16xi32>
    tpu.vector_store %swap3A_832[%swap3A_833], %swap3A_836 {strides = array<i32>} : memref<64xi32, #tpu.memory_space<vmem>>, vector<16xi32>,
    %add3A_837 = arith.constant 576 : i32
    %add3A_838 = arith.addi %mul3A_2, %add3A_837 : i32
    %add3A_839 = arith.constant 0 : i32
    %add3A_840 = arith.addi %add3A_838, %add3A_839 : i32
    %shift_right_arithmetic3A_841 = arith.constant 10 : i32
    %shift_right_arithmetic3A_842 = arith.shrsi %add3A_840, %shift_right_arithmetic3A_841 : i32
    %and3A_843 = arith.constant 1023 : i32
    %and3A_844 = arith.andi %add3A_840, %and3A_843 : i32
    %get3A_845 = arith.index_cast %and3A_844 : i32 to index
    %get3A_846 = tpu.vector_load %arg5[%get3A_845] {strides = array<i32>} : memref<1024xi32, #tpu.memory_space<vmem>>, vector<16xi32>,
    %get3A_847 = vector.shape_cast %get3A_846 : vector<16xi32> to vector<16xi32>
    %mul3A_848 = arith.constant 1000 : i32
    %mul3A_849 = arith.muli %shift_right_arithmetic3A_842, %mul3A_848 : i32
    %add3A_850 = vector.broadcast %mul3A_849 : i32 to vector<16xi32>
    %add3A_851 = arith.addi %get3A_847, %add3A_850 : vector<16xi32>
    %swap3A_852 = arith.constant 9 : i32
    %swap3A_853 = arith.constant 0 : i32
    %swap3A_854 = tpu.memref_slice %arg6[%swap3A_852, %swap3A_853] : memref<75x64xi32, #tpu.memory_space<vmem>> -> memref<1x64xi32, #tpu.memory_space<vmem>>
    %swap3A_855 = tpu.memref_squeeze %swap3A_854 : memref<1x64xi32, #tpu.memory_space<vmem>> -> memref<64xi32, #tpu.memory_space<vmem>>
    %swap3A_856 = arith.constant 0 : index
    %swap3A_857 = tpu.vector_load %swap3A_855[%swap3A_856] {strides = array<i32>} : memref<64xi32, #tpu.memory_space<vmem>>, vector<16xi32>,
    %swap3A_858 = vector.shape_cast %swap3A_857 : vector<16xi32> to vector<16xi32>
    %swap3A_859 = vector.shape_cast %add3A_851 : vector<16xi32> to vector<16xi32>
    tpu.vector_store %swap3A_855[%swap3A_856], %swap3A_859 {strides = array<i32>} : memref<64xi32, #tpu.memory_space<vmem>>, vector<16xi32>,
    %add3A_860 = arith.constant 16 : i32
    %add3A_861 = arith.addi %add3A_838, %add3A_860 : i32
    %shift_right_arithmetic3A_862 = arith.constant 10 : i32
    %shift_right_arithmetic3A_863 = arith.shrsi %add3A_861, %shift_right_arithmetic3A_862 : i32
    %and3A_864 = arith.constant 1023 : i32
    %and3A_865 = arith.andi %add3A_861, %and3A_864 : i32
    %get3A_866 = arith.index_cast %and3A_865 : i32 to index
    %get3A_867 = tpu.vector_load %arg5[%get3A_866] {strides = array<i32>} : memref<1024xi32, #tpu.memory_space<vmem>>, vector<16xi32>,
    %get3A_868 = vector.shape_cast %get3A_867 : vector<16xi32> to vector<16xi32>
    %mul3A_869 = arith.constant 1000 : i32
    %mul3A_870 = arith.muli %shift_right_arithmetic3A_863, %mul3A_869 : i32
    %add3A_871 = vector.broadcast %mul3A_870 : i32 to vector<16xi32>
    %add3A_872 = arith.addi %get3A_868, %add3A_871 : vector<16xi32>
    %swap3A_873 = arith.constant 9 : i32
    %swap3A_874 = arith.constant 0 : i32
    %swap3A_875 = tpu.memref_slice %arg6[%swap3A_873, %swap3A_874] : memref<75x64xi32, #tpu.memory_space<vmem>> -> memref<1x64xi32, #tpu.memory_space<vmem>>
    %swap3A_876 = tpu.memref_squeeze %swap3A_875 : memref<1x64xi32, #tpu.memory_space<vmem>> -> memref<64xi32, #tpu.memory_space<vmem>>
    %swap3A_877 = arith.constant 16 : index
    %swap3A_878 = tpu.vector_load %swap3A_876[%swap3A_877] {strides = array<i32>} : memref<64xi32, #tpu.memory_space<vmem>>, vector<16xi32>,
    %swap3A_879 = vector.shape_cast %swap3A_878 : vector<16xi32> to vector<16xi32>
    %swap3A_880 = vector.shape_cast %add3A_872 : vector<16xi32> to vector<16xi32>
    tpu.vector_store %swap3A_876[%swap3A_877], %swap3A_880 {strides = array<i32>} : memref<64xi32, #tpu.memory_space<vmem>>, vector<16xi32>,
    %add3A_881 = arith.constant 32 : i32
    %add3A_882 = arith.addi %add3A_838, %add3A_881 : i32
    %shift_right_arithmetic3A_883 = arith.constant 10 : i32
    %shift_right_arithmetic3A_884 = arith.shrsi %add3A_882, %shift_right_arithmetic3A_883 : i32
    %and3A_885 = arith.constant 1023 : i32
    %and3A_886 = arith.andi %add3A_882, %and3A_885 : i32
    %get3A_887 = arith.index_cast %and3A_886 : i32 to index
    %get3A_888 = tpu.vector_load %arg5[%get3A_887] {strides = array<i32>} : memref<1024xi32, #tpu.memory_space<vmem>>, vector<16xi32>,
    %get3A_889 = vector.shape_cast %get3A_888 : vector<16xi32> to vector<16xi32>
    %mul3A_890 = arith.constant 1000 : i32
    %mul3A_891 = arith.muli %shift_right_arithmetic3A_884, %mul3A_890 : i32
    %add3A_892 = vector.broadcast %mul3A_891 : i32 to vector<16xi32>
    %add3A_893 = arith.addi %get3A_889, %add3A_892 : vector<16xi32>
    %swap3A_894 = arith.constant 9 : i32
    %swap3A_895 = arith.constant 0 : i32
    %swap3A_896 = tpu.memref_slice %arg6[%swap3A_894, %swap3A_895] : memref<75x64xi32, #tpu.memory_space<vmem>> -> memref<1x64xi32, #tpu.memory_space<vmem>>
    %swap3A_897 = tpu.memref_squeeze %swap3A_896 : memref<1x64xi32, #tpu.memory_space<vmem>> -> memref<64xi32, #tpu.memory_space<vmem>>
    %swap3A_898 = arith.constant 32 : index
    %swap3A_899 = tpu.vector_load %swap3A_897[%swap3A_898] {strides = array<i32>} : memref<64xi32, #tpu.memory_space<vmem>>, vector<16xi32>,
    %swap3A_900 = vector.shape_cast %swap3A_899 : vector<16xi32> to vector<16xi32>
    %swap3A_901 = vector.shape_cast %add3A_893 : vector<16xi32> to vector<16xi32>
    tpu.vector_store %swap3A_897[%swap3A_898], %swap3A_901 {strides = array<i32>} : memref<64xi32, #tpu.memory_space<vmem>>, vector<16xi32>,
    %add3A_902 = arith.constant 48 : i32
    %add3A_903 = arith.addi %add3A_838, %add3A_902 : i32
    %shift_right_arithmetic3A_904 = arith.constant 10 : i32
    %shift_right_arithmetic3A_905 = arith.shrsi %add3A_903, %shift_right_arithmetic3A_904 : i32
    %and3A_906 = arith.constant 1023 : i32
    %and3A_907 = arith.andi %add3A_903, %and3A_906 : i32
    %get3A_908 = arith.index_cast %and3A_907 : i32 to index
    %get3A_909 = tpu.vector_load %arg5[%get3A_908] {strides = array<i32>} : memref<1024xi32, #tpu.memory_space<vmem>>, vector<16xi32>,
    %get3A_910 = vector.shape_cast %get3A_909 : vector<16xi32> to vector<16xi32>
    %mul3A_911 = arith.constant 1000 : i32
    %mul3A_912 = arith.muli %shift_right_arithmetic3A_905, %mul3A_911 : i32
    %add3A_913 = vector.broadcast %mul3A_912 : i32 to vector<16xi32>
    %add3A_914 = arith.addi %get3A_910, %add3A_913 : vector<16xi32>
    %swap3A_915 = arith.constant 9 : i32
    %swap3A_916 = arith.constant 0 : i32
    %swap3A_917 = tpu.memref_slice %arg6[%swap3A_915, %swap3A_916] : memref<75x64xi32, #tpu.memory_space<vmem>> -> memref<1x64xi32, #tpu.memory_space<vmem>>
    %swap3A_918 = tpu.memref_squeeze %swap3A_917 : memref<1x64xi32, #tpu.memory_space<vmem>> -> memref<64xi32, #tpu.memory_space<vmem>>
    %swap3A_919 = arith.constant 48 : index
    %swap3A_920 = tpu.vector_load %swap3A_918[%swap3A_919] {strides = array<i32>} : memref<64xi32, #tpu.memory_space<vmem>>, vector<16xi32>,
    %swap3A_921 = vector.shape_cast %swap3A_920 : vector<16xi32> to vector<16xi32>
    %swap3A_922 = vector.shape_cast %add3A_914 : vector<16xi32> to vector<16xi32>
    tpu.vector_store %swap3A_918[%swap3A_919], %swap3A_922 {strides = array<i32>} : memref<64xi32, #tpu.memory_space<vmem>>, vector<16xi32>,
    %dma_wait3A = arith.constant 0 : i32
    %dma_wait3A_923 = arith.constant 0 : i32
    %dma_wait3A_924 = arith.constant 0 : i32
    %dma_wait3A_925 = tpu.memref_slice %arg7[%dma_wait3A, %dma_wait3A_923, %dma_wait3A_924] : memref<5x64x256xf32, #tpu.memory_space<vmem>> -> memref<1x64x256xf32, #tpu.memory_space<vmem>>
    %dma_wait3A_926 = tpu.memref_squeeze %dma_wait3A_925 : memref<1x64x256xf32, #tpu.memory_space<vmem>> -> memref<64x256xf32, #tpu.memory_space<vmem>>
    %dma_wait3A_927 = tpu.memref_reshape %arg4 : memref<150x1024x256xf32, #tpu.memory_space<hbm>> -> memref<153600x256xf32, #tpu.memory_space<hbm>>
    %dma_wait3A_928 = arith.constant 0 : i32
    %dma_wait3A_929 = arith.constant 0 : i32
    %dma_wait3A_930 = tpu.memref_slice %dma_wait3A_927[%dma_wait3A_928, %dma_wait3A_929] : memref<153600x256xf32, #tpu.memory_space<hbm>> -> memref<64x256xf32, #tpu.memory_space<hbm>>
    %dma_wait3A_931 = tpu.memref_reshape %arg4 : memref<150x1024x256xf32, #tpu.memory_space<hbm>> -> memref<153600x256xf32, #tpu.memory_space<hbm>>
    %dma_wait3A_932 = arith.constant 0 : i32
    %dma_wait3A_933 = arith.constant 0 : i32
    %dma_wait3A_934 = tpu.memref_slice %dma_wait3A_931[%dma_wait3A_932, %dma_wait3A_933] : memref<153600x256xf32, #tpu.memory_space<hbm>> -> memref<64x256xf32, #tpu.memory_space<hbm>>
    %dma_wait3A_935 = arith.constant 0 : i32
    %dma_wait3A_936 = arith.constant 0 : i32
    %dma_wait3A_937 = tpu.memref_slice %arg7[%dma_wait3A, %dma_wait3A_935, %dma_wait3A_936] : memref<5x64x256xf32, #tpu.memory_space<vmem>> -> memref<1x64x256xf32, #tpu.memory_space<vmem>>
    %dma_wait3A_938 = tpu.memref_squeeze %dma_wait3A_937 : memref<1x64x256xf32, #tpu.memory_space<vmem>> -> memref<64x256xf32, #tpu.memory_space<vmem>>
    tpu.wait_dma2 semaphore(%arg8 : memref<!tpu.dma_semaphore, #tpu.memory_space<semaphore_mem>>) src(%dma_wait3A_938 : memref<64x256xf32, #tpu.memory_space<vmem>>) dst(%dma_wait3A_934 : memref<64x256xf32, #tpu.memory_space<hbm>>)
    %add3A_939 = arith.constant 0 : i32
    %add3A_940 = arith.addi %mul3A_2, %add3A_939 : i32
    %dma_start3A_941 = arith.constant 0 : i32
    %dma_start3A_942 = arith.constant 0 : i32
    %dma_start3A_943 = arith.constant 0 : i32
    %dma_start3A_944 = tpu.memref_slice %arg7[%dma_start3A_941, %dma_start3A_942, %dma_start3A_943] : memref<5x64x256xf32, #tpu.memory_space<vmem>> -> memref<1x64x256xf32, #tpu.memory_space<vmem>>
    %dma_start3A_945 = tpu.memref_squeeze %dma_start3A_944 : memref<1x64x256xf32, #tpu.memory_space<vmem>> -> memref<64x256xf32, #tpu.memory_space<vmem>>
    %dma_start3A_946 = tpu.memref_reshape %arg4 : memref<150x1024x256xf32, #tpu.memory_space<hbm>> -> memref<153600x256xf32, #tpu.memory_space<hbm>>
    %dma_start3A_947 = arith.constant 0 : i32
    %dma_start3A_948 = tpu.memref_slice %dma_start3A_946[%add3A_940, %dma_start3A_947] : memref<153600x256xf32, #tpu.memory_space<hbm>> -> memref<64x256xf32, #tpu.memory_space<hbm>>
    %dma_start3A_949 = tpu.memref_reshape %arg4 : memref<150x1024x256xf32, #tpu.memory_space<hbm>> -> memref<153600x256xf32, #tpu.memory_space<hbm>>
    %dma_start3A_950 = arith.constant 0 : i32
    %dma_start3A_951 = tpu.memref_slice %dma_start3A_949[%add3A_940, %dma_start3A_950] : memref<153600x256xf32, #tpu.memory_space<hbm>> -> memref<64x256xf32, #tpu.memory_space<hbm>>
    %dma_start3A_952 = arith.constant 0 : i32
    %dma_start3A_953 = arith.constant 0 : i32
    %dma_start3A_954 = tpu.memref_slice %arg7[%dma_start3A_941, %dma_start3A_952, %dma_start3A_953] : memref<5x64x256xf32, #tpu.memory_space<vmem>> -> memref<1x64x256xf32, #tpu.memory_space<vmem>>
    %dma_start3A_955 = tpu.memref_squeeze %dma_start3A_954 : memref<1x64x256xf32, #tpu.memory_space<vmem>> -> memref<64x256xf32, #tpu.memory_space<vmem>>
    tpu.enqueue_dma source(%dma_start3A_955 : memref<64x256xf32, #tpu.memory_space<vmem>>) target(%dma_start3A_951 : memref<64x256xf32, #tpu.memory_space<hbm>>) target_semaphore(%arg8 : memref<!tpu.dma_semaphore, #tpu.memory_space<semaphore_mem>>)
    %dma_wait3A_956 = arith.constant 1 : i32
    %dma_wait3A_957 = arith.constant 0 : i32
    %dma_wait3A_958 = arith.constant 0 : i32
    %dma_wait3A_959 = tpu.memref_slice %arg7[%dma_wait3A_956, %dma_wait3A_957, %dma_wait3A_958] : memref<5x64x256xf32, #tpu.memory_space<vmem>> -> memref<1x64x256xf32, #tpu.memory_space<vmem>>
    %dma_wait3A_960 = tpu.memref_squeeze %dma_wait3A_959 : memref<1x64x256xf32, #tpu.memory_space<vmem>> -> memref<64x256xf32, #tpu.memory_space<vmem>>
    %dma_wait3A_961 = tpu.memref_reshape %arg4 : memref<150x1024x256xf32, #tpu.memory_space<hbm>> -> memref<153600x256xf32, #tpu.memory_space<hbm>>
    %dma_wait3A_962 = arith.constant 0 : i32
    %dma_wait3A_963 = arith.constant 0 : i32
    %dma_wait3A_964 = tpu.memref_slice %dma_wait3A_961[%dma_wait3A_962, %dma_wait3A_963] : memref<153600x256xf32, #tpu.memory_space<hbm>> -> memref<64x256xf32, #tpu.memory_space<hbm>>
    %dma_wait3A_965 = tpu.memref_reshape %arg4 : memref<150x1024x256xf32, #tpu.memory_space<hbm>> -> memref<153600x256xf32, #tpu.memory_space<hbm>>
    %dma_wait3A_966 = arith.constant 0 : i32
    %dma_wait3A_967 = arith.constant 0 : i32
    %dma_wait3A_968 = tpu.memref_slice %dma_wait3A_965[%dma_wait3A_966, %dma_wait3A_967] : memref<153600x256xf32, #tpu.memory_space<hbm>> -> memref<64x256xf32, #tpu.memory_space<hbm>>
    %dma_wait3A_969 = arith.constant 0 : i32
    %dma_wait3A_970 = arith.constant 0 : i32
    %dma_wait3A_971 = tpu.memref_slice %arg7[%dma_wait3A_956, %dma_wait3A_969, %dma_wait3A_970] : memref<5x64x256xf32, #tpu.memory_space<vmem>> -> memref<1x64x256xf32, #tpu.memory_space<vmem>>
    %dma_wait3A_972 = tpu.memref_squeeze %dma_wait3A_971 : memref<1x64x256xf32, #tpu.memory_space<vmem>> -> memref<64x256xf32, #tpu.memory_space<vmem>>
    tpu.wait_dma2 semaphore(%arg9 : memref<!tpu.dma_semaphore, #tpu.memory_space<semaphore_mem>>) src(%dma_wait3A_972 : memref<64x256xf32, #tpu.memory_space<vmem>>) dst(%dma_wait3A_968 : memref<64x256xf32, #tpu.memory_space<hbm>>)
    %add3A_973 = arith.constant 64 : i32
    %add3A_974 = arith.addi %mul3A_2, %add3A_973 : i32
    %dma_start3A_975 = arith.constant 1 : i32
    %dma_start3A_976 = arith.constant 0 : i32
    %dma_start3A_977 = arith.constant 0 : i32
    %dma_start3A_978 = tpu.memref_slice %arg7[%dma_start3A_975, %dma_start3A_976, %dma_start3A_977] : memref<5x64x256xf32, #tpu.memory_space<vmem>> -> memref<1x64x256xf32, #tpu.memory_space<vmem>>
    %dma_start3A_979 = tpu.memref_squeeze %dma_start3A_978 : memref<1x64x256xf32, #tpu.memory_space<vmem>> -> memref<64x256xf32, #tpu.memory_space<vmem>>
    %dma_start3A_980 = tpu.memref_reshape %arg4 : memref<150x1024x256xf32, #tpu.memory_space<hbm>> -> memref<153600x256xf32, #tpu.memory_space<hbm>>
    %dma_start3A_981 = arith.constant 0 : i32
    %dma_start3A_982 = tpu.memref_slice %dma_start3A_980[%add3A_974, %dma_start3A_981] : memref<153600x256xf32, #tpu.memory_space<hbm>> -> memref<64x256xf32, #tpu.memory_space<hbm>>
    %dma_start3A_983 = tpu.memref_reshape %arg4 : memref<150x1024x256xf32, #tpu.memory_space<hbm>> -> memref<153600x256xf32, #tpu.memory_space<hbm>>
    %dma_start3A_984 = arith.constant 0 : i32
    %dma_start3A_985 = tpu.memref_slice %dma_start3A_983[%add3A_974, %dma_start3A_984] : memref<153600x256xf32, #tpu.memory_space<hbm>> -> memref<64x256xf32, #tpu.memory_space<hbm>>
    %dma_start3A_986 = arith.constant 0 : i32
    %dma_start3A_987 = arith.constant 0 : i32
    %dma_start3A_988 = tpu.memref_slice %arg7[%dma_start3A_975, %dma_start3A_986, %dma_start3A_987] : memref<5x64x256xf32, #tpu.memory_space<vmem>> -> memref<1x64x256xf32, #tpu.memory_space<vmem>>
    %dma_start3A_989 = tpu.memref_squeeze %dma_start3A_988 : memref<1x64x256xf32, #tpu.memory_space<vmem>> -> memref<64x256xf32, #tpu.memory_space<vmem>>
    tpu.enqueue_dma source(%dma_start3A_989 : memref<64x256xf32, #tpu.memory_space<vmem>>) target(%dma_start3A_985 : memref<64x256xf32, #tpu.memory_space<hbm>>) target_semaphore(%arg9 : memref<!tpu.dma_semaphore, #tpu.memory_space<semaphore_mem>>)
    %dma_wait3A_990 = arith.constant 2 : i32
    %dma_wait3A_991 = arith.constant 0 : i32
    %dma_wait3A_992 = arith.constant 0 : i32
    %dma_wait3A_993 = tpu.memref_slice %arg7[%dma_wait3A_990, %dma_wait3A_991, %dma_wait3A_992] : memref<5x64x256xf32, #tpu.memory_space<vmem>> -> memref<1x64x256xf32, #tpu.memory_space<vmem>>
    %dma_wait3A_994 = tpu.memref_squeeze %dma_wait3A_993 : memref<1x64x256xf32, #tpu.memory_space<vmem>> -> memref<64x256xf32, #tpu.memory_space<vmem>>
    %dma_wait3A_995 = tpu.memref_reshape %arg4 : memref<150x1024x256xf32, #tpu.memory_space<hbm>> -> memref<153600x256xf32, #tpu.memory_space<hbm>>
    %dma_wait3A_996 = arith.constant 0 : i32
    %dma_wait3A_997 = arith.constant 0 : i32
    %dma_wait3A_998 = tpu.memref_slice %dma_wait3A_995[%dma_wait3A_996, %dma_wait3A_997] : memref<153600x256xf32, #tpu.memory_space<hbm>> -> memref<64x256xf32, #tpu.memory_space<hbm>>
    %dma_wait3A_999 = tpu.memref_reshape %arg4 : memref<150x1024x256xf32, #tpu.memory_space<hbm>> -> memref<153600x256xf32, #tpu.memory_space<hbm>>
    %dma_wait3A_1000 = arith.constant 0 : i32
    %dma_wait3A_1001 = arith.constant 0 : i32
    %dma_wait3A_1002 = tpu.memref_slice %dma_wait3A_999[%dma_wait3A_1000, %dma_wait3A_1001] : memref<153600x256xf32, #tpu.memory_space<hbm>> -> memref<64x256xf32, #tpu.memory_space<hbm>>
    %dma_wait3A_1003 = arith.constant 0 : i32
    %dma_wait3A_1004 = arith.constant 0 : i32
    %dma_wait3A_1005 = tpu.memref_slice %arg7[%dma_wait3A_990, %dma_wait3A_1003, %dma_wait3A_1004] : memref<5x64x256xf32, #tpu.memory_space<vmem>> -> memref<1x64x256xf32, #tpu.memory_space<vmem>>
    %dma_wait3A_1006 = tpu.memref_squeeze %dma_wait3A_1005 : memref<1x64x256xf32, #tpu.memory_space<vmem>> -> memref<64x256xf32, #tpu.memory_space<vmem>>
    tpu.wait_dma2 semaphore(%arg10 : memref<!tpu.dma_semaphore, #tpu.memory_space<semaphore_mem>>) src(%dma_wait3A_1006 : memref<64x256xf32, #tpu.memory_space<vmem>>) dst(%dma_wait3A_1002 : memref<64x256xf32, #tpu.memory_space<hbm>>)
    %add3A_1007 = arith.constant 128 : i32
    %add3A_1008 = arith.addi %mul3A_2, %add3A_1007 : i32
    %dma_start3A_1009 = arith.constant 2 : i32
    %dma_start3A_1010 = arith.constant 0 : i32
    %dma_start3A_1011 = arith.constant 0 : i32
    %dma_start3A_1012 = tpu.memref_slice %arg7[%dma_start3A_1009, %dma_start3A_1010, %dma_start3A_1011] : memref<5x64x256xf32, #tpu.memory_space<vmem>> -> memref<1x64x256xf32, #tpu.memory_space<vmem>>
    %dma_start3A_1013 = tpu.memref_squeeze %dma_start3A_1012 : memref<1x64x256xf32, #tpu.memory_space<vmem>> -> memref<64x256xf32, #tpu.memory_space<vmem>>
    %dma_start3A_1014 = tpu.memref_reshape %arg4 : memref<150x1024x256xf32, #tpu.memory_space<hbm>> -> memref<153600x256xf32, #tpu.memory_space<hbm>>
    %dma_start3A_1015 = arith.constant 0 : i32
    %dma_start3A_1016 = tpu.memref_slice %dma_start3A_1014[%add3A_1008, %dma_start3A_1015] : memref<153600x256xf32, #tpu.memory_space<hbm>> -> memref<64x256xf32, #tpu.memory_space<hbm>>
    %dma_start3A_1017 = tpu.memref_reshape %arg4 : memref<150x1024x256xf32, #tpu.memory_space<hbm>> -> memref<153600x256xf32, #tpu.memory_space<hbm>>
    %dma_start3A_1018 = arith.constant 0 : i32
    %dma_start3A_1019 = tpu.memref_slice %dma_start3A_1017[%add3A_1008, %dma_start3A_1018] : memref<153600x256xf32, #tpu.memory_space<hbm>> -> memref<64x256xf32, #tpu.memory_space<hbm>>
    %dma_start3A_1020 = arith.constant 0 : i32
    %dma_start3A_1021 = arith.constant 0 : i32
    %dma_start3A_1022 = tpu.memref_slice %arg7[%dma_start3A_1009, %dma_start3A_1020, %dma_start3A_1021] : memref<5x64x256xf32, #tpu.memory_space<vmem>> -> memref<1x64x256xf32, #tpu.memory_space<vmem>>
    %dma_start3A_1023 = tpu.memref_squeeze %dma_start3A_1022 : memref<1x64x256xf32, #tpu.memory_space<vmem>> -> memref<64x256xf32, #tpu.memory_space<vmem>>
    tpu.enqueue_dma source(%dma_start3A_1023 : memref<64x256xf32, #tpu.memory_space<vmem>>) target(%dma_start3A_1019 : memref<64x256xf32, #tpu.memory_space<hbm>>) target_semaphore(%arg10 : memref<!tpu.dma_semaphore, #tpu.memory_space<semaphore_mem>>)
    %scan3A = arith.constant 0 : i32
    %scan3A_1024 = arith.constant 14 : i32
    %scan3A_1025 = arith.addi %scan3A, %scan3A_1024 : i32
    %scan3A_1026 = arith.constant 1 : i32
    scf.for %scan3A_1181 = %scan3A to %scan3A_1025 step %scan3A_1026  : i32 {
      %mul3A_1182 = arith.constant 1 : i32
      %mul3A_1183 = arith.muli %scan3A_1181, %mul3A_1182 : i32
      %add3A_1184 = arith.constant 0 : i32
      %add3A_1185 = arith.addi %add3A_1184, %mul3A_1183 : i32
      %add3A_1186 = arith.constant 1 : i32
      %add3A_1187 = arith.addi %add3A_1185, %add3A_1186 : i32
      %mul3A_1188 = arith.constant 5 : i32
      %mul3A_1189 = arith.muli %add3A_1187, %mul3A_1188 : i32
      %add3A_1190 = arith.constant 0 : i32
      %add3A_1191 = arith.addi %mul3A_1189, %add3A_1190 : i32
      %dma_wait3A_1192 = arith.constant 0 : i32
      %dma_wait3A_1193 = arith.constant 0 : i32
      %dma_wait3A_1194 = arith.constant 0 : i32
      %dma_wait3A_1195 = tpu.memref_slice %arg7[%dma_wait3A_1192, %dma_wait3A_1193, %dma_wait3A_1194] : memref<5x64x256xf32, #tpu.memory_space<vmem>> -> memref<1x64x256xf32, #tpu.memory_space<vmem>>
      %dma_wait3A_1196 = tpu.memref_squeeze %dma_wait3A_1195 : memref<1x64x256xf32, #tpu.memory_space<vmem>> -> memref<64x256xf32, #tpu.memory_space<vmem>>
      %dma_wait3A_1197 = tpu.memref_reshape %arg4 : memref<150x1024x256xf32, #tpu.memory_space<hbm>> -> memref<153600x256xf32, #tpu.memory_space<hbm>>
      %dma_wait3A_1198 = arith.constant 0 : i32
      %dma_wait3A_1199 = arith.constant 0 : i32
      %dma_wait3A_1200 = tpu.memref_slice %dma_wait3A_1197[%dma_wait3A_1198, %dma_wait3A_1199] : memref<153600x256xf32, #tpu.memory_space<hbm>> -> memref<64x256xf32, #tpu.memory_space<hbm>>
      %dma_wait3A_1201 = tpu.memref_reshape %arg4 : memref<150x1024x256xf32, #tpu.memory_space<hbm>> -> memref<153600x256xf32, #tpu.memory_space<hbm>>
      %dma_wait3A_1202 = arith.constant 0 : i32
      %dma_wait3A_1203 = arith.constant 0 : i32
      %dma_wait3A_1204 = tpu.memref_slice %dma_wait3A_1201[%dma_wait3A_1202, %dma_wait3A_1203] : memref<153600x256xf32, #tpu.memory_space<hbm>> -> memref<64x256xf32, #tpu.memory_space<hbm>>
      %dma_wait3A_1205 = arith.constant 0 : i32
      %dma_wait3A_1206 = arith.constant 0 : i32
      %dma_wait3A_1207 = tpu.memref_slice %arg7[%dma_wait3A_1192, %dma_wait3A_1205, %dma_wait3A_1206] : memref<5x64x256xf32, #tpu.memory_space<vmem>> -> memref<1x64x256xf32, #tpu.memory_space<vmem>>
      %dma_wait3A_1208 = tpu.memref_squeeze %dma_wait3A_1207 : memref<1x64x256xf32, #tpu.memory_space<vmem>> -> memref<64x256xf32, #tpu.memory_space<vmem>>
      tpu.wait_dma2 semaphore(%arg8 : memref<!tpu.dma_semaphore, #tpu.memory_space<semaphore_mem>>) src(%dma_wait3A_1208 : memref<64x256xf32, #tpu.memory_space<vmem>>) dst(%dma_wait3A_1204 : memref<64x256xf32, #tpu.memory_space<hbm>>)
      %dma_start3A_1209 = arith.constant 0 : i32
      %dma_start3A_1210 = arith.constant 0 : i32
      %dma_start3A_1211 = arith.constant 0 : i32
      %dma_start3A_1212 = tpu.memref_slice %arg7[%dma_start3A_1209, %dma_start3A_1210, %dma_start3A_1211] : memref<5x64x256xf32, #tpu.memory_space<vmem>> -> memref<1x64x256xf32, #tpu.memory_space<vmem>>
      %dma_start3A_1213 = tpu.memref_squeeze %dma_start3A_1212 : memref<1x64x256xf32, #tpu.memory_space<vmem>> -> memref<64x256xf32, #tpu.memory_space<vmem>>
      %dma_start3A_1214 = arith.constant 0 : i32
      %dma_start3A_1215 = tpu.memref_slice %arg6[%add3A_1191, %dma_start3A_1214] : memref<75x64xi32, #tpu.memory_space<vmem>> -> memref<1x64xi32, #tpu.memory_space<vmem>>
      %dma_start3A_1216 = tpu.memref_squeeze %dma_start3A_1215 : memref<1x64xi32, #tpu.memory_space<vmem>> -> memref<64xi32, #tpu.memory_space<vmem>>
      %dma_start3A_1217 = tpu.memref_reshape %arg2 : memref<150x1000x256xf32, #tpu.memory_space<hbm>> -> memref<150000x256xf32, #tpu.memory_space<hbm>>
      %dma_start3A_1218 = arith.constant 0 : i32
      %dma_start3A_1219 = arith.constant 0 : i32
      %dma_start3A_1220 = tpu.memref_slice %dma_start3A_1217[%dma_start3A_1218, %dma_start3A_1219] : memref<150000x256xf32, #tpu.memory_space<hbm>> -> memref<150000x256xf32, #tpu.memory_space<hbm>>
      tpu.enqueue_indirect_dma source(%dma_start3A_1220 : memref<150000x256xf32, #tpu.memory_space<hbm>>) target(%dma_start3A_1213 : memref<64x256xf32, #tpu.memory_space<vmem>>) offsets(%dma_start3A_1216 : memref<64xi32, #tpu.memory_space<vmem>>) semaphore(%arg8 : memref<!tpu.dma_semaphore, #tpu.memory_space<semaphore_mem>>)
      %dma_wait3A_1221 = arith.constant 3 : i32
      %dma_wait3A_1222 = arith.constant 0 : i32
      %dma_wait3A_1223 = arith.constant 0 : i32
      %dma_wait3A_1224 = tpu.memref_slice %arg7[%dma_wait3A_1221, %dma_wait3A_1222, %dma_wait3A_1223] : memref<5x64x256xf32, #tpu.memory_space<vmem>> -> memref<1x64x256xf32, #tpu.memory_space<vmem>>
      %dma_wait3A_1225 = tpu.memref_squeeze %dma_wait3A_1224 : memref<1x64x256xf32, #tpu.memory_space<vmem>> -> memref<64x256xf32, #tpu.memory_space<vmem>>
      %dma_wait3A_1226 = tpu.memref_reshape %arg4 : memref<150x1024x256xf32, #tpu.memory_space<hbm>> -> memref<153600x256xf32, #tpu.memory_space<hbm>>
      %dma_wait3A_1227 = arith.constant 0 : i32
      %dma_wait3A_1228 = arith.constant 0 : i32
      %dma_wait3A_1229 = tpu.memref_slice %dma_wait3A_1226[%dma_wait3A_1227, %dma_wait3A_1228] : memref<153600x256xf32, #tpu.memory_space<hbm>> -> memref<64x256xf32, #tpu.memory_space<hbm>>
      %dma_wait3A_1230 = tpu.memref_reshape %arg4 : memref<150x1024x256xf32, #tpu.memory_space<hbm>> -> memref<153600x256xf32, #tpu.memory_space<hbm>>
      %dma_wait3A_1231 = arith.constant 0 : i32
      %dma_wait3A_1232 = arith.constant 0 : i32
      %dma_wait3A_1233 = tpu.memref_slice %dma_wait3A_1230[%dma_wait3A_1231, %dma_wait3A_1232] : memref<153600x256xf32, #tpu.memory_space<hbm>> -> memref<64x256xf32, #tpu.memory_space<hbm>>
      %dma_wait3A_1234 = arith.constant 0 : i32
      %dma_wait3A_1235 = arith.constant 0 : i32
      %dma_wait3A_1236 = tpu.memref_slice %arg7[%dma_wait3A_1221, %dma_wait3A_1234, %dma_wait3A_1235] : memref<5x64x256xf32, #tpu.memory_space<vmem>> -> memref<1x64x256xf32, #tpu.memory_space<vmem>>
      %dma_wait3A_1237 = tpu.memref_squeeze %dma_wait3A_1236 : memref<1x64x256xf32, #tpu.memory_space<vmem>> -> memref<64x256xf32, #tpu.memory_space<vmem>>
      tpu.wait_dma2 semaphore(%arg11 : memref<!tpu.dma_semaphore, #tpu.memory_space<semaphore_mem>>) src(%dma_wait3A_1237 : memref<64x256xf32, #tpu.memory_space<vmem>>) dst(%dma_wait3A_1233 : memref<64x256xf32, #tpu.memory_space<hbm>>)
      %sub3A = arith.constant 2 : i32
      %sub3A_1238 = arith.subi %add3A_1191, %sub3A : i32
      %mul3A_1239 = arith.constant 64 : i32
      %mul3A_1240 = arith.muli %sub3A_1238, %mul3A_1239 : i32
      %add3A_1241 = arith.addi %mul3A_2, %mul3A_1240 : i32
      %dma_start3A_1242 = arith.constant 3 : i32
      %dma_start3A_1243 = arith.constant 0 : i32
      %dma_start3A_1244 = arith.constant 0 : i32
      %dma_start3A_1245 = tpu.memref_slice %arg7[%dma_start3A_1242, %dma_start3A_1243, %dma_start3A_1244] : memref<5x64x256xf32, #tpu.memory_space<vmem>> -> memref<1x64x256xf32, #tpu.memory_space<vmem>>
      %dma_start3A_1246 = tpu.memref_squeeze %dma_start3A_1245 : memref<1x64x256xf32, #tpu.memory_space<vmem>> -> memref<64x256xf32, #tpu.memory_space<vmem>>
      %dma_start3A_1247 = tpu.memref_reshape %arg4 : memref<150x1024x256xf32, #tpu.memory_space<hbm>> -> memref<153600x256xf32, #tpu.memory_space<hbm>>
      %dma_start3A_1248 = arith.constant 0 : i32
      %dma_start3A_1249 = tpu.memref_slice %dma_start3A_1247[%add3A_1241, %dma_start3A_1248] : memref<153600x256xf32, #tpu.memory_space<hbm>> -> memref<64x256xf32, #tpu.memory_space<hbm>>
      %dma_start3A_1250 = tpu.memref_reshape %arg4 : memref<150x1024x256xf32, #tpu.memory_space<hbm>> -> memref<153600x256xf32, #tpu.memory_space<hbm>>
      %dma_start3A_1251 = arith.constant 0 : i32
      %dma_start3A_1252 = tpu.memref_slice %dma_start3A_1250[%add3A_1241, %dma_start3A_1251] : memref<153600x256xf32, #tpu.memory_space<hbm>> -> memref<64x256xf32, #tpu.memory_space<hbm>>
      %dma_start3A_1253 = arith.constant 0 : i32
      %dma_start3A_1254 = arith.constant 0 : i32
      %dma_start3A_1255 = tpu.memref_slice %arg7[%dma_start3A_1242, %dma_start3A_1253, %dma_start3A_1254] : memref<5x64x256xf32, #tpu.memory_space<vmem>> -> memref<1x64x256xf32, #tpu.memory_space<vmem>>
      %dma_start3A_1256 = tpu.memref_squeeze %dma_start3A_1255 : memref<1x64x256xf32, #tpu.memory_space<vmem>> -> memref<64x256xf32, #tpu.memory_space<vmem>>
      tpu.enqueue_dma source(%dma_start3A_1256 : memref<64x256xf32, #tpu.memory_space<vmem>>) target(%dma_start3A_1252 : memref<64x256xf32, #tpu.memory_space<hbm>>) target_semaphore(%arg11 : memref<!tpu.dma_semaphore, #tpu.memory_space<semaphore_mem>>)
      %mul3A_1257 = arith.constant 5 : i32
      %mul3A_1258 = arith.muli %add3A_1187, %mul3A_1257 : i32
      %add3A_1259 = arith.constant 1 : i32
      %add3A_1260 = arith.addi %mul3A_1258, %add3A_1259 : i32
      %dma_wait3A_1261 = arith.constant 1 : i32
      %dma_wait3A_1262 = arith.constant 0 : i32
      %dma_wait3A_1263 = arith.constant 0 : i32
      %dma_wait3A_1264 = tpu.memref_slice %arg7[%dma_wait3A_1261, %dma_wait3A_1262, %dma_wait3A_1263] : memref<5x64x256xf32, #tpu.memory_space<vmem>> -> memref<1x64x256xf32, #tpu.memory_space<vmem>>
      %dma_wait3A_1265 = tpu.memref_squeeze %dma_wait3A_1264 : memref<1x64x256xf32, #tpu.memory_space<vmem>> -> memref<64x256xf32, #tpu.memory_space<vmem>>
      %dma_wait3A_1266 = tpu.memref_reshape %arg4 : memref<150x1024x256xf32, #tpu.memory_space<hbm>> -> memref<153600x256xf32, #tpu.memory_space<hbm>>
      %dma_wait3A_1267 = arith.constant 0 : i32
      %dma_wait3A_1268 = arith.constant 0 : i32
      %dma_wait3A_1269 = tpu.memref_slice %dma_wait3A_1266[%dma_wait3A_1267, %dma_wait3A_1268] : memref<153600x256xf32, #tpu.memory_space<hbm>> -> memref<64x256xf32, #tpu.memory_space<hbm>>
      %dma_wait3A_1270 = tpu.memref_reshape %arg4 : memref<150x1024x256xf32, #tpu.memory_space<hbm>> -> memref<153600x256xf32, #tpu.memory_space<hbm>>
      %dma_wait3A_1271 = arith.constant 0 : i32
      %dma_wait3A_1272 = arith.constant 0 : i32
      %dma_wait3A_1273 = tpu.memref_slice %dma_wait3A_1270[%dma_wait3A_1271, %dma_wait3A_1272] : memref<153600x256xf32, #tpu.memory_space<hbm>> -> memref<64x256xf32, #tpu.memory_space<hbm>>
      %dma_wait3A_1274 = arith.constant 0 : i32
      %dma_wait3A_1275 = arith.constant 0 : i32
      %dma_wait3A_1276 = tpu.memref_slice %arg7[%dma_wait3A_1261, %dma_wait3A_1274, %dma_wait3A_1275] : memref<5x64x256xf32, #tpu.memory_space<vmem>> -> memref<1x64x256xf32, #tpu.memory_space<vmem>>
      %dma_wait3A_1277 = tpu.memref_squeeze %dma_wait3A_1276 : memref<1x64x256xf32, #tpu.memory_space<vmem>> -> memref<64x256xf32, #tpu.memory_space<vmem>>
      tpu.wait_dma2 semaphore(%arg9 : memref<!tpu.dma_semaphore, #tpu.memory_space<semaphore_mem>>) src(%dma_wait3A_1277 : memref<64x256xf32, #tpu.memory_space<vmem>>) dst(%dma_wait3A_1273 : memref<64x256xf32, #tpu.memory_space<hbm>>)
      %dma_start3A_1278 = arith.constant 1 : i32
      %dma_start3A_1279 = arith.constant 0 : i32
      %dma_start3A_1280 = arith.constant 0 : i32
      %dma_start3A_1281 = tpu.memref_slice %arg7[%dma_start3A_1278, %dma_start3A_1279, %dma_start3A_1280] : memref<5x64x256xf32, #tpu.memory_space<vmem>> -> memref<1x64x256xf32, #tpu.memory_space<vmem>>
      %dma_start3A_1282 = tpu.memref_squeeze %dma_start3A_1281 : memref<1x64x256xf32, #tpu.memory_space<vmem>> -> memref<64x256xf32, #tpu.memory_space<vmem>>
      %dma_start3A_1283 = arith.constant 0 : i32
      %dma_start3A_1284 = tpu.memref_slice %arg6[%add3A_1260, %dma_start3A_1283] : memref<75x64xi32, #tpu.memory_space<vmem>> -> memref<1x64xi32, #tpu.memory_space<vmem>>
      %dma_start3A_1285 = tpu.memref_squeeze %dma_start3A_1284 : memref<1x64xi32, #tpu.memory_space<vmem>> -> memref<64xi32, #tpu.memory_space<vmem>>
      %dma_start3A_1286 = tpu.memref_reshape %arg2 : memref<150x1000x256xf32, #tpu.memory_space<hbm>> -> memref<150000x256xf32, #tpu.memory_space<hbm>>
      %dma_start3A_1287 = arith.constant 0 : i32
      %dma_start3A_1288 = arith.constant 0 : i32
      %dma_start3A_1289 = tpu.memref_slice %dma_start3A_1286[%dma_start3A_1287, %dma_start3A_1288] : memref<150000x256xf32, #tpu.memory_space<hbm>> -> memref<150000x256xf32, #tpu.memory_space<hbm>>
      tpu.enqueue_indirect_dma source(%dma_start3A_1289 : memref<150000x256xf32, #tpu.memory_space<hbm>>) target(%dma_start3A_1282 : memref<64x256xf32, #tpu.memory_space<vmem>>) offsets(%dma_start3A_1285 : memref<64xi32, #tpu.memory_space<vmem>>) semaphore(%arg9 : memref<!tpu.dma_semaphore, #tpu.memory_space<semaphore_mem>>)
      %dma_wait3A_1290 = arith.constant 4 : i32
      %dma_wait3A_1291 = arith.constant 0 : i32
      %dma_wait3A_1292 = arith.constant 0 : i32
      %dma_wait3A_1293 = tpu.memref_slice %arg7[%dma_wait3A_1290, %dma_wait3A_1291, %dma_wait3A_1292] : memref<5x64x256xf32, #tpu.memory_space<vmem>> -> memref<1x64x256xf32, #tpu.memory_space<vmem>>
      %dma_wait3A_1294 = tpu.memref_squeeze %dma_wait3A_1293 : memref<1x64x256xf32, #tpu.memory_space<vmem>> -> memref<64x256xf32, #tpu.memory_space<vmem>>
      %dma_wait3A_1295 = tpu.memref_reshape %arg4 : memref<150x1024x256xf32, #tpu.memory_space<hbm>> -> memref<153600x256xf32, #tpu.memory_space<hbm>>
      %dma_wait3A_1296 = arith.constant 0 : i32
      %dma_wait3A_1297 = arith.constant 0 : i32
      %dma_wait3A_1298 = tpu.memref_slice %dma_wait3A_1295[%dma_wait3A_1296, %dma_wait3A_1297] : memref<153600x256xf32, #tpu.memory_space<hbm>> -> memref<64x256xf32, #tpu.memory_space<hbm>>
      %dma_wait3A_1299 = tpu.memref_reshape %arg4 : memref<150x1024x256xf32, #tpu.memory_space<hbm>> -> memref<153600x256xf32, #tpu.memory_space<hbm>>
      %dma_wait3A_1300 = arith.constant 0 : i32
      %dma_wait3A_1301 = arith.constant 0 : i32
      %dma_wait3A_1302 = tpu.memref_slice %dma_wait3A_1299[%dma_wait3A_1300, %dma_wait3A_1301] : memref<153600x256xf32, #tpu.memory_space<hbm>> -> memref<64x256xf32, #tpu.memory_space<hbm>>
      %dma_wait3A_1303 = arith.constant 0 : i32
      %dma_wait3A_1304 = arith.constant 0 : i32
      %dma_wait3A_1305 = tpu.memref_slice %arg7[%dma_wait3A_1290, %dma_wait3A_1303, %dma_wait3A_1304] : memref<5x64x256xf32, #tpu.memory_space<vmem>> -> memref<1x64x256xf32, #tpu.memory_space<vmem>>
      %dma_wait3A_1306 = tpu.memref_squeeze %dma_wait3A_1305 : memref<1x64x256xf32, #tpu.memory_space<vmem>> -> memref<64x256xf32, #tpu.memory_space<vmem>>
      tpu.wait_dma2 semaphore(%arg12 : memref<!tpu.dma_semaphore, #tpu.memory_space<semaphore_mem>>) src(%dma_wait3A_1306 : memref<64x256xf32, #tpu.memory_space<vmem>>) dst(%dma_wait3A_1302 : memref<64x256xf32, #tpu.memory_space<hbm>>)
      %sub3A_1307 = arith.constant 2 : i32
      %sub3A_1308 = arith.subi %add3A_1260, %sub3A_1307 : i32
      %mul3A_1309 = arith.constant 64 : i32
      %mul3A_1310 = arith.muli %sub3A_1308, %mul3A_1309 : i32
      %add3A_1311 = arith.addi %mul3A_2, %mul3A_1310 : i32
      %dma_start3A_1312 = arith.constant 4 : i32
      %dma_start3A_1313 = arith.constant 0 : i32
      %dma_start3A_1314 = arith.constant 0 : i32
      %dma_start3A_1315 = tpu.memref_slice %arg7[%dma_start3A_1312, %dma_start3A_1313, %dma_start3A_1314] : memref<5x64x256xf32, #tpu.memory_space<vmem>> -> memref<1x64x256xf32, #tpu.memory_space<vmem>>
      %dma_start3A_1316 = tpu.memref_squeeze %dma_start3A_1315 : memref<1x64x256xf32, #tpu.memory_space<vmem>> -> memref<64x256xf32, #tpu.memory_space<vmem>>
      %dma_start3A_1317 = tpu.memref_reshape %arg4 : memref<150x1024x256xf32, #tpu.memory_space<hbm>> -> memref<153600x256xf32, #tpu.memory_space<hbm>>
      %dma_start3A_1318 = arith.constant 0 : i32
      %dma_start3A_1319 = tpu.memref_slice %dma_start3A_1317[%add3A_1311, %dma_start3A_1318] : memref<153600x256xf32, #tpu.memory_space<hbm>> -> memref<64x256xf32, #tpu.memory_space<hbm>>
      %dma_start3A_1320 = tpu.memref_reshape %arg4 : memref<150x1024x256xf32, #tpu.memory_space<hbm>> -> memref<153600x256xf32, #tpu.memory_space<hbm>>
      %dma_start3A_1321 = arith.constant 0 : i32
      %dma_start3A_1322 = tpu.memref_slice %dma_start3A_1320[%add3A_1311, %dma_start3A_1321] : memref<153600x256xf32, #tpu.memory_space<hbm>> -> memref<64x256xf32, #tpu.memory_space<hbm>>
      %dma_start3A_1323 = arith.constant 0 : i32
      %dma_start3A_1324 = arith.constant 0 : i32
      %dma_start3A_1325 = tpu.memref_slice %arg7[%dma_start3A_1312, %dma_start3A_1323, %dma_start3A_1324] : memref<5x64x256xf32, #tpu.memory_space<vmem>> -> memref<1x64x256xf32, #tpu.memory_space<vmem>>
      %dma_start3A_1326 = tpu.memref_squeeze %dma_start3A_1325 : memref<1x64x256xf32, #tpu.memory_space<vmem>> -> memref<64x256xf32, #tpu.memory_space<vmem>>
      tpu.enqueue_dma source(%dma_start3A_1326 : memref<64x256xf32, #tpu.memory_space<vmem>>) target(%dma_start3A_1322 : memref<64x256xf32, #tpu.memory_space<hbm>>) target_semaphore(%arg12 : memref<!tpu.dma_semaphore, #tpu.memory_space<semaphore_mem>>)
      %mul3A_1327 = arith.constant 5 : i32
      %mul3A_1328 = arith.muli %add3A_1187, %mul3A_1327 : i32
      %add3A_1329 = arith.constant 2 : i32
      %add3A_1330 = arith.addi %mul3A_1328, %add3A_1329 : i32
      %dma_wait3A_1331 = arith.constant 2 : i32
      %dma_wait3A_1332 = arith.constant 0 : i32
      %dma_wait3A_1333 = arith.constant 0 : i32
      %dma_wait3A_1334 = tpu.memref_slice %arg7[%dma_wait3A_1331, %dma_wait3A_1332, %dma_wait3A_1333] : memref<5x64x256xf32, #tpu.memory_space<vmem>> -> memref<1x64x256xf32, #tpu.memory_space<vmem>>
      %dma_wait3A_1335 = tpu.memref_squeeze %dma_wait3A_1334 : memref<1x64x256xf32, #tpu.memory_space<vmem>> -> memref<64x256xf32, #tpu.memory_space<vmem>>
      %dma_wait3A_1336 = tpu.memref_reshape %arg4 : memref<150x1024x256xf32, #tpu.memory_space<hbm>> -> memref<153600x256xf32, #tpu.memory_space<hbm>>
      %dma_wait3A_1337 = arith.constant 0 : i32
      %dma_wait3A_1338 = arith.constant 0 : i32
      %dma_wait3A_1339 = tpu.memref_slice %dma_wait3A_1336[%dma_wait3A_1337, %dma_wait3A_1338] : memref<153600x256xf32, #tpu.memory_space<hbm>> -> memref<64x256xf32, #tpu.memory_space<hbm>>
      %dma_wait3A_1340 = tpu.memref_reshape %arg4 : memref<150x1024x256xf32, #tpu.memory_space<hbm>> -> memref<153600x256xf32, #tpu.memory_space<hbm>>
      %dma_wait3A_1341 = arith.constant 0 : i32
      %dma_wait3A_1342 = arith.constant 0 : i32
      %dma_wait3A_1343 = tpu.memref_slice %dma_wait3A_1340[%dma_wait3A_1341, %dma_wait3A_1342] : memref<153600x256xf32, #tpu.memory_space<hbm>> -> memref<64x256xf32, #tpu.memory_space<hbm>>
      %dma_wait3A_1344 = arith.constant 0 : i32
      %dma_wait3A_1345 = arith.constant 0 : i32
      %dma_wait3A_1346 = tpu.memref_slice %arg7[%dma_wait3A_1331, %dma_wait3A_1344, %dma_wait3A_1345] : memref<5x64x256xf32, #tpu.memory_space<vmem>> -> memref<1x64x256xf32, #tpu.memory_space<vmem>>
      %dma_wait3A_1347 = tpu.memref_squeeze %dma_wait3A_1346 : memref<1x64x256xf32, #tpu.memory_space<vmem>> -> memref<64x256xf32, #tpu.memory_space<vmem>>
      tpu.wait_dma2 semaphore(%arg10 : memref<!tpu.dma_semaphore, #tpu.memory_space<semaphore_mem>>) src(%dma_wait3A_1347 : memref<64x256xf32, #tpu.memory_space<vmem>>) dst(%dma_wait3A_1343 : memref<64x256xf32, #tpu.memory_space<hbm>>)
      %dma_start3A_1348 = arith.constant 2 : i32
      %dma_start3A_1349 = arith.constant 0 : i32
      %dma_start3A_1350 = arith.constant 0 : i32
      %dma_start3A_1351 = tpu.memref_slice %arg7[%dma_start3A_1348, %dma_start3A_1349, %dma_start3A_1350] : memref<5x64x256xf32, #tpu.memory_space<vmem>> -> memref<1x64x256xf32, #tpu.memory_space<vmem>>
      %dma_start3A_1352 = tpu.memref_squeeze %dma_start3A_1351 : memref<1x64x256xf32, #tpu.memory_space<vmem>> -> memref<64x256xf32, #tpu.memory_space<vmem>>
      %dma_start3A_1353 = arith.constant 0 : i32
      %dma_start3A_1354 = tpu.memref_slice %arg6[%add3A_1330, %dma_start3A_1353] : memref<75x64xi32, #tpu.memory_space<vmem>> -> memref<1x64xi32, #tpu.memory_space<vmem>>
      %dma_start3A_1355 = tpu.memref_squeeze %dma_start3A_1354 : memref<1x64xi32, #tpu.memory_space<vmem>> -> memref<64xi32, #tpu.memory_space<vmem>>
      %dma_start3A_1356 = tpu.memref_reshape %arg2 : memref<150x1000x256xf32, #tpu.memory_space<hbm>> -> memref<150000x256xf32, #tpu.memory_space<hbm>>
      %dma_start3A_1357 = arith.constant 0 : i32
      %dma_start3A_1358 = arith.constant 0 : i32
      %dma_start3A_1359 = tpu.memref_slice %dma_start3A_1356[%dma_start3A_1357, %dma_start3A_1358] : memref<150000x256xf32, #tpu.memory_space<hbm>> -> memref<150000x256xf32, #tpu.memory_space<hbm>>
      tpu.enqueue_indirect_dma source(%dma_start3A_1359 : memref<150000x256xf32, #tpu.memory_space<hbm>>) target(%dma_start3A_1352 : memref<64x256xf32, #tpu.memory_space<vmem>>) offsets(%dma_start3A_1355 : memref<64xi32, #tpu.memory_space<vmem>>) semaphore(%arg10 : memref<!tpu.dma_semaphore, #tpu.memory_space<semaphore_mem>>)
      %dma_wait3A_1360 = arith.constant 0 : i32
      %dma_wait3A_1361 = arith.constant 0 : i32
      %dma_wait3A_1362 = arith.constant 0 : i32
      %dma_wait3A_1363 = tpu.memref_slice %arg7[%dma_wait3A_1360, %dma_wait3A_1361, %dma_wait3A_1362] : memref<5x64x256xf32, #tpu.memory_space<vmem>> -> memref<1x64x256xf32, #tpu.memory_space<vmem>>
      %dma_wait3A_1364 = tpu.memref_squeeze %dma_wait3A_1363 : memref<1x64x256xf32, #tpu.memory_space<vmem>> -> memref<64x256xf32, #tpu.memory_space<vmem>>
      %dma_wait3A_1365 = tpu.memref_reshape %arg4 : memref<150x1024x256xf32, #tpu.memory_space<hbm>> -> memref<153600x256xf32, #tpu.memory_space<hbm>>
      %dma_wait3A_1366 = arith.constant 0 : i32
      %dma_wait3A_1367 = arith.constant 0 : i32
      %dma_wait3A_1368 = tpu.memref_slice %dma_wait3A_1365[%dma_wait3A_1366, %dma_wait3A_1367] : memref<153600x256xf32, #tpu.memory_space<hbm>> -> memref<64x256xf32, #tpu.memory_space<hbm>>
      %dma_wait3A_1369 = tpu.memref_reshape %arg4 : memref<150x1024x256xf32, #tpu.memory_space<hbm>> -> memref<153600x256xf32, #tpu.memory_space<hbm>>
      %dma_wait3A_1370 = arith.constant 0 : i32
      %dma_wait3A_1371 = arith.constant 0 : i32
      %dma_wait3A_1372 = tpu.memref_slice %dma_wait3A_1369[%dma_wait3A_1370, %dma_wait3A_1371] : memref<153600x256xf32, #tpu.memory_space<hbm>> -> memref<64x256xf32, #tpu.memory_space<hbm>>
      %dma_wait3A_1373 = arith.constant 0 : i32
      %dma_wait3A_1374 = arith.constant 0 : i32
      %dma_wait3A_1375 = tpu.memref_slice %arg7[%dma_wait3A_1360, %dma_wait3A_1373, %dma_wait3A_1374] : memref<5x64x256xf32, #tpu.memory_space<vmem>> -> memref<1x64x256xf32, #tpu.memory_space<vmem>>
      %dma_wait3A_1376 = tpu.memref_squeeze %dma_wait3A_1375 : memref<1x64x256xf32, #tpu.memory_space<vmem>> -> memref<64x256xf32, #tpu.memory_space<vmem>>
      tpu.wait_dma2 semaphore(%arg8 : memref<!tpu.dma_semaphore, #tpu.memory_space<semaphore_mem>>) src(%dma_wait3A_1376 : memref<64x256xf32, #tpu.memory_space<vmem>>) dst(%dma_wait3A_1372 : memref<64x256xf32, #tpu.memory_space<hbm>>)
      %sub3A_1377 = arith.constant 2 : i32
      %sub3A_1378 = arith.subi %add3A_1330, %sub3A_1377 : i32
      %mul3A_1379 = arith.constant 64 : i32
      %mul3A_1380 = arith.muli %sub3A_1378, %mul3A_1379 : i32
      %add3A_1381 = arith.addi %mul3A_2, %mul3A_1380 : i32
      %dma_start3A_1382 = arith.constant 0 : i32
      %dma_start3A_1383 = arith.constant 0 : i32
      %dma_start3A_1384 = arith.constant 0 : i32
      %dma_start3A_1385 = tpu.memref_slice %arg7[%dma_start3A_1382, %dma_start3A_1383, %dma_start3A_1384] : memref<5x64x256xf32, #tpu.memory_space<vmem>> -> memref<1x64x256xf32, #tpu.memory_space<vmem>>
      %dma_start3A_1386 = tpu.memref_squeeze %dma_start3A_1385 : memref<1x64x256xf32, #tpu.memory_space<vmem>> -> memref<64x256xf32, #tpu.memory_space<vmem>>
      %dma_start3A_1387 = tpu.memref_reshape %arg4 : memref<150x1024x256xf32, #tpu.memory_space<hbm>> -> memref<153600x256xf32, #tpu.memory_space<hbm>>
      %dma_start3A_1388 = arith.constant 0 : i32
      %dma_start3A_1389 = tpu.memref_slice %dma_start3A_1387[%add3A_1381, %dma_start3A_1388] : memref<153600x256xf32, #tpu.memory_space<hbm>> -> memref<64x256xf32, #tpu.memory_space<hbm>>
      %dma_start3A_1390 = tpu.memref_reshape %arg4 : memref<150x1024x256xf32, #tpu.memory_space<hbm>> -> memref<153600x256xf32, #tpu.memory_space<hbm>>
      %dma_start3A_1391 = arith.constant 0 : i32
      %dma_start3A_1392 = tpu.memref_slice %dma_start3A_1390[%add3A_1381, %dma_start3A_1391] : memref<153600x256xf32, #tpu.memory_space<hbm>> -> memref<64x256xf32, #tpu.memory_space<hbm>>
      %dma_start3A_1393 = arith.constant 0 : i32
      %dma_start3A_1394 = arith.constant 0 : i32
      %dma_start3A_1395 = tpu.memref_slice %arg7[%dma_start3A_1382, %dma_start3A_1393, %dma_start3A_1394] : memref<5x64x256xf32, #tpu.memory_space<vmem>> -> memref<1x64x256xf32, #tpu.memory_space<vmem>>
      %dma_start3A_1396 = tpu.memref_squeeze %dma_start3A_1395 : memref<1x64x256xf32, #tpu.memory_space<vmem>> -> memref<64x256xf32, #tpu.memory_space<vmem>>
      tpu.enqueue_dma source(%dma_start3A_1396 : memref<64x256xf32, #tpu.memory_space<vmem>>) target(%dma_start3A_1392 : memref<64x256xf32, #tpu.memory_space<hbm>>) target_semaphore(%arg8 : memref<!tpu.dma_semaphore, #tpu.memory_space<semaphore_mem>>)
      %mul3A_1397 = arith.constant 5 : i32
      %mul3A_1398 = arith.muli %add3A_1187, %mul3A_1397 : i32
      %add3A_1399 = arith.constant 3 : i32
      %add3A_1400 = arith.addi %mul3A_1398, %add3A_1399 : i32
      %dma_wait3A_1401 = arith.constant 3 : i32
      %dma_wait3A_1402 = arith.constant 0 : i32
      %dma_wait3A_1403 = arith.constant 0 : i32
      %dma_wait3A_1404 = tpu.memref_slice %arg7[%dma_wait3A_1401, %dma_wait3A_1402, %dma_wait3A_1403] : memref<5x64x256xf32, #tpu.memory_space<vmem>> -> memref<1x64x256xf32, #tpu.memory_space<vmem>>
      %dma_wait3A_1405 = tpu.memref_squeeze %dma_wait3A_1404 : memref<1x64x256xf32, #tpu.memory_space<vmem>> -> memref<64x256xf32, #tpu.memory_space<vmem>>
      %dma_wait3A_1406 = tpu.memref_reshape %arg4 : memref<150x1024x256xf32, #tpu.memory_space<hbm>> -> memref<153600x256xf32, #tpu.memory_space<hbm>>
      %dma_wait3A_1407 = arith.constant 0 : i32
      %dma_wait3A_1408 = arith.constant 0 : i32
      %dma_wait3A_1409 = tpu.memref_slice %dma_wait3A_1406[%dma_wait3A_1407, %dma_wait3A_1408] : memref<153600x256xf32, #tpu.memory_space<hbm>> -> memref<64x256xf32, #tpu.memory_space<hbm>>
      %dma_wait3A_1410 = tpu.memref_reshape %arg4 : memref<150x1024x256xf32, #tpu.memory_space<hbm>> -> memref<153600x256xf32, #tpu.memory_space<hbm>>
      %dma_wait3A_1411 = arith.constant 0 : i32
      %dma_wait3A_1412 = arith.constant 0 : i32
      %dma_wait3A_1413 = tpu.memref_slice %dma_wait3A_1410[%dma_wait3A_1411, %dma_wait3A_1412] : memref<153600x256xf32, #tpu.memory_space<hbm>> -> memref<64x256xf32, #tpu.memory_space<hbm>>
      %dma_wait3A_1414 = arith.constant 0 : i32
      %dma_wait3A_1415 = arith.constant 0 : i32
      %dma_wait3A_1416 = tpu.memref_slice %arg7[%dma_wait3A_1401, %dma_wait3A_1414, %dma_wait3A_1415] : memref<5x64x256xf32, #tpu.memory_space<vmem>> -> memref<1x64x256xf32, #tpu.memory_space<vmem>>
      %dma_wait3A_1417 = tpu.memref_squeeze %dma_wait3A_1416 : memref<1x64x256xf32, #tpu.memory_space<vmem>> -> memref<64x256xf32, #tpu.memory_space<vmem>>
      tpu.wait_dma2 semaphore(%arg11 : memref<!tpu.dma_semaphore, #tpu.memory_space<semaphore_mem>>) src(%dma_wait3A_1417 : memref<64x256xf32, #tpu.memory_space<vmem>>) dst(%dma_wait3A_1413 : memref<64x256xf32, #tpu.memory_space<hbm>>)
      %dma_start3A_1418 = arith.constant 3 : i32
      %dma_start3A_1419 = arith.constant 0 : i32
      %dma_start3A_1420 = arith.constant 0 : i32
      %dma_start3A_1421 = tpu.memref_slice %arg7[%dma_start3A_1418, %dma_start3A_1419, %dma_start3A_1420] : memref<5x64x256xf32, #tpu.memory_space<vmem>> -> memref<1x64x256xf32, #tpu.memory_space<vmem>>
      %dma_start3A_1422 = tpu.memref_squeeze %dma_start3A_1421 : memref<1x64x256xf32, #tpu.memory_space<vmem>> -> memref<64x256xf32, #tpu.memory_space<vmem>>
      %dma_start3A_1423 = arith.constant 0 : i32
      %dma_start3A_1424 = tpu.memref_slice %arg6[%add3A_1400, %dma_start3A_1423] : memref<75x64xi32, #tpu.memory_space<vmem>> -> memref<1x64xi32, #tpu.memory_space<vmem>>
      %dma_start3A_1425 = tpu.memref_squeeze %dma_start3A_1424 : memref<1x64xi32, #tpu.memory_space<vmem>> -> memref<64xi32, #tpu.memory_space<vmem>>
      %dma_start3A_1426 = tpu.memref_reshape %arg2 : memref<150x1000x256xf32, #tpu.memory_space<hbm>> -> memref<150000x256xf32, #tpu.memory_space<hbm>>
      %dma_start3A_1427 = arith.constant 0 : i32
      %dma_start3A_1428 = arith.constant 0 : i32
      %dma_start3A_1429 = tpu.memref_slice %dma_start3A_1426[%dma_start3A_1427, %dma_start3A_1428] : memref<150000x256xf32, #tpu.memory_space<hbm>> -> memref<150000x256xf32, #tpu.memory_space<hbm>>
      tpu.enqueue_indirect_dma source(%dma_start3A_1429 : memref<150000x256xf32, #tpu.memory_space<hbm>>) target(%dma_start3A_1422 : memref<64x256xf32, #tpu.memory_space<vmem>>) offsets(%dma_start3A_1425 : memref<64xi32, #tpu.memory_space<vmem>>) semaphore(%arg11 : memref<!tpu.dma_semaphore, #tpu.memory_space<semaphore_mem>>)
      %dma_wait3A_1430 = arith.constant 1 : i32
      %dma_wait3A_1431 = arith.constant 0 : i32
      %dma_wait3A_1432 = arith.constant 0 : i32
      %dma_wait3A_1433 = tpu.memref_slice %arg7[%dma_wait3A_1430, %dma_wait3A_1431, %dma_wait3A_1432] : memref<5x64x256xf32, #tpu.memory_space<vmem>> -> memref<1x64x256xf32, #tpu.memory_space<vmem>>
      %dma_wait3A_1434 = tpu.memref_squeeze %dma_wait3A_1433 : memref<1x64x256xf32, #tpu.memory_space<vmem>> -> memref<64x256xf32, #tpu.memory_space<vmem>>
      %dma_wait3A_1435 = tpu.memref_reshape %arg4 : memref<150x1024x256xf32, #tpu.memory_space<hbm>> -> memref<153600x256xf32, #tpu.memory_space<hbm>>
      %dma_wait3A_1436 = arith.constant 0 : i32
      %dma_wait3A_1437 = arith.constant 0 : i32
      %dma_wait3A_1438 = tpu.memref_slice %dma_wait3A_1435[%dma_wait3A_1436, %dma_wait3A_1437] : memref<153600x256xf32, #tpu.memory_space<hbm>> -> memref<64x256xf32, #tpu.memory_space<hbm>>
      %dma_wait3A_1439 = tpu.memref_reshape %arg4 : memref<150x1024x256xf32, #tpu.memory_space<hbm>> -> memref<153600x256xf32, #tpu.memory_space<hbm>>
      %dma_wait3A_1440 = arith.constant 0 : i32
      %dma_wait3A_1441 = arith.constant 0 : i32
      %dma_wait3A_1442 = tpu.memref_slice %dma_wait3A_1439[%dma_wait3A_1440, %dma_wait3A_1441] : memref<153600x256xf32, #tpu.memory_space<hbm>> -> memref<64x256xf32, #tpu.memory_space<hbm>>
      %dma_wait3A_1443 = arith.constant 0 : i32
      %dma_wait3A_1444 = arith.constant 0 : i32
      %dma_wait3A_1445 = tpu.memref_slice %arg7[%dma_wait3A_1430, %dma_wait3A_1443, %dma_wait3A_1444] : memref<5x64x256xf32, #tpu.memory_space<vmem>> -> memref<1x64x256xf32, #tpu.memory_space<vmem>>
      %dma_wait3A_1446 = tpu.memref_squeeze %dma_wait3A_1445 : memref<1x64x256xf32, #tpu.memory_space<vmem>> -> memref<64x256xf32, #tpu.memory_space<vmem>>
      tpu.wait_dma2 semaphore(%arg9 : memref<!tpu.dma_semaphore, #tpu.memory_space<semaphore_mem>>) src(%dma_wait3A_1446 : memref<64x256xf32, #tpu.memory_space<vmem>>) dst(%dma_wait3A_1442 : memref<64x256xf32, #tpu.memory_space<hbm>>)
      %sub3A_1447 = arith.constant 2 : i32
      %sub3A_1448 = arith.subi %add3A_1400, %sub3A_1447 : i32
      %mul3A_1449 = arith.constant 64 : i32
      %mul3A_1450 = arith.muli %sub3A_1448, %mul3A_1449 : i32
      %add3A_1451 = arith.addi %mul3A_2, %mul3A_1450 : i32
      %dma_start3A_1452 = arith.constant 1 : i32
      %dma_start3A_1453 = arith.constant 0 : i32
      %dma_start3A_1454 = arith.constant 0 : i32
      %dma_start3A_1455 = tpu.memref_slice %arg7[%dma_start3A_1452, %dma_start3A_1453, %dma_start3A_1454] : memref<5x64x256xf32, #tpu.memory_space<vmem>> -> memref<1x64x256xf32, #tpu.memory_space<vmem>>
      %dma_start3A_1456 = tpu.memref_squeeze %dma_start3A_1455 : memref<1x64x256xf32, #tpu.memory_space<vmem>> -> memref<64x256xf32, #tpu.memory_space<vmem>>
      %dma_start3A_1457 = tpu.memref_reshape %arg4 : memref<150x1024x256xf32, #tpu.memory_space<hbm>> -> memref<153600x256xf32, #tpu.memory_space<hbm>>
      %dma_start3A_1458 = arith.constant 0 : i32
      %dma_start3A_1459 = tpu.memref_slice %dma_start3A_1457[%add3A_1451, %dma_start3A_1458] : memref<153600x256xf32, #tpu.memory_space<hbm>> -> memref<64x256xf32, #tpu.memory_space<hbm>>
      %dma_start3A_1460 = tpu.memref_reshape %arg4 : memref<150x1024x256xf32, #tpu.memory_space<hbm>> -> memref<153600x256xf32, #tpu.memory_space<hbm>>
      %dma_start3A_1461 = arith.constant 0 : i32
      %dma_start3A_1462 = tpu.memref_slice %dma_start3A_1460[%add3A_1451, %dma_start3A_1461] : memref<153600x256xf32, #tpu.memory_space<hbm>> -> memref<64x256xf32, #tpu.memory_space<hbm>>
      %dma_start3A_1463 = arith.constant 0 : i32
      %dma_start3A_1464 = arith.constant 0 : i32
      %dma_start3A_1465 = tpu.memref_slice %arg7[%dma_start3A_1452, %dma_start3A_1463, %dma_start3A_1464] : memref<5x64x256xf32, #tpu.memory_space<vmem>> -> memref<1x64x256xf32, #tpu.memory_space<vmem>>
      %dma_start3A_1466 = tpu.memref_squeeze %dma_start3A_1465 : memref<1x64x256xf32, #tpu.memory_space<vmem>> -> memref<64x256xf32, #tpu.memory_space<vmem>>
      tpu.enqueue_dma source(%dma_start3A_1466 : memref<64x256xf32, #tpu.memory_space<vmem>>) target(%dma_start3A_1462 : memref<64x256xf32, #tpu.memory_space<hbm>>) target_semaphore(%arg9 : memref<!tpu.dma_semaphore, #tpu.memory_space<semaphore_mem>>)
      %mul3A_1467 = arith.constant 5 : i32
      %mul3A_1468 = arith.muli %add3A_1187, %mul3A_1467 : i32
      %add3A_1469 = arith.constant 4 : i32
      %add3A_1470 = arith.addi %mul3A_1468, %add3A_1469 : i32
      %dma_wait3A_1471 = arith.constant 4 : i32
      %dma_wait3A_1472 = arith.constant 0 : i32
      %dma_wait3A_1473 = arith.constant 0 : i32
      %dma_wait3A_1474 = tpu.memref_slice %arg7[%dma_wait3A_1471, %dma_wait3A_1472, %dma_wait3A_1473] : memref<5x64x256xf32, #tpu.memory_space<vmem>> -> memref<1x64x256xf32, #tpu.memory_space<vmem>>
      %dma_wait3A_1475 = tpu.memref_squeeze %dma_wait3A_1474 : memref<1x64x256xf32, #tpu.memory_space<vmem>> -> memref<64x256xf32, #tpu.memory_space<vmem>>
      %dma_wait3A_1476 = tpu.memref_reshape %arg4 : memref<150x1024x256xf32, #tpu.memory_space<hbm>> -> memref<153600x256xf32, #tpu.memory_space<hbm>>
      %dma_wait3A_1477 = arith.constant 0 : i32
      %dma_wait3A_1478 = arith.constant 0 : i32
      %dma_wait3A_1479 = tpu.memref_slice %dma_wait3A_1476[%dma_wait3A_1477, %dma_wait3A_1478] : memref<153600x256xf32, #tpu.memory_space<hbm>> -> memref<64x256xf32, #tpu.memory_space<hbm>>
      %dma_wait3A_1480 = tpu.memref_reshape %arg4 : memref<150x1024x256xf32, #tpu.memory_space<hbm>> -> memref<153600x256xf32, #tpu.memory_space<hbm>>
      %dma_wait3A_1481 = arith.constant 0 : i32
      %dma_wait3A_1482 = arith.constant 0 : i32
      %dma_wait3A_1483 = tpu.memref_slice %dma_wait3A_1480[%dma_wait3A_1481, %dma_wait3A_1482] : memref<153600x256xf32, #tpu.memory_space<hbm>> -> memref<64x256xf32, #tpu.memory_space<hbm>>
      %dma_wait3A_1484 = arith.constant 0 : i32
      %dma_wait3A_1485 = arith.constant 0 : i32
      %dma_wait3A_1486 = tpu.memref_slice %arg7[%dma_wait3A_1471, %dma_wait3A_1484, %dma_wait3A_1485] : memref<5x64x256xf32, #tpu.memory_space<vmem>> -> memref<1x64x256xf32, #tpu.memory_space<vmem>>
      %dma_wait3A_1487 = tpu.memref_squeeze %dma_wait3A_1486 : memref<1x64x256xf32, #tpu.memory_space<vmem>> -> memref<64x256xf32, #tpu.memory_space<vmem>>
      tpu.wait_dma2 semaphore(%arg12 : memref<!tpu.dma_semaphore, #tpu.memory_space<semaphore_mem>>) src(%dma_wait3A_1487 : memref<64x256xf32, #tpu.memory_space<vmem>>) dst(%dma_wait3A_1483 : memref<64x256xf32, #tpu.memory_space<hbm>>)
      %dma_start3A_1488 = arith.constant 4 : i32
      %dma_start3A_1489 = arith.constant 0 : i32
      %dma_start3A_1490 = arith.constant 0 : i32
      %dma_start3A_1491 = tpu.memref_slice %arg7[%dma_start3A_1488, %dma_start3A_1489, %dma_start3A_1490] : memref<5x64x256xf32, #tpu.memory_space<vmem>> -> memref<1x64x256xf32, #tpu.memory_space<vmem>>
      %dma_start3A_1492 = tpu.memref_squeeze %dma_start3A_1491 : memref<1x64x256xf32, #tpu.memory_space<vmem>> -> memref<64x256xf32, #tpu.memory_space<vmem>>
      %dma_start3A_1493 = arith.constant 0 : i32
      %dma_start3A_1494 = tpu.memref_slice %arg6[%add3A_1470, %dma_start3A_1493] : memref<75x64xi32, #tpu.memory_space<vmem>> -> memref<1x64xi32, #tpu.memory_space<vmem>>
      %dma_start3A_1495 = tpu.memref_squeeze %dma_start3A_1494 : memref<1x64xi32, #tpu.memory_space<vmem>> -> memref<64xi32, #tpu.memory_space<vmem>>
      %dma_start3A_1496 = tpu.memref_reshape %arg2 : memref<150x1000x256xf32, #tpu.memory_space<hbm>> -> memref<150000x256xf32, #tpu.memory_space<hbm>>
      %dma_start3A_1497 = arith.constant 0 : i32
      %dma_start3A_1498 = arith.constant 0 : i32
      %dma_start3A_1499 = tpu.memref_slice %dma_start3A_1496[%dma_start3A_1497, %dma_start3A_1498] : memref<150000x256xf32, #tpu.memory_space<hbm>> -> memref<150000x256xf32, #tpu.memory_space<hbm>>
      tpu.enqueue_indirect_dma source(%dma_start3A_1499 : memref<150000x256xf32, #tpu.memory_space<hbm>>) target(%dma_start3A_1492 : memref<64x256xf32, #tpu.memory_space<vmem>>) offsets(%dma_start3A_1495 : memref<64xi32, #tpu.memory_space<vmem>>) semaphore(%arg12 : memref<!tpu.dma_semaphore, #tpu.memory_space<semaphore_mem>>)
      %dma_wait3A_1500 = arith.constant 2 : i32
      %dma_wait3A_1501 = arith.constant 0 : i32
      %dma_wait3A_1502 = arith.constant 0 : i32
      %dma_wait3A_1503 = tpu.memref_slice %arg7[%dma_wait3A_1500, %dma_wait3A_1501, %dma_wait3A_1502] : memref<5x64x256xf32, #tpu.memory_space<vmem>> -> memref<1x64x256xf32, #tpu.memory_space<vmem>>
      %dma_wait3A_1504 = tpu.memref_squeeze %dma_wait3A_1503 : memref<1x64x256xf32, #tpu.memory_space<vmem>> -> memref<64x256xf32, #tpu.memory_space<vmem>>
      %dma_wait3A_1505 = tpu.memref_reshape %arg4 : memref<150x1024x256xf32, #tpu.memory_space<hbm>> -> memref<153600x256xf32, #tpu.memory_space<hbm>>
      %dma_wait3A_1506 = arith.constant 0 : i32
      %dma_wait3A_1507 = arith.constant 0 : i32
      %dma_wait3A_1508 = tpu.memref_slice %dma_wait3A_1505[%dma_wait3A_1506, %dma_wait3A_1507] : memref<153600x256xf32, #tpu.memory_space<hbm>> -> memref<64x256xf32, #tpu.memory_space<hbm>>
      %dma_wait3A_1509 = tpu.memref_reshape %arg4 : memref<150x1024x256xf32, #tpu.memory_space<hbm>> -> memref<153600x256xf32, #tpu.memory_space<hbm>>
      %dma_wait3A_1510 = arith.constant 0 : i32
      %dma_wait3A_1511 = arith.constant 0 : i32
      %dma_wait3A_1512 = tpu.memref_slice %dma_wait3A_1509[%dma_wait3A_1510, %dma_wait3A_1511] : memref<153600x256xf32, #tpu.memory_space<hbm>> -> memref<64x256xf32, #tpu.memory_space<hbm>>
      %dma_wait3A_1513 = arith.constant 0 : i32
      %dma_wait3A_1514 = arith.constant 0 : i32
      %dma_wait3A_1515 = tpu.memref_slice %arg7[%dma_wait3A_1500, %dma_wait3A_1513, %dma_wait3A_1514] : memref<5x64x256xf32, #tpu.memory_space<vmem>> -> memref<1x64x256xf32, #tpu.memory_space<vmem>>
      %dma_wait3A_1516 = tpu.memref_squeeze %dma_wait3A_1515 : memref<1x64x256xf32, #tpu.memory_space<vmem>> -> memref<64x256xf32, #tpu.memory_space<vmem>>
      tpu.wait_dma2 semaphore(%arg10 : memref<!tpu.dma_semaphore, #tpu.memory_space<semaphore_mem>>) src(%dma_wait3A_1516 : memref<64x256xf32, #tpu.memory_space<vmem>>) dst(%dma_wait3A_1512 : memref<64x256xf32, #tpu.memory_space<hbm>>)
      %sub3A_1517 = arith.constant 2 : i32
      %sub3A_1518 = arith.subi %add3A_1470, %sub3A_1517 : i32
      %mul3A_1519 = arith.constant 64 : i32
      %mul3A_1520 = arith.muli %sub3A_1518, %mul3A_1519 : i32
      %add3A_1521 = arith.addi %mul3A_2, %mul3A_1520 : i32
      %dma_start3A_1522 = arith.constant 2 : i32
      %dma_start3A_1523 = arith.constant 0 : i32
      %dma_start3A_1524 = arith.constant 0 : i32
      %dma_start3A_1525 = tpu.memref_slice %arg7[%dma_start3A_1522, %dma_start3A_1523, %dma_start3A_1524] : memref<5x64x256xf32, #tpu.memory_space<vmem>> -> memref<1x64x256xf32, #tpu.memory_space<vmem>>
      %dma_start3A_1526 = tpu.memref_squeeze %dma_start3A_1525 : memref<1x64x256xf32, #tpu.memory_space<vmem>> -> memref<64x256xf32, #tpu.memory_space<vmem>>
      %dma_start3A_1527 = tpu.memref_reshape %arg4 : memref<150x1024x256xf32, #tpu.memory_space<hbm>> -> memref<153600x256xf32, #tpu.memory_space<hbm>>
      %dma_start3A_1528 = arith.constant 0 : i32
      %dma_start3A_1529 = tpu.memref_slice %dma_start3A_1527[%add3A_1521, %dma_start3A_1528] : memref<153600x256xf32, #tpu.memory_space<hbm>> -> memref<64x256xf32, #tpu.memory_space<hbm>>
      %dma_start3A_1530 = tpu.memref_reshape %arg4 : memref<150x1024x256xf32, #tpu.memory_space<hbm>> -> memref<153600x256xf32, #tpu.memory_space<hbm>>
      %dma_start3A_1531 = arith.constant 0 : i32
      %dma_start3A_1532 = tpu.memref_slice %dma_start3A_1530[%add3A_1521, %dma_start3A_1531] : memref<153600x256xf32, #tpu.memory_space<hbm>> -> memref<64x256xf32, #tpu.memory_space<hbm>>
      %dma_start3A_1533 = arith.constant 0 : i32
      %dma_start3A_1534 = arith.constant 0 : i32
      %dma_start3A_1535 = tpu.memref_slice %arg7[%dma_start3A_1522, %dma_start3A_1533, %dma_start3A_1534] : memref<5x64x256xf32, #tpu.memory_space<vmem>> -> memref<1x64x256xf32, #tpu.memory_space<vmem>>
      %dma_start3A_1536 = tpu.memref_squeeze %dma_start3A_1535 : memref<1x64x256xf32, #tpu.memory_space<vmem>> -> memref<64x256xf32, #tpu.memory_space<vmem>>
      tpu.enqueue_dma source(%dma_start3A_1536 : memref<64x256xf32, #tpu.memory_space<vmem>>) target(%dma_start3A_1532 : memref<64x256xf32, #tpu.memory_space<hbm>>) target_semaphore(%arg10 : memref<!tpu.dma_semaphore, #tpu.memory_space<semaphore_mem>>)
      %lt3A = arith.constant 13 : i32
      %lt3A_1537 = arith.cmpi slt, %add3A_1185, %lt3A : i32
      %convert_element_type3A = arith.extui %lt3A_1537 : i1 to i32
      %cond3A = arith.constant 0 : i32
      %cond3A_1538 = arith.cmpi ne, %convert_element_type3A, %cond3A : i32
      scf.if %cond3A_1538 {
        %add3A_1539 = arith.constant 1 : i32
        %add3A_1540 = arith.addi %add3A_1187, %add3A_1539 : i32
        %mul3A_1541 = arith.constant 5 : i32
        %mul3A_1542 = arith.muli %add3A_1540, %mul3A_1541 : i32
        %add3A_1543 = arith.constant 0 : i32
        %add3A_1544 = arith.addi %mul3A_1542, %add3A_1543 : i32
        %mul3A_1545 = arith.constant 64 : i32
        %mul3A_1546 = arith.muli %add3A_1544, %mul3A_1545 : i32
        %add3A_1547 = arith.addi %mul3A_2, %mul3A_1546 : i32
        %add3A_1548 = arith.constant 0 : i32
        %add3A_1549 = arith.addi %add3A_1547, %add3A_1548 : i32
        %shift_right_arithmetic3A_1550 = arith.constant 10 : i32
        %shift_right_arithmetic3A_1551 = arith.shrsi %add3A_1549, %shift_right_arithmetic3A_1550 : i32
        %and3A_1552 = arith.constant 1023 : i32
        %and3A_1553 = arith.andi %add3A_1549, %and3A_1552 : i32
        %get3A_1554 = arith.index_cast %and3A_1553 : i32 to index
        %get3A_1555 = tpu.vector_load %arg5[%get3A_1554] {strides = array<i32>} : memref<1024xi32, #tpu.memory_space<vmem>>, vector<16xi32>,
        %get3A_1556 = vector.shape_cast %get3A_1555 : vector<16xi32> to vector<16xi32>
        %mul3A_1557 = arith.constant 1000 : i32
        %mul3A_1558 = arith.muli %shift_right_arithmetic3A_1551, %mul3A_1557 : i32
        %add3A_1559 = vector.broadcast %mul3A_1558 : i32 to vector<16xi32>
        %add3A_1560 = arith.addi %get3A_1556, %add3A_1559 : vector<16xi32>
        %swap3A_1561 = arith.constant 0 : i32
        %swap3A_1562 = tpu.memref_slice %arg6[%add3A_1544, %swap3A_1561] : memref<75x64xi32, #tpu.memory_space<vmem>> -> memref<1x64xi32, #tpu.memory_space<vmem>>
        %swap3A_1563 = tpu.memref_squeeze %swap3A_1562 : memref<1x64xi32, #tpu.memory_space<vmem>> -> memref<64xi32, #tpu.memory_space<vmem>>
        %swap3A_1564 = arith.constant 0 : index
        %swap3A_1565 = tpu.vector_load %swap3A_1563[%swap3A_1564] {strides = array<i32>} : memref<64xi32, #tpu.memory_space<vmem>>, vector<16xi32>,
        %swap3A_1566 = vector.shape_cast %swap3A_1565 : vector<16xi32> to vector<16xi32>
        %swap3A_1567 = vector.shape_cast %add3A_1560 : vector<16xi32> to vector<16xi32>
        tpu.vector_store %swap3A_1563[%swap3A_1564], %swap3A_1567 {strides = array<i32>} : memref<64xi32, #tpu.memory_space<vmem>>, vector<16xi32>,
        %add3A_1568 = arith.constant 16 : i32
        %add3A_1569 = arith.addi %add3A_1547, %add3A_1568 : i32
        %shift_right_arithmetic3A_1570 = arith.constant 10 : i32
        %shift_right_arithmetic3A_1571 = arith.shrsi %add3A_1569, %shift_right_arithmetic3A_1570 : i32
        %and3A_1572 = arith.constant 1023 : i32
        %and3A_1573 = arith.andi %add3A_1569, %and3A_1572 : i32
        %get3A_1574 = arith.index_cast %and3A_1573 : i32 to index
        %get3A_1575 = tpu.vector_load %arg5[%get3A_1574] {strides = array<i32>} : memref<1024xi32, #tpu.memory_space<vmem>>, vector<16xi32>,
        %get3A_1576 = vector.shape_cast %get3A_1575 : vector<16xi32> to vector<16xi32>
        %mul3A_1577 = arith.constant 1000 : i32
        %mul3A_1578 = arith.muli %shift_right_arithmetic3A_1571, %mul3A_1577 : i32
        %add3A_1579 = vector.broadcast %mul3A_1578 : i32 to vector<16xi32>
        %add3A_1580 = arith.addi %get3A_1576, %add3A_1579 : vector<16xi32>
        %swap3A_1581 = arith.constant 0 : i32
        %swap3A_1582 = tpu.memref_slice %arg6[%add3A_1544, %swap3A_1581] : memref<75x64xi32, #tpu.memory_space<vmem>> -> memref<1x64xi32, #tpu.memory_space<vmem>>
        %swap3A_1583 = tpu.memref_squeeze %swap3A_1582 : memref<1x64xi32, #tpu.memory_space<vmem>> -> memref<64xi32, #tpu.memory_space<vmem>>
        %swap3A_1584 = arith.constant 16 : index
        %swap3A_1585 = tpu.vector_load %swap3A_1583[%swap3A_1584] {strides = array<i32>} : memref<64xi32, #tpu.memory_space<vmem>>, vector<16xi32>,
        %swap3A_1586 = vector.shape_cast %swap3A_1585 : vector<16xi32> to vector<16xi32>
        %swap3A_1587 = vector.shape_cast %add3A_1580 : vector<16xi32> to vector<16xi32>
        tpu.vector_store %swap3A_1583[%swap3A_1584], %swap3A_1587 {strides = array<i32>} : memref<64xi32, #tpu.memory_space<vmem>>, vector<16xi32>,
        %add3A_1588 = arith.constant 32 : i32
        %add3A_1589 = arith.addi %add3A_1547, %add3A_1588 : i32
        %shift_right_arithmetic3A_1590 = arith.constant 10 : i32
        %shift_right_arithmetic3A_1591 = arith.shrsi %add3A_1589, %shift_right_arithmetic3A_1590 : i32
        %and3A_1592 = arith.constant 1023 : i32
        %and3A_1593 = arith.andi %add3A_1589, %and3A_1592 : i32
        %get3A_1594 = arith.index_cast %and3A_1593 : i32 to index
        %get3A_1595 = tpu.vector_load %arg5[%get3A_1594] {strides = array<i32>} : memref<1024xi32, #tpu.memory_space<vmem>>, vector<16xi32>,
        %get3A_1596 = vector.shape_cast %get3A_1595 : vector<16xi32> to vector<16xi32>
        %mul3A_1597 = arith.constant 1000 : i32
        %mul3A_1598 = arith.muli %shift_right_arithmetic3A_1591, %mul3A_1597 : i32
        %add3A_1599 = vector.broadcast %mul3A_1598 : i32 to vector<16xi32>
        %add3A_1600 = arith.addi %get3A_1596, %add3A_1599 : vector<16xi32>
        %swap3A_1601 = arith.constant 0 : i32
        %swap3A_1602 = tpu.memref_slice %arg6[%add3A_1544, %swap3A_1601] : memref<75x64xi32, #tpu.memory_space<vmem>> -> memref<1x64xi32, #tpu.memory_space<vmem>>
        %swap3A_1603 = tpu.memref_squeeze %swap3A_1602 : memref<1x64xi32, #tpu.memory_space<vmem>> -> memref<64xi32, #tpu.memory_space<vmem>>
        %swap3A_1604 = arith.constant 32 : index
        %swap3A_1605 = tpu.vector_load %swap3A_1603[%swap3A_1604] {strides = array<i32>} : memref<64xi32, #tpu.memory_space<vmem>>, vector<16xi32>,
        %swap3A_1606 = vector.shape_cast %swap3A_1605 : vector<16xi32> to vector<16xi32>
        %swap3A_1607 = vector.shape_cast %add3A_1600 : vector<16xi32> to vector<16xi32>
        tpu.vector_store %swap3A_1603[%swap3A_1604], %swap3A_1607 {strides = array<i32>} : memref<64xi32, #tpu.memory_space<vmem>>, vector<16xi32>,
        %add3A_1608 = arith.constant 48 : i32
        %add3A_1609 = arith.addi %add3A_1547, %add3A_1608 : i32
        %shift_right_arithmetic3A_1610 = arith.constant 10 : i32
        %shift_right_arithmetic3A_1611 = arith.shrsi %add3A_1609, %shift_right_arithmetic3A_1610 : i32
        %and3A_1612 = arith.constant 1023 : i32
        %and3A_1613 = arith.andi %add3A_1609, %and3A_1612 : i32
        %get3A_1614 = arith.index_cast %and3A_1613 : i32 to index
        %get3A_1615 = tpu.vector_load %arg5[%get3A_1614] {strides = array<i32>} : memref<1024xi32, #tpu.memory_space<vmem>>, vector<16xi32>,
        %get3A_1616 = vector.shape_cast %get3A_1615 : vector<16xi32> to vector<16xi32>
        %mul3A_1617 = arith.constant 1000 : i32
        %mul3A_1618 = arith.muli %shift_right_arithmetic3A_1611, %mul3A_1617 : i32
        %add3A_1619 = vector.broadcast %mul3A_1618 : i32 to vector<16xi32>
        %add3A_1620 = arith.addi %get3A_1616, %add3A_1619 : vector<16xi32>
        %swap3A_1621 = arith.constant 0 : i32
        %swap3A_1622 = tpu.memref_slice %arg6[%add3A_1544, %swap3A_1621] : memref<75x64xi32, #tpu.memory_space<vmem>> -> memref<1x64xi32, #tpu.memory_space<vmem>>
        %swap3A_1623 = tpu.memref_squeeze %swap3A_1622 : memref<1x64xi32, #tpu.memory_space<vmem>> -> memref<64xi32, #tpu.memory_space<vmem>>
        %swap3A_1624 = arith.constant 48 : index
        %swap3A_1625 = tpu.vector_load %swap3A_1623[%swap3A_1624] {strides = array<i32>} : memref<64xi32, #tpu.memory_space<vmem>>, vector<16xi32>,
        %swap3A_1626 = vector.shape_cast %swap3A_1625 : vector<16xi32> to vector<16xi32>
        %swap3A_1627 = vector.shape_cast %add3A_1620 : vector<16xi32> to vector<16xi32>
        tpu.vector_store %swap3A_1623[%swap3A_1624], %swap3A_1627 {strides = array<i32>} : memref<64xi32, #tpu.memory_space<vmem>>, vector<16xi32>,
        %add3A_1628 = arith.constant 1 : i32
        %add3A_1629 = arith.addi %add3A_1187, %add3A_1628 : i32
        %mul3A_1630 = arith.constant 5 : i32
        %mul3A_1631 = arith.muli %add3A_1629, %mul3A_1630 : i32
        %add3A_1632 = arith.constant 1 : i32
        %add3A_1633 = arith.addi %mul3A_1631, %add3A_1632 : i32
        %mul3A_1634 = arith.constant 64 : i32
        %mul3A_1635 = arith.muli %add3A_1633, %mul3A_1634 : i32
        %add3A_1636 = arith.addi %mul3A_2, %mul3A_1635 : i32
        %add3A_1637 = arith.constant 0 : i32
        %add3A_1638 = arith.addi %add3A_1636, %add3A_1637 : i32
        %shift_right_arithmetic3A_1639 = arith.constant 10 : i32
        %shift_right_arithmetic3A_1640 = arith.shrsi %add3A_1638, %shift_right_arithmetic3A_1639 : i32
        %and3A_1641 = arith.constant 1023 : i32
        %and3A_1642 = arith.andi %add3A_1638, %and3A_1641 : i32
        %get3A_1643 = arith.index_cast %and3A_1642 : i32 to index
        %get3A_1644 = tpu.vector_load %arg5[%get3A_1643] {strides = array<i32>} : memref<1024xi32, #tpu.memory_space<vmem>>, vector<16xi32>,
        %get3A_1645 = vector.shape_cast %get3A_1644 : vector<16xi32> to vector<16xi32>
        %mul3A_1646 = arith.constant 1000 : i32
        %mul3A_1647 = arith.muli %shift_right_arithmetic3A_1640, %mul3A_1646 : i32
        %add3A_1648 = vector.broadcast %mul3A_1647 : i32 to vector<16xi32>
        %add3A_1649 = arith.addi %get3A_1645, %add3A_1648 : vector<16xi32>
        %swap3A_1650 = arith.constant 0 : i32
        %swap3A_1651 = tpu.memref_slice %arg6[%add3A_1633, %swap3A_1650] : memref<75x64xi32, #tpu.memory_space<vmem>> -> memref<1x64xi32, #tpu.memory_space<vmem>>
        %swap3A_1652 = tpu.memref_squeeze %swap3A_1651 : memref<1x64xi32, #tpu.memory_space<vmem>> -> memref<64xi32, #tpu.memory_space<vmem>>
        %swap3A_1653 = arith.constant 0 : index
        %swap3A_1654 = tpu.vector_load %swap3A_1652[%swap3A_1653] {strides = array<i32>} : memref<64xi32, #tpu.memory_space<vmem>>, vector<16xi32>,
        %swap3A_1655 = vector.shape_cast %swap3A_1654 : vector<16xi32> to vector<16xi32>
        %swap3A_1656 = vector.shape_cast %add3A_1649 : vector<16xi32> to vector<16xi32>
        tpu.vector_store %swap3A_1652[%swap3A_1653], %swap3A_1656 {strides = array<i32>} : memref<64xi32, #tpu.memory_space<vmem>>, vector<16xi32>,
        %add3A_1657 = arith.constant 16 : i32
        %add3A_1658 = arith.addi %add3A_1636, %add3A_1657 : i32
        %shift_right_arithmetic3A_1659 = arith.constant 10 : i32
        %shift_right_arithmetic3A_1660 = arith.shrsi %add3A_1658, %shift_right_arithmetic3A_1659 : i32
        %and3A_1661 = arith.constant 1023 : i32
        %and3A_1662 = arith.andi %add3A_1658, %and3A_1661 : i32
        %get3A_1663 = arith.index_cast %and3A_1662 : i32 to index
        %get3A_1664 = tpu.vector_load %arg5[%get3A_1663] {strides = array<i32>} : memref<1024xi32, #tpu.memory_space<vmem>>, vector<16xi32>,
        %get3A_1665 = vector.shape_cast %get3A_1664 : vector<16xi32> to vector<16xi32>
        %mul3A_1666 = arith.constant 1000 : i32
        %mul3A_1667 = arith.muli %shift_right_arithmetic3A_1660, %mul3A_1666 : i32
        %add3A_1668 = vector.broadcast %mul3A_1667 : i32 to vector<16xi32>
        %add3A_1669 = arith.addi %get3A_1665, %add3A_1668 : vector<16xi32>
        %swap3A_1670 = arith.constant 0 : i32
        %swap3A_1671 = tpu.memref_slice %arg6[%add3A_1633, %swap3A_1670] : memref<75x64xi32, #tpu.memory_space<vmem>> -> memref<1x64xi32, #tpu.memory_space<vmem>>
        %swap3A_1672 = tpu.memref_squeeze %swap3A_1671 : memref<1x64xi32, #tpu.memory_space<vmem>> -> memref<64xi32, #tpu.memory_space<vmem>>
        %swap3A_1673 = arith.constant 16 : index
        %swap3A_1674 = tpu.vector_load %swap3A_1672[%swap3A_1673] {strides = array<i32>} : memref<64xi32, #tpu.memory_space<vmem>>, vector<16xi32>,
        %swap3A_1675 = vector.shape_cast %swap3A_1674 : vector<16xi32> to vector<16xi32>
        %swap3A_1676 = vector.shape_cast %add3A_1669 : vector<16xi32> to vector<16xi32>
        tpu.vector_store %swap3A_1672[%swap3A_1673], %swap3A_1676 {strides = array<i32>} : memref<64xi32, #tpu.memory_space<vmem>>, vector<16xi32>,
        %add3A_1677 = arith.constant 32 : i32
        %add3A_1678 = arith.addi %add3A_1636, %add3A_1677 : i32
        %shift_right_arithmetic3A_1679 = arith.constant 10 : i32
        %shift_right_arithmetic3A_1680 = arith.shrsi %add3A_1678, %shift_right_arithmetic3A_1679 : i32
        %and3A_1681 = arith.constant 1023 : i32
        %and3A_1682 = arith.andi %add3A_1678, %and3A_1681 : i32
        %get3A_1683 = arith.index_cast %and3A_1682 : i32 to index
        %get3A_1684 = tpu.vector_load %arg5[%get3A_1683] {strides = array<i32>} : memref<1024xi32, #tpu.memory_space<vmem>>, vector<16xi32>,
        %get3A_1685 = vector.shape_cast %get3A_1684 : vector<16xi32> to vector<16xi32>
        %mul3A_1686 = arith.constant 1000 : i32
        %mul3A_1687 = arith.muli %shift_right_arithmetic3A_1680, %mul3A_1686 : i32
        %add3A_1688 = vector.broadcast %mul3A_1687 : i32 to vector<16xi32>
        %add3A_1689 = arith.addi %get3A_1685, %add3A_1688 : vector<16xi32>
        %swap3A_1690 = arith.constant 0 : i32
        %swap3A_1691 = tpu.memref_slice %arg6[%add3A_1633, %swap3A_1690] : memref<75x64xi32, #tpu.memory_space<vmem>> -> memref<1x64xi32, #tpu.memory_space<vmem>>
        %swap3A_1692 = tpu.memref_squeeze %swap3A_1691 : memref<1x64xi32, #tpu.memory_space<vmem>> -> memref<64xi32, #tpu.memory_space<vmem>>
        %swap3A_1693 = arith.constant 32 : index
        %swap3A_1694 = tpu.vector_load %swap3A_1692[%swap3A_1693] {strides = array<i32>} : memref<64xi32, #tpu.memory_space<vmem>>, vector<16xi32>,
        %swap3A_1695 = vector.shape_cast %swap3A_1694 : vector<16xi32> to vector<16xi32>
        %swap3A_1696 = vector.shape_cast %add3A_1689 : vector<16xi32> to vector<16xi32>
        tpu.vector_store %swap3A_1692[%swap3A_1693], %swap3A_1696 {strides = array<i32>} : memref<64xi32, #tpu.memory_space<vmem>>, vector<16xi32>,
        %add3A_1697 = arith.constant 48 : i32
        %add3A_1698 = arith.addi %add3A_1636, %add3A_1697 : i32
        %shift_right_arithmetic3A_1699 = arith.constant 10 : i32
        %shift_right_arithmetic3A_1700 = arith.shrsi %add3A_1698, %shift_right_arithmetic3A_1699 : i32
        %and3A_1701 = arith.constant 1023 : i32
        %and3A_1702 = arith.andi %add3A_1698, %and3A_1701 : i32
        %get3A_1703 = arith.index_cast %and3A_1702 : i32 to index
        %get3A_1704 = tpu.vector_load %arg5[%get3A_1703] {strides = array<i32>} : memref<1024xi32, #tpu.memory_space<vmem>>, vector<16xi32>,
        %get3A_1705 = vector.shape_cast %get3A_1704 : vector<16xi32> to vector<16xi32>
        %mul3A_1706 = arith.constant 1000 : i32
        %mul3A_1707 = arith.muli %shift_right_arithmetic3A_1700, %mul3A_1706 : i32
        %add3A_1708 = vector.broadcast %mul3A_1707 : i32 to vector<16xi32>
        %add3A_1709 = arith.addi %get3A_1705, %add3A_1708 : vector<16xi32>
        %swap3A_1710 = arith.constant 0 : i32
        %swap3A_1711 = tpu.memref_slice %arg6[%add3A_1633, %swap3A_1710] : memref<75x64xi32, #tpu.memory_space<vmem>> -> memref<1x64xi32, #tpu.memory_space<vmem>>
        %swap3A_1712 = tpu.memref_squeeze %swap3A_1711 : memref<1x64xi32, #tpu.memory_space<vmem>> -> memref<64xi32, #tpu.memory_space<vmem>>
        %swap3A_1713 = arith.constant 48 : index
        %swap3A_1714 = tpu.vector_load %swap3A_1712[%swap3A_1713] {strides = array<i32>} : memref<64xi32, #tpu.memory_space<vmem>>, vector<16xi32>,
        %swap3A_1715 = vector.shape_cast %swap3A_1714 : vector<16xi32> to vector<16xi32>
        %swap3A_1716 = vector.shape_cast %add3A_1709 : vector<16xi32> to vector<16xi32>
        tpu.vector_store %swap3A_1712[%swap3A_1713], %swap3A_1716 {strides = array<i32>} : memref<64xi32, #tpu.memory_space<vmem>>, vector<16xi32>,
        %add3A_1717 = arith.constant 1 : i32
        %add3A_1718 = arith.addi %add3A_1187, %add3A_1717 : i32
        %mul3A_1719 = arith.constant 5 : i32
        %mul3A_1720 = arith.muli %add3A_1718, %mul3A_1719 : i32
        %add3A_1721 = arith.constant 2 : i32
        %add3A_1722 = arith.addi %mul3A_1720, %add3A_1721 : i32
        %mul3A_1723 = arith.constant 64 : i32
        %mul3A_1724 = arith.muli %add3A_1722, %mul3A_1723 : i32
        %add3A_1725 = arith.addi %mul3A_2, %mul3A_1724 : i32
        %add3A_1726 = arith.constant 0 : i32
        %add3A_1727 = arith.addi %add3A_1725, %add3A_1726 : i32
        %shift_right_arithmetic3A_1728 = arith.constant 10 : i32
        %shift_right_arithmetic3A_1729 = arith.shrsi %add3A_1727, %shift_right_arithmetic3A_1728 : i32
        %and3A_1730 = arith.constant 1023 : i32
        %and3A_1731 = arith.andi %add3A_1727, %and3A_1730 : i32
        %get3A_1732 = arith.index_cast %and3A_1731 : i32 to index
        %get3A_1733 = tpu.vector_load %arg5[%get3A_1732] {strides = array<i32>} : memref<1024xi32, #tpu.memory_space<vmem>>, vector<16xi32>,
        %get3A_1734 = vector.shape_cast %get3A_1733 : vector<16xi32> to vector<16xi32>
        %mul3A_1735 = arith.constant 1000 : i32
        %mul3A_1736 = arith.muli %shift_right_arithmetic3A_1729, %mul3A_1735 : i32
        %add3A_1737 = vector.broadcast %mul3A_1736 : i32 to vector<16xi32>
        %add3A_1738 = arith.addi %get3A_1734, %add3A_1737 : vector<16xi32>
        %swap3A_1739 = arith.constant 0 : i32
        %swap3A_1740 = tpu.memref_slice %arg6[%add3A_1722, %swap3A_1739] : memref<75x64xi32, #tpu.memory_space<vmem>> -> memref<1x64xi32, #tpu.memory_space<vmem>>
        %swap3A_1741 = tpu.memref_squeeze %swap3A_1740 : memref<1x64xi32, #tpu.memory_space<vmem>> -> memref<64xi32, #tpu.memory_space<vmem>>
        %swap3A_1742 = arith.constant 0 : index
        %swap3A_1743 = tpu.vector_load %swap3A_1741[%swap3A_1742] {strides = array<i32>} : memref<64xi32, #tpu.memory_space<vmem>>, vector<16xi32>,
        %swap3A_1744 = vector.shape_cast %swap3A_1743 : vector<16xi32> to vector<16xi32>
        %swap3A_1745 = vector.shape_cast %add3A_1738 : vector<16xi32> to vector<16xi32>
        tpu.vector_store %swap3A_1741[%swap3A_1742], %swap3A_1745 {strides = array<i32>} : memref<64xi32, #tpu.memory_space<vmem>>, vector<16xi32>,
        %add3A_1746 = arith.constant 16 : i32
        %add3A_1747 = arith.addi %add3A_1725, %add3A_1746 : i32
        %shift_right_arithmetic3A_1748 = arith.constant 10 : i32
        %shift_right_arithmetic3A_1749 = arith.shrsi %add3A_1747, %shift_right_arithmetic3A_1748 : i32
        %and3A_1750 = arith.constant 1023 : i32
        %and3A_1751 = arith.andi %add3A_1747, %and3A_1750 : i32
        %get3A_1752 = arith.index_cast %and3A_1751 : i32 to index
        %get3A_1753 = tpu.vector_load %arg5[%get3A_1752] {strides = array<i32>} : memref<1024xi32, #tpu.memory_space<vmem>>, vector<16xi32>,
        %get3A_1754 = vector.shape_cast %get3A_1753 : vector<16xi32> to vector<16xi32>
        %mul3A_1755 = arith.constant 1000 : i32
        %mul3A_1756 = arith.muli %shift_right_arithmetic3A_1749, %mul3A_1755 : i32
        %add3A_1757 = vector.broadcast %mul3A_1756 : i32 to vector<16xi32>
        %add3A_1758 = arith.addi %get3A_1754, %add3A_1757 : vector<16xi32>
        %swap3A_1759 = arith.constant 0 : i32
        %swap3A_1760 = tpu.memref_slice %arg6[%add3A_1722, %swap3A_1759] : memref<75x64xi32, #tpu.memory_space<vmem>> -> memref<1x64xi32, #tpu.memory_space<vmem>>
        %swap3A_1761 = tpu.memref_squeeze %swap3A_1760 : memref<1x64xi32, #tpu.memory_space<vmem>> -> memref<64xi32, #tpu.memory_space<vmem>>
        %swap3A_1762 = arith.constant 16 : index
        %swap3A_1763 = tpu.vector_load %swap3A_1761[%swap3A_1762] {strides = array<i32>} : memref<64xi32, #tpu.memory_space<vmem>>, vector<16xi32>,
        %swap3A_1764 = vector.shape_cast %swap3A_1763 : vector<16xi32> to vector<16xi32>
        %swap3A_1765 = vector.shape_cast %add3A_1758 : vector<16xi32> to vector<16xi32>
        tpu.vector_store %swap3A_1761[%swap3A_1762], %swap3A_1765 {strides = array<i32>} : memref<64xi32, #tpu.memory_space<vmem>>, vector<16xi32>,
        %add3A_1766 = arith.constant 32 : i32
        %add3A_1767 = arith.addi %add3A_1725, %add3A_1766 : i32
        %shift_right_arithmetic3A_1768 = arith.constant 10 : i32
        %shift_right_arithmetic3A_1769 = arith.shrsi %add3A_1767, %shift_right_arithmetic3A_1768 : i32
        %and3A_1770 = arith.constant 1023 : i32
        %and3A_1771 = arith.andi %add3A_1767, %and3A_1770 : i32
        %get3A_1772 = arith.index_cast %and3A_1771 : i32 to index
        %get3A_1773 = tpu.vector_load %arg5[%get3A_1772] {strides = array<i32>} : memref<1024xi32, #tpu.memory_space<vmem>>, vector<16xi32>,
        %get3A_1774 = vector.shape_cast %get3A_1773 : vector<16xi32> to vector<16xi32>
        %mul3A_1775 = arith.constant 1000 : i32
        %mul3A_1776 = arith.muli %shift_right_arithmetic3A_1769, %mul3A_1775 : i32
        %add3A_1777 = vector.broadcast %mul3A_1776 : i32 to vector<16xi32>
        %add3A_1778 = arith.addi %get3A_1774, %add3A_1777 : vector<16xi32>
        %swap3A_1779 = arith.constant 0 : i32
        %swap3A_1780 = tpu.memref_slice %arg6[%add3A_1722, %swap3A_1779] : memref<75x64xi32, #tpu.memory_space<vmem>> -> memref<1x64xi32, #tpu.memory_space<vmem>>
        %swap3A_1781 = tpu.memref_squeeze %swap3A_1780 : memref<1x64xi32, #tpu.memory_space<vmem>> -> memref<64xi32, #tpu.memory_space<vmem>>
        %swap3A_1782 = arith.constant 32 : index
        %swap3A_1783 = tpu.vector_load %swap3A_1781[%swap3A_1782] {strides = array<i32>} : memref<64xi32, #tpu.memory_space<vmem>>, vector<16xi32>,
        %swap3A_1784 = vector.shape_cast %swap3A_1783 : vector<16xi32> to vector<16xi32>
        %swap3A_1785 = vector.shape_cast %add3A_1778 : vector<16xi32> to vector<16xi32>
        tpu.vector_store %swap3A_1781[%swap3A_1782], %swap3A_1785 {strides = array<i32>} : memref<64xi32, #tpu.memory_space<vmem>>, vector<16xi32>,
        %add3A_1786 = arith.constant 48 : i32
        %add3A_1787 = arith.addi %add3A_1725, %add3A_1786 : i32
        %shift_right_arithmetic3A_1788 = arith.constant 10 : i32
        %shift_right_arithmetic3A_1789 = arith.shrsi %add3A_1787, %shift_right_arithmetic3A_1788 : i32
        %and3A_1790 = arith.constant 1023 : i32
        %and3A_1791 = arith.andi %add3A_1787, %and3A_1790 : i32
        %get3A_1792 = arith.index_cast %and3A_1791 : i32 to index
        %get3A_1793 = tpu.vector_load %arg5[%get3A_1792] {strides = array<i32>} : memref<1024xi32, #tpu.memory_space<vmem>>, vector<16xi32>,
        %get3A_1794 = vector.shape_cast %get3A_1793 : vector<16xi32> to vector<16xi32>
        %mul3A_1795 = arith.constant 1000 : i32
        %mul3A_1796 = arith.muli %shift_right_arithmetic3A_1789, %mul3A_1795 : i32
        %add3A_1797 = vector.broadcast %mul3A_1796 : i32 to vector<16xi32>
        %add3A_1798 = arith.addi %get3A_1794, %add3A_1797 : vector<16xi32>
        %swap3A_1799 = arith.constant 0 : i32
        %swap3A_1800 = tpu.memref_slice %arg6[%add3A_1722, %swap3A_1799] : memref<75x64xi32, #tpu.memory_space<vmem>> -> memref<1x64xi32, #tpu.memory_space<vmem>>
        %swap3A_1801 = tpu.memref_squeeze %swap3A_1800 : memref<1x64xi32, #tpu.memory_space<vmem>> -> memref<64xi32, #tpu.memory_space<vmem>>
        %swap3A_1802 = arith.constant 48 : index
        %swap3A_1803 = tpu.vector_load %swap3A_1801[%swap3A_1802] {strides = array<i32>} : memref<64xi32, #tpu.memory_space<vmem>>, vector<16xi32>,
        %swap3A_1804 = vector.shape_cast %swap3A_1803 : vector<16xi32> to vector<16xi32>
        %swap3A_1805 = vector.shape_cast %add3A_1798 : vector<16xi32> to vector<16xi32>
        tpu.vector_store %swap3A_1801[%swap3A_1802], %swap3A_1805 {strides = array<i32>} : memref<64xi32, #tpu.memory_space<vmem>>, vector<16xi32>,
        %add3A_1806 = arith.constant 1 : i32
        %add3A_1807 = arith.addi %add3A_1187, %add3A_1806 : i32
        %mul3A_1808 = arith.constant 5 : i32
        %mul3A_1809 = arith.muli %add3A_1807, %mul3A_1808 : i32
        %add3A_1810 = arith.constant 3 : i32
        %add3A_1811 = arith.addi %mul3A_1809, %add3A_1810 : i32
        %mul3A_1812 = arith.constant 64 : i32
        %mul3A_1813 = arith.muli %add3A_1811, %mul3A_1812 : i32
        %add3A_1814 = arith.addi %mul3A_2, %mul3A_1813 : i32
        %add3A_1815 = arith.constant 0 : i32
        %add3A_1816 = arith.addi %add3A_1814, %add3A_1815 : i32
        %shift_right_arithmetic3A_1817 = arith.constant 10 : i32
        %shift_right_arithmetic3A_1818 = arith.shrsi %add3A_1816, %shift_right_arithmetic3A_1817 : i32
        %and3A_1819 = arith.constant 1023 : i32
        %and3A_1820 = arith.andi %add3A_1816, %and3A_1819 : i32
        %get3A_1821 = arith.index_cast %and3A_1820 : i32 to index
        %get3A_1822 = tpu.vector_load %arg5[%get3A_1821] {strides = array<i32>} : memref<1024xi32, #tpu.memory_space<vmem>>, vector<16xi32>,
        %get3A_1823 = vector.shape_cast %get3A_1822 : vector<16xi32> to vector<16xi32>
        %mul3A_1824 = arith.constant 1000 : i32
        %mul3A_1825 = arith.muli %shift_right_arithmetic3A_1818, %mul3A_1824 : i32
        %add3A_1826 = vector.broadcast %mul3A_1825 : i32 to vector<16xi32>
        %add3A_1827 = arith.addi %get3A_1823, %add3A_1826 : vector<16xi32>
        %swap3A_1828 = arith.constant 0 : i32
        %swap3A_1829 = tpu.memref_slice %arg6[%add3A_1811, %swap3A_1828] : memref<75x64xi32, #tpu.memory_space<vmem>> -> memref<1x64xi32, #tpu.memory_space<vmem>>
        %swap3A_1830 = tpu.memref_squeeze %swap3A_1829 : memref<1x64xi32, #tpu.memory_space<vmem>> -> memref<64xi32, #tpu.memory_space<vmem>>
        %swap3A_1831 = arith.constant 0 : index
        %swap3A_1832 = tpu.vector_load %swap3A_1830[%swap3A_1831] {strides = array<i32>} : memref<64xi32, #tpu.memory_space<vmem>>, vector<16xi32>,
        %swap3A_1833 = vector.shape_cast %swap3A_1832 : vector<16xi32> to vector<16xi32>
        %swap3A_1834 = vector.shape_cast %add3A_1827 : vector<16xi32> to vector<16xi32>
        tpu.vector_store %swap3A_1830[%swap3A_1831], %swap3A_1834 {strides = array<i32>} : memref<64xi32, #tpu.memory_space<vmem>>, vector<16xi32>,
        %add3A_1835 = arith.constant 16 : i32
        %add3A_1836 = arith.addi %add3A_1814, %add3A_1835 : i32
        %shift_right_arithmetic3A_1837 = arith.constant 10 : i32
        %shift_right_arithmetic3A_1838 = arith.shrsi %add3A_1836, %shift_right_arithmetic3A_1837 : i32
        %and3A_1839 = arith.constant 1023 : i32
        %and3A_1840 = arith.andi %add3A_1836, %and3A_1839 : i32
        %get3A_1841 = arith.index_cast %and3A_1840 : i32 to index
        %get3A_1842 = tpu.vector_load %arg5[%get3A_1841] {strides = array<i32>} : memref<1024xi32, #tpu.memory_space<vmem>>, vector<16xi32>,
        %get3A_1843 = vector.shape_cast %get3A_1842 : vector<16xi32> to vector<16xi32>
        %mul3A_1844 = arith.constant 1000 : i32
        %mul3A_1845 = arith.muli %shift_right_arithmetic3A_1838, %mul3A_1844 : i32
        %add3A_1846 = vector.broadcast %mul3A_1845 : i32 to vector<16xi32>
        %add3A_1847 = arith.addi %get3A_1843, %add3A_1846 : vector<16xi32>
        %swap3A_1848 = arith.constant 0 : i32
        %swap3A_1849 = tpu.memref_slice %arg6[%add3A_1811, %swap3A_1848] : memref<75x64xi32, #tpu.memory_space<vmem>> -> memref<1x64xi32, #tpu.memory_space<vmem>>
        %swap3A_1850 = tpu.memref_squeeze %swap3A_1849 : memref<1x64xi32, #tpu.memory_space<vmem>> -> memref<64xi32, #tpu.memory_space<vmem>>
        %swap3A_1851 = arith.constant 16 : index
        %swap3A_1852 = tpu.vector_load %swap3A_1850[%swap3A_1851] {strides = array<i32>} : memref<64xi32, #tpu.memory_space<vmem>>, vector<16xi32>,
        %swap3A_1853 = vector.shape_cast %swap3A_1852 : vector<16xi32> to vector<16xi32>
        %swap3A_1854 = vector.shape_cast %add3A_1847 : vector<16xi32> to vector<16xi32>
        tpu.vector_store %swap3A_1850[%swap3A_1851], %swap3A_1854 {strides = array<i32>} : memref<64xi32, #tpu.memory_space<vmem>>, vector<16xi32>,
        %add3A_1855 = arith.constant 32 : i32
        %add3A_1856 = arith.addi %add3A_1814, %add3A_1855 : i32
        %shift_right_arithmetic3A_1857 = arith.constant 10 : i32
        %shift_right_arithmetic3A_1858 = arith.shrsi %add3A_1856, %shift_right_arithmetic3A_1857 : i32
        %and3A_1859 = arith.constant 1023 : i32
        %and3A_1860 = arith.andi %add3A_1856, %and3A_1859 : i32
        %get3A_1861 = arith.index_cast %and3A_1860 : i32 to index
        %get3A_1862 = tpu.vector_load %arg5[%get3A_1861] {strides = array<i32>} : memref<1024xi32, #tpu.memory_space<vmem>>, vector<16xi32>,
        %get3A_1863 = vector.shape_cast %get3A_1862 : vector<16xi32> to vector<16xi32>
        %mul3A_1864 = arith.constant 1000 : i32
        %mul3A_1865 = arith.muli %shift_right_arithmetic3A_1858, %mul3A_1864 : i32
        %add3A_1866 = vector.broadcast %mul3A_1865 : i32 to vector<16xi32>
        %add3A_1867 = arith.addi %get3A_1863, %add3A_1866 : vector<16xi32>
        %swap3A_1868 = arith.constant 0 : i32
        %swap3A_1869 = tpu.memref_slice %arg6[%add3A_1811, %swap3A_1868] : memref<75x64xi32, #tpu.memory_space<vmem>> -> memref<1x64xi32, #tpu.memory_space<vmem>>
        %swap3A_1870 = tpu.memref_squeeze %swap3A_1869 : memref<1x64xi32, #tpu.memory_space<vmem>> -> memref<64xi32, #tpu.memory_space<vmem>>
        %swap3A_1871 = arith.constant 32 : index
        %swap3A_1872 = tpu.vector_load %swap3A_1870[%swap3A_1871] {strides = array<i32>} : memref<64xi32, #tpu.memory_space<vmem>>, vector<16xi32>,
        %swap3A_1873 = vector.shape_cast %swap3A_1872 : vector<16xi32> to vector<16xi32>
        %swap3A_1874 = vector.shape_cast %add3A_1867 : vector<16xi32> to vector<16xi32>
        tpu.vector_store %swap3A_1870[%swap3A_1871], %swap3A_1874 {strides = array<i32>} : memref<64xi32, #tpu.memory_space<vmem>>, vector<16xi32>,
        %add3A_1875 = arith.constant 48 : i32
        %add3A_1876 = arith.addi %add3A_1814, %add3A_1875 : i32
        %shift_right_arithmetic3A_1877 = arith.constant 10 : i32
        %shift_right_arithmetic3A_1878 = arith.shrsi %add3A_1876, %shift_right_arithmetic3A_1877 : i32
        %and3A_1879 = arith.constant 1023 : i32
        %and3A_1880 = arith.andi %add3A_1876, %and3A_1879 : i32
        %get3A_1881 = arith.index_cast %and3A_1880 : i32 to index
        %get3A_1882 = tpu.vector_load %arg5[%get3A_1881] {strides = array<i32>} : memref<1024xi32, #tpu.memory_space<vmem>>, vector<16xi32>,
        %get3A_1883 = vector.shape_cast %get3A_1882 : vector<16xi32> to vector<16xi32>
        %mul3A_1884 = arith.constant 1000 : i32
        %mul3A_1885 = arith.muli %shift_right_arithmetic3A_1878, %mul3A_1884 : i32
        %add3A_1886 = vector.broadcast %mul3A_1885 : i32 to vector<16xi32>
        %add3A_1887 = arith.addi %get3A_1883, %add3A_1886 : vector<16xi32>
        %swap3A_1888 = arith.constant 0 : i32
        %swap3A_1889 = tpu.memref_slice %arg6[%add3A_1811, %swap3A_1888] : memref<75x64xi32, #tpu.memory_space<vmem>> -> memref<1x64xi32, #tpu.memory_space<vmem>>
        %swap3A_1890 = tpu.memref_squeeze %swap3A_1889 : memref<1x64xi32, #tpu.memory_space<vmem>> -> memref<64xi32, #tpu.memory_space<vmem>>
        %swap3A_1891 = arith.constant 48 : index
        %swap3A_1892 = tpu.vector_load %swap3A_1890[%swap3A_1891] {strides = array<i32>} : memref<64xi32, #tpu.memory_space<vmem>>, vector<16xi32>,
        %swap3A_1893 = vector.shape_cast %swap3A_1892 : vector<16xi32> to vector<16xi32>
        %swap3A_1894 = vector.shape_cast %add3A_1887 : vector<16xi32> to vector<16xi32>
        tpu.vector_store %swap3A_1890[%swap3A_1891], %swap3A_1894 {strides = array<i32>} : memref<64xi32, #tpu.memory_space<vmem>>, vector<16xi32>,
        %add3A_1895 = arith.constant 1 : i32
        %add3A_1896 = arith.addi %add3A_1187, %add3A_1895 : i32
        %mul3A_1897 = arith.constant 5 : i32
        %mul3A_1898 = arith.muli %add3A_1896, %mul3A_1897 : i32
        %add3A_1899 = arith.constant 4 : i32
        %add3A_1900 = arith.addi %mul3A_1898, %add3A_1899 : i32
        %mul3A_1901 = arith.constant 64 : i32
        %mul3A_1902 = arith.muli %add3A_1900, %mul3A_1901 : i32
        %add3A_1903 = arith.addi %mul3A_2, %mul3A_1902 : i32
        %add3A_1904 = arith.constant 0 : i32
        %add3A_1905 = arith.addi %add3A_1903, %add3A_1904 : i32
        %shift_right_arithmetic3A_1906 = arith.constant 10 : i32
        %shift_right_arithmetic3A_1907 = arith.shrsi %add3A_1905, %shift_right_arithmetic3A_1906 : i32
        %and3A_1908 = arith.constant 1023 : i32
        %and3A_1909 = arith.andi %add3A_1905, %and3A_1908 : i32
        %get3A_1910 = arith.index_cast %and3A_1909 : i32 to index
        %get3A_1911 = tpu.vector_load %arg5[%get3A_1910] {strides = array<i32>} : memref<1024xi32, #tpu.memory_space<vmem>>, vector<16xi32>,
        %get3A_1912 = vector.shape_cast %get3A_1911 : vector<16xi32> to vector<16xi32>
        %mul3A_1913 = arith.constant 1000 : i32
        %mul3A_1914 = arith.muli %shift_right_arithmetic3A_1907, %mul3A_1913 : i32
        %add3A_1915 = vector.broadcast %mul3A_1914 : i32 to vector<16xi32>
        %add3A_1916 = arith.addi %get3A_1912, %add3A_1915 : vector<16xi32>
        %swap3A_1917 = arith.constant 0 : i32
        %swap3A_1918 = tpu.memref_slice %arg6[%add3A_1900, %swap3A_1917] : memref<75x64xi32, #tpu.memory_space<vmem>> -> memref<1x64xi32, #tpu.memory_space<vmem>>
        %swap3A_1919 = tpu.memref_squeeze %swap3A_1918 : memref<1x64xi32, #tpu.memory_space<vmem>> -> memref<64xi32, #tpu.memory_space<vmem>>
        %swap3A_1920 = arith.constant 0 : index
        %swap3A_1921 = tpu.vector_load %swap3A_1919[%swap3A_1920] {strides = array<i32>} : memref<64xi32, #tpu.memory_space<vmem>>, vector<16xi32>,
        %swap3A_1922 = vector.shape_cast %swap3A_1921 : vector<16xi32> to vector<16xi32>
        %swap3A_1923 = vector.shape_cast %add3A_1916 : vector<16xi32> to vector<16xi32>
        tpu.vector_store %swap3A_1919[%swap3A_1920], %swap3A_1923 {strides = array<i32>} : memref<64xi32, #tpu.memory_space<vmem>>, vector<16xi32>,
        %add3A_1924 = arith.constant 16 : i32
        %add3A_1925 = arith.addi %add3A_1903, %add3A_1924 : i32
        %shift_right_arithmetic3A_1926 = arith.constant 10 : i32
        %shift_right_arithmetic3A_1927 = arith.shrsi %add3A_1925, %shift_right_arithmetic3A_1926 : i32
        %and3A_1928 = arith.constant 1023 : i32
        %and3A_1929 = arith.andi %add3A_1925, %and3A_1928 : i32
        %get3A_1930 = arith.index_cast %and3A_1929 : i32 to index
        %get3A_1931 = tpu.vector_load %arg5[%get3A_1930] {strides = array<i32>} : memref<1024xi32, #tpu.memory_space<vmem>>, vector<16xi32>,
        %get3A_1932 = vector.shape_cast %get3A_1931 : vector<16xi32> to vector<16xi32>
        %mul3A_1933 = arith.constant 1000 : i32
        %mul3A_1934 = arith.muli %shift_right_arithmetic3A_1927, %mul3A_1933 : i32
        %add3A_1935 = vector.broadcast %mul3A_1934 : i32 to vector<16xi32>
        %add3A_1936 = arith.addi %get3A_1932, %add3A_1935 : vector<16xi32>
        %swap3A_1937 = arith.constant 0 : i32
        %swap3A_1938 = tpu.memref_slice %arg6[%add3A_1900, %swap3A_1937] : memref<75x64xi32, #tpu.memory_space<vmem>> -> memref<1x64xi32, #tpu.memory_space<vmem>>
        %swap3A_1939 = tpu.memref_squeeze %swap3A_1938 : memref<1x64xi32, #tpu.memory_space<vmem>> -> memref<64xi32, #tpu.memory_space<vmem>>
        %swap3A_1940 = arith.constant 16 : index
        %swap3A_1941 = tpu.vector_load %swap3A_1939[%swap3A_1940] {strides = array<i32>} : memref<64xi32, #tpu.memory_space<vmem>>, vector<16xi32>,
        %swap3A_1942 = vector.shape_cast %swap3A_1941 : vector<16xi32> to vector<16xi32>
        %swap3A_1943 = vector.shape_cast %add3A_1936 : vector<16xi32> to vector<16xi32>
        tpu.vector_store %swap3A_1939[%swap3A_1940], %swap3A_1943 {strides = array<i32>} : memref<64xi32, #tpu.memory_space<vmem>>, vector<16xi32>,
        %add3A_1944 = arith.constant 32 : i32
        %add3A_1945 = arith.addi %add3A_1903, %add3A_1944 : i32
        %shift_right_arithmetic3A_1946 = arith.constant 10 : i32
        %shift_right_arithmetic3A_1947 = arith.shrsi %add3A_1945, %shift_right_arithmetic3A_1946 : i32
        %and3A_1948 = arith.constant 1023 : i32
        %and3A_1949 = arith.andi %add3A_1945, %and3A_1948 : i32
        %get3A_1950 = arith.index_cast %and3A_1949 : i32 to index
        %get3A_1951 = tpu.vector_load %arg5[%get3A_1950] {strides = array<i32>} : memref<1024xi32, #tpu.memory_space<vmem>>, vector<16xi32>,
        %get3A_1952 = vector.shape_cast %get3A_1951 : vector<16xi32> to vector<16xi32>
        %mul3A_1953 = arith.constant 1000 : i32
        %mul3A_1954 = arith.muli %shift_right_arithmetic3A_1947, %mul3A_1953 : i32
        %add3A_1955 = vector.broadcast %mul3A_1954 : i32 to vector<16xi32>
        %add3A_1956 = arith.addi %get3A_1952, %add3A_1955 : vector<16xi32>
        %swap3A_1957 = arith.constant 0 : i32
        %swap3A_1958 = tpu.memref_slice %arg6[%add3A_1900, %swap3A_1957] : memref<75x64xi32, #tpu.memory_space<vmem>> -> memref<1x64xi32, #tpu.memory_space<vmem>>
        %swap3A_1959 = tpu.memref_squeeze %swap3A_1958 : memref<1x64xi32, #tpu.memory_space<vmem>> -> memref<64xi32, #tpu.memory_space<vmem>>
        %swap3A_1960 = arith.constant 32 : index
        %swap3A_1961 = tpu.vector_load %swap3A_1959[%swap3A_1960] {strides = array<i32>} : memref<64xi32, #tpu.memory_space<vmem>>, vector<16xi32>,
        %swap3A_1962 = vector.shape_cast %swap3A_1961 : vector<16xi32> to vector<16xi32>
        %swap3A_1963 = vector.shape_cast %add3A_1956 : vector<16xi32> to vector<16xi32>
        tpu.vector_store %swap3A_1959[%swap3A_1960], %swap3A_1963 {strides = array<i32>} : memref<64xi32, #tpu.memory_space<vmem>>, vector<16xi32>,
        %add3A_1964 = arith.constant 48 : i32
        %add3A_1965 = arith.addi %add3A_1903, %add3A_1964 : i32
        %shift_right_arithmetic3A_1966 = arith.constant 10 : i32
        %shift_right_arithmetic3A_1967 = arith.shrsi %add3A_1965, %shift_right_arithmetic3A_1966 : i32
        %and3A_1968 = arith.constant 1023 : i32
        %and3A_1969 = arith.andi %add3A_1965, %and3A_1968 : i32
        %get3A_1970 = arith.index_cast %and3A_1969 : i32 to index
        %get3A_1971 = tpu.vector_load %arg5[%get3A_1970] {strides = array<i32>} : memref<1024xi32, #tpu.memory_space<vmem>>, vector<16xi32>,
        %get3A_1972 = vector.shape_cast %get3A_1971 : vector<16xi32> to vector<16xi32>
        %mul3A_1973 = arith.constant 1000 : i32
        %mul3A_1974 = arith.muli %shift_right_arithmetic3A_1967, %mul3A_1973 : i32
        %add3A_1975 = vector.broadcast %mul3A_1974 : i32 to vector<16xi32>
        %add3A_1976 = arith.addi %get3A_1972, %add3A_1975 : vector<16xi32>
        %swap3A_1977 = arith.constant 0 : i32
        %swap3A_1978 = tpu.memref_slice %arg6[%add3A_1900, %swap3A_1977] : memref<75x64xi32, #tpu.memory_space<vmem>> -> memref<1x64xi32, #tpu.memory_space<vmem>>
        %swap3A_1979 = tpu.memref_squeeze %swap3A_1978 : memref<1x64xi32, #tpu.memory_space<vmem>> -> memref<64xi32, #tpu.memory_space<vmem>>
        %swap3A_1980 = arith.constant 48 : index
        %swap3A_1981 = tpu.vector_load %swap3A_1979[%swap3A_1980] {strides = array<i32>} : memref<64xi32, #tpu.memory_space<vmem>>, vector<16xi32>,
        %swap3A_1982 = vector.shape_cast %swap3A_1981 : vector<16xi32> to vector<16xi32>
        %swap3A_1983 = vector.shape_cast %add3A_1976 : vector<16xi32> to vector<16xi32>
        tpu.vector_store %swap3A_1979[%swap3A_1980], %swap3A_1983 {strides = array<i32>} : memref<64xi32, #tpu.memory_space<vmem>>, vector<16xi32>,
      } else {
      }
    }
    %scan3A_1027 = arith.constant 14 : i32
    %dma_wait3A_1028 = arith.constant 3 : i32
    %dma_wait3A_1029 = arith.constant 0 : i32
    %dma_wait3A_1030 = arith.constant 0 : i32
    %dma_wait3A_1031 = tpu.memref_slice %arg7[%dma_wait3A_1028, %dma_wait3A_1029, %dma_wait3A_1030] : memref<5x64x256xf32, #tpu.memory_space<vmem>> -> memref<1x64x256xf32, #tpu.memory_space<vmem>>
    %dma_wait3A_1032 = tpu.memref_squeeze %dma_wait3A_1031 : memref<1x64x256xf32, #tpu.memory_space<vmem>> -> memref<64x256xf32, #tpu.memory_space<vmem>>
    %dma_wait3A_1033 = tpu.memref_reshape %arg4 : memref<150x1024x256xf32, #tpu.memory_space<hbm>> -> memref<153600x256xf32, #tpu.memory_space<hbm>>
    %dma_wait3A_1034 = arith.constant 0 : i32
    %dma_wait3A_1035 = arith.constant 0 : i32
    %dma_wait3A_1036 = tpu.memref_slice %dma_wait3A_1033[%dma_wait3A_1034, %dma_wait3A_1035] : memref<153600x256xf32, #tpu.memory_space<hbm>> -> memref<64x256xf32, #tpu.memory_space<hbm>>
    %dma_wait3A_1037 = tpu.memref_reshape %arg4 : memref<150x1024x256xf32, #tpu.memory_space<hbm>> -> memref<153600x256xf32, #tpu.memory_space<hbm>>
    %dma_wait3A_1038 = arith.constant 0 : i32
    %dma_wait3A_1039 = arith.constant 0 : i32
    %dma_wait3A_1040 = tpu.memref_slice %dma_wait3A_1037[%dma_wait3A_1038, %dma_wait3A_1039] : memref<153600x256xf32, #tpu.memory_space<hbm>> -> memref<64x256xf32, #tpu.memory_space<hbm>>
    %dma_wait3A_1041 = arith.constant 0 : i32
    %dma_wait3A_1042 = arith.constant 0 : i32
    %dma_wait3A_1043 = tpu.memref_slice %arg7[%dma_wait3A_1028, %dma_wait3A_1041, %dma_wait3A_1042] : memref<5x64x256xf32, #tpu.memory_space<vmem>> -> memref<1x64x256xf32, #tpu.memory_space<vmem>>
    %dma_wait3A_1044 = tpu.memref_squeeze %dma_wait3A_1043 : memref<1x64x256xf32, #tpu.memory_space<vmem>> -> memref<64x256xf32, #tpu.memory_space<vmem>>
    tpu.wait_dma2 semaphore(%arg11 : memref<!tpu.dma_semaphore, #tpu.memory_space<semaphore_mem>>) src(%dma_wait3A_1044 : memref<64x256xf32, #tpu.memory_space<vmem>>) dst(%dma_wait3A_1040 : memref<64x256xf32, #tpu.memory_space<hbm>>)
    %add3A_1045 = arith.constant 4672 : i32
    %add3A_1046 = arith.addi %mul3A_2, %add3A_1045 : i32
    %dma_start3A_1047 = arith.constant 3 : i32
    %dma_start3A_1048 = arith.constant 0 : i32
    %dma_start3A_1049 = arith.constant 0 : i32
    %dma_start3A_1050 = tpu.memref_slice %arg7[%dma_start3A_1047, %dma_start3A_1048, %dma_start3A_1049] : memref<5x64x256xf32, #tpu.memory_space<vmem>> -> memref<1x64x256xf32, #tpu.memory_space<vmem>>
    %dma_start3A_1051 = tpu.memref_squeeze %dma_start3A_1050 : memref<1x64x256xf32, #tpu.memory_space<vmem>> -> memref<64x256xf32, #tpu.memory_space<vmem>>
    %dma_start3A_1052 = tpu.memref_reshape %arg4 : memref<150x1024x256xf32, #tpu.memory_space<hbm>> -> memref<153600x256xf32, #tpu.memory_space<hbm>>
    %dma_start3A_1053 = arith.constant 0 : i32
    %dma_start3A_1054 = tpu.memref_slice %dma_start3A_1052[%add3A_1046, %dma_start3A_1053] : memref<153600x256xf32, #tpu.memory_space<hbm>> -> memref<64x256xf32, #tpu.memory_space<hbm>>
    %dma_start3A_1055 = tpu.memref_reshape %arg4 : memref<150x1024x256xf32, #tpu.memory_space<hbm>> -> memref<153600x256xf32, #tpu.memory_space<hbm>>
    %dma_start3A_1056 = arith.constant 0 : i32
    %dma_start3A_1057 = tpu.memref_slice %dma_start3A_1055[%add3A_1046, %dma_start3A_1056] : memref<153600x256xf32, #tpu.memory_space<hbm>> -> memref<64x256xf32, #tpu.memory_space<hbm>>
    %dma_start3A_1058 = arith.constant 0 : i32
    %dma_start3A_1059 = arith.constant 0 : i32
    %dma_start3A_1060 = tpu.memref_slice %arg7[%dma_start3A_1047, %dma_start3A_1058, %dma_start3A_1059] : memref<5x64x256xf32, #tpu.memory_space<vmem>> -> memref<1x64x256xf32, #tpu.memory_space<vmem>>
    %dma_start3A_1061 = tpu.memref_squeeze %dma_start3A_1060 : memref<1x64x256xf32, #tpu.memory_space<vmem>> -> memref<64x256xf32, #tpu.memory_space<vmem>>
    tpu.enqueue_dma source(%dma_start3A_1061 : memref<64x256xf32, #tpu.memory_space<vmem>>) target(%dma_start3A_1057 : memref<64x256xf32, #tpu.memory_space<hbm>>) target_semaphore(%arg11 : memref<!tpu.dma_semaphore, #tpu.memory_space<semaphore_mem>>)
    %dma_wait3A_1062 = arith.constant 4 : i32
    %dma_wait3A_1063 = arith.constant 0 : i32
    %dma_wait3A_1064 = arith.constant 0 : i32
    %dma_wait3A_1065 = tpu.memref_slice %arg7[%dma_wait3A_1062, %dma_wait3A_1063, %dma_wait3A_1064] : memref<5x64x256xf32, #tpu.memory_space<vmem>> -> memref<1x64x256xf32, #tpu.memory_space<vmem>>
    %dma_wait3A_1066 = tpu.memref_squeeze %dma_wait3A_1065 : memref<1x64x256xf32, #tpu.memory_space<vmem>> -> memref<64x256xf32, #tpu.memory_space<vmem>>
    %dma_wait3A_1067 = tpu.memref_reshape %arg4 : memref<150x1024x256xf32, #tpu.memory_space<hbm>> -> memref<153600x256xf32, #tpu.memory_space<hbm>>
    %dma_wait3A_1068 = arith.constant 0 : i32
    %dma_wait3A_1069 = arith.constant 0 : i32
    %dma_wait3A_1070 = tpu.memref_slice %dma_wait3A_1067[%dma_wait3A_1068, %dma_wait3A_1069] : memref<153600x256xf32, #tpu.memory_space<hbm>> -> memref<64x256xf32, #tpu.memory_space<hbm>>
    %dma_wait3A_1071 = tpu.memref_reshape %arg4 : memref<150x1024x256xf32, #tpu.memory_space<hbm>> -> memref<153600x256xf32, #tpu.memory_space<hbm>>
    %dma_wait3A_1072 = arith.constant 0 : i32
    %dma_wait3A_1073 = arith.constant 0 : i32
    %dma_wait3A_1074 = tpu.memref_slice %dma_wait3A_1071[%dma_wait3A_1072, %dma_wait3A_1073] : memref<153600x256xf32, #tpu.memory_space<hbm>> -> memref<64x256xf32, #tpu.memory_space<hbm>>
    %dma_wait3A_1075 = arith.constant 0 : i32
    %dma_wait3A_1076 = arith.constant 0 : i32
    %dma_wait3A_1077 = tpu.memref_slice %arg7[%dma_wait3A_1062, %dma_wait3A_1075, %dma_wait3A_1076] : memref<5x64x256xf32, #tpu.memory_space<vmem>> -> memref<1x64x256xf32, #tpu.memory_space<vmem>>
    %dma_wait3A_1078 = tpu.memref_squeeze %dma_wait3A_1077 : memref<1x64x256xf32, #tpu.memory_space<vmem>> -> memref<64x256xf32, #tpu.memory_space<vmem>>
    tpu.wait_dma2 semaphore(%arg12 : memref<!tpu.dma_semaphore, #tpu.memory_space<semaphore_mem>>) src(%dma_wait3A_1078 : memref<64x256xf32, #tpu.memory_space<vmem>>) dst(%dma_wait3A_1074 : memref<64x256xf32, #tpu.memory_space<hbm>>)
    %add3A_1079 = arith.constant 4736 : i32
    %add3A_1080 = arith.addi %mul3A_2, %add3A_1079 : i32
    %dma_start3A_1081 = arith.constant 4 : i32
    %dma_start3A_1082 = arith.constant 0 : i32
    %dma_start3A_1083 = arith.constant 0 : i32
    %dma_start3A_1084 = tpu.memref_slice %arg7[%dma_start3A_1081, %dma_start3A_1082, %dma_start3A_1083] : memref<5x64x256xf32, #tpu.memory_space<vmem>> -> memref<1x64x256xf32, #tpu.memory_space<vmem>>
    %dma_start3A_1085 = tpu.memref_squeeze %dma_start3A_1084 : memref<1x64x256xf32, #tpu.memory_space<vmem>> -> memref<64x256xf32, #tpu.memory_space<vmem>>
    %dma_start3A_1086 = tpu.memref_reshape %arg4 : memref<150x1024x256xf32, #tpu.memory_space<hbm>> -> memref<153600x256xf32, #tpu.memory_space<hbm>>
    %dma_start3A_1087 = arith.constant 0 : i32
    %dma_start3A_1088 = tpu.memref_slice %dma_start3A_1086[%add3A_1080, %dma_start3A_1087] : memref<153600x256xf32, #tpu.memory_space<hbm>> -> memref<64x256xf32, #tpu.memory_space<hbm>>
    %dma_start3A_1089 = tpu.memref_reshape %arg4 : memref<150x1024x256xf32, #tpu.memory_space<hbm>> -> memref<153600x256xf32, #tpu.memory_space<hbm>>
    %dma_start3A_1090 = arith.constant 0 : i32
    %dma_start3A_1091 = tpu.memref_slice %dma_start3A_1089[%add3A_1080, %dma_start3A_1090] : memref<153600x256xf32, #tpu.memory_space<hbm>> -> memref<64x256xf32, #tpu.memory_space<hbm>>
    %dma_start3A_1092 = arith.constant 0 : i32
    %dma_start3A_1093 = arith.constant 0 : i32
    %dma_start3A_1094 = tpu.memref_slice %arg7[%dma_start3A_1081, %dma_start3A_1092, %dma_start3A_1093] : memref<5x64x256xf32, #tpu.memory_space<vmem>> -> memref<1x64x256xf32, #tpu.memory_space<vmem>>
    %dma_start3A_1095 = tpu.memref_squeeze %dma_start3A_1094 : memref<1x64x256xf32, #tpu.memory_space<vmem>> -> memref<64x256xf32, #tpu.memory_space<vmem>>
    tpu.enqueue_dma source(%dma_start3A_1095 : memref<64x256xf32, #tpu.memory_space<vmem>>) target(%dma_start3A_1091 : memref<64x256xf32, #tpu.memory_space<hbm>>) target_semaphore(%arg12 : memref<!tpu.dma_semaphore, #tpu.memory_space<semaphore_mem>>)
    %dma_wait3A_1096 = arith.constant 0 : i32
    %dma_wait3A_1097 = arith.constant 0 : i32
    %dma_wait3A_1098 = arith.constant 0 : i32
    %dma_wait3A_1099 = tpu.memref_slice %arg7[%dma_wait3A_1096, %dma_wait3A_1097, %dma_wait3A_1098] : memref<5x64x256xf32, #tpu.memory_space<vmem>> -> memref<1x64x256xf32, #tpu.memory_space<vmem>>
    %dma_wait3A_1100 = tpu.memref_squeeze %dma_wait3A_1099 : memref<1x64x256xf32, #tpu.memory_space<vmem>> -> memref<64x256xf32, #tpu.memory_space<vmem>>
    %dma_wait3A_1101 = tpu.memref_reshape %arg4 : memref<150x1024x256xf32, #tpu.memory_space<hbm>> -> memref<153600x256xf32, #tpu.memory_space<hbm>>
    %dma_wait3A_1102 = arith.constant 0 : i32
    %dma_wait3A_1103 = arith.constant 0 : i32
    %dma_wait3A_1104 = tpu.memref_slice %dma_wait3A_1101[%dma_wait3A_1102, %dma_wait3A_1103] : memref<153600x256xf32, #tpu.memory_space<hbm>> -> memref<64x256xf32, #tpu.memory_space<hbm>>
    %dma_wait3A_1105 = tpu.memref_reshape %arg4 : memref<150x1024x256xf32, #tpu.memory_space<hbm>> -> memref<153600x256xf32, #tpu.memory_space<hbm>>
    %dma_wait3A_1106 = arith.constant 0 : i32
    %dma_wait3A_1107 = arith.constant 0 : i32
    %dma_wait3A_1108 = tpu.memref_slice %dma_wait3A_1105[%dma_wait3A_1106, %dma_wait3A_1107] : memref<153600x256xf32, #tpu.memory_space<hbm>> -> memref<64x256xf32, #tpu.memory_space<hbm>>
    %dma_wait3A_1109 = arith.constant 0 : i32
    %dma_wait3A_1110 = arith.constant 0 : i32
    %dma_wait3A_1111 = tpu.memref_slice %arg7[%dma_wait3A_1096, %dma_wait3A_1109, %dma_wait3A_1110] : memref<5x64x256xf32, #tpu.memory_space<vmem>> -> memref<1x64x256xf32, #tpu.memory_space<vmem>>
    %dma_wait3A_1112 = tpu.memref_squeeze %dma_wait3A_1111 : memref<1x64x256xf32, #tpu.memory_space<vmem>> -> memref<64x256xf32, #tpu.memory_space<vmem>>
    tpu.wait_dma2 semaphore(%arg8 : memref<!tpu.dma_semaphore, #tpu.memory_space<semaphore_mem>>) src(%dma_wait3A_1112 : memref<64x256xf32, #tpu.memory_space<vmem>>) dst(%dma_wait3A_1108 : memref<64x256xf32, #tpu.memory_space<hbm>>)
    %dma_wait3A_1113 = arith.constant 1 : i32
    %dma_wait3A_1114 = arith.constant 0 : i32
    %dma_wait3A_1115 = arith.constant 0 : i32
    %dma_wait3A_1116 = tpu.memref_slice %arg7[%dma_wait3A_1113, %dma_wait3A_1114, %dma_wait3A_1115] : memref<5x64x256xf32, #tpu.memory_space<vmem>> -> memref<1x64x256xf32, #tpu.memory_space<vmem>>
    %dma_wait3A_1117 = tpu.memref_squeeze %dma_wait3A_1116 : memref<1x64x256xf32, #tpu.memory_space<vmem>> -> memref<64x256xf32, #tpu.memory_space<vmem>>
    %dma_wait3A_1118 = tpu.memref_reshape %arg4 : memref<150x1024x256xf32, #tpu.memory_space<hbm>> -> memref<153600x256xf32, #tpu.memory_space<hbm>>
    %dma_wait3A_1119 = arith.constant 0 : i32
    %dma_wait3A_1120 = arith.constant 0 : i32
    %dma_wait3A_1121 = tpu.memref_slice %dma_wait3A_1118[%dma_wait3A_1119, %dma_wait3A_1120] : memref<153600x256xf32, #tpu.memory_space<hbm>> -> memref<64x256xf32, #tpu.memory_space<hbm>>
    %dma_wait3A_1122 = tpu.memref_reshape %arg4 : memref<150x1024x256xf32, #tpu.memory_space<hbm>> -> memref<153600x256xf32, #tpu.memory_space<hbm>>
    %dma_wait3A_1123 = arith.constant 0 : i32
    %dma_wait3A_1124 = arith.constant 0 : i32
    %dma_wait3A_1125 = tpu.memref_slice %dma_wait3A_1122[%dma_wait3A_1123, %dma_wait3A_1124] : memref<153600x256xf32, #tpu.memory_space<hbm>> -> memref<64x256xf32, #tpu.memory_space<hbm>>
    %dma_wait3A_1126 = arith.constant 0 : i32
    %dma_wait3A_1127 = arith.constant 0 : i32
    %dma_wait3A_1128 = tpu.memref_slice %arg7[%dma_wait3A_1113, %dma_wait3A_1126, %dma_wait3A_1127] : memref<5x64x256xf32, #tpu.memory_space<vmem>> -> memref<1x64x256xf32, #tpu.memory_space<vmem>>
    %dma_wait3A_1129 = tpu.memref_squeeze %dma_wait3A_1128 : memref<1x64x256xf32, #tpu.memory_space<vmem>> -> memref<64x256xf32, #tpu.memory_space<vmem>>
    tpu.wait_dma2 semaphore(%arg9 : memref<!tpu.dma_semaphore, #tpu.memory_space<semaphore_mem>>) src(%dma_wait3A_1129 : memref<64x256xf32, #tpu.memory_space<vmem>>) dst(%dma_wait3A_1125 : memref<64x256xf32, #tpu.memory_space<hbm>>)
    %dma_wait3A_1130 = arith.constant 2 : i32
    %dma_wait3A_1131 = arith.constant 0 : i32
    %dma_wait3A_1132 = arith.constant 0 : i32
    %dma_wait3A_1133 = tpu.memref_slice %arg7[%dma_wait3A_1130, %dma_wait3A_1131, %dma_wait3A_1132] : memref<5x64x256xf32, #tpu.memory_space<vmem>> -> memref<1x64x256xf32, #tpu.memory_space<vmem>>
    %dma_wait3A_1134 = tpu.memref_squeeze %dma_wait3A_1133 : memref<1x64x256xf32, #tpu.memory_space<vmem>> -> memref<64x256xf32, #tpu.memory_space<vmem>>
    %dma_wait3A_1135 = tpu.memref_reshape %arg4 : memref<150x1024x256xf32, #tpu.memory_space<hbm>> -> memref<153600x256xf32, #tpu.memory_space<hbm>>
    %dma_wait3A_1136 = arith.constant 0 : i32
    %dma_wait3A_1137 = arith.constant 0 : i32
    %dma_wait3A_1138 = tpu.memref_slice %dma_wait3A_1135[%dma_wait3A_1136, %dma_wait3A_1137] : memref<153600x256xf32, #tpu.memory_space<hbm>> -> memref<64x256xf32, #tpu.memory_space<hbm>>
    %dma_wait3A_1139 = tpu.memref_reshape %arg4 : memref<150x1024x256xf32, #tpu.memory_space<hbm>> -> memref<153600x256xf32, #tpu.memory_space<hbm>>
    %dma_wait3A_1140 = arith.constant 0 : i32
    %dma_wait3A_1141 = arith.constant 0 : i32
    %dma_wait3A_1142 = tpu.memref_slice %dma_wait3A_1139[%dma_wait3A_1140, %dma_wait3A_1141] : memref<153600x256xf32, #tpu.memory_space<hbm>> -> memref<64x256xf32, #tpu.memory_space<hbm>>
    %dma_wait3A_1143 = arith.constant 0 : i32
    %dma_wait3A_1144 = arith.constant 0 : i32
    %dma_wait3A_1145 = tpu.memref_slice %arg7[%dma_wait3A_1130, %dma_wait3A_1143, %dma_wait3A_1144] : memref<5x64x256xf32, #tpu.memory_space<vmem>> -> memref<1x64x256xf32, #tpu.memory_space<vmem>>
    %dma_wait3A_1146 = tpu.memref_squeeze %dma_wait3A_1145 : memref<1x64x256xf32, #tpu.memory_space<vmem>> -> memref<64x256xf32, #tpu.memory_space<vmem>>
    tpu.wait_dma2 semaphore(%arg10 : memref<!tpu.dma_semaphore, #tpu.memory_space<semaphore_mem>>) src(%dma_wait3A_1146 : memref<64x256xf32, #tpu.memory_space<vmem>>) dst(%dma_wait3A_1142 : memref<64x256xf32, #tpu.memory_space<hbm>>)
    %dma_wait3A_1147 = arith.constant 3 : i32
    %dma_wait3A_1148 = arith.constant 0 : i32
    %dma_wait3A_1149 = arith.constant 0 : i32
    %dma_wait3A_1150 = tpu.memref_slice %arg7[%dma_wait3A_1147, %dma_wait3A_1148, %dma_wait3A_1149] : memref<5x64x256xf32, #tpu.memory_space<vmem>> -> memref<1x64x256xf32, #tpu.memory_space<vmem>>
    %dma_wait3A_1151 = tpu.memref_squeeze %dma_wait3A_1150 : memref<1x64x256xf32, #tpu.memory_space<vmem>> -> memref<64x256xf32, #tpu.memory_space<vmem>>
    %dma_wait3A_1152 = tpu.memref_reshape %arg4 : memref<150x1024x256xf32, #tpu.memory_space<hbm>> -> memref<153600x256xf32, #tpu.memory_space<hbm>>
    %dma_wait3A_1153 = arith.constant 0 : i32
    %dma_wait3A_1154 = arith.constant 0 : i32
    %dma_wait3A_1155 = tpu.memref_slice %dma_wait3A_1152[%dma_wait3A_1153, %dma_wait3A_1154] : memref<153600x256xf32, #tpu.memory_space<hbm>> -> memref<64x256xf32, #tpu.memory_space<hbm>>
    %dma_wait3A_1156 = tpu.memref_reshape %arg4 : memref<150x1024x256xf32, #tpu.memory_space<hbm>> -> memref<153600x256xf32, #tpu.memory_space<hbm>>
    %dma_wait3A_1157 = arith.constant 0 : i32
    %dma_wait3A_1158 = arith.constant 0 : i32
    %dma_wait3A_1159 = tpu.memref_slice %dma_wait3A_1156[%dma_wait3A_1157, %dma_wait3A_1158] : memref<153600x256xf32, #tpu.memory_space<hbm>> -> memref<64x256xf32, #tpu.memory_space<hbm>>
    %dma_wait3A_1160 = arith.constant 0 : i32
    %dma_wait3A_1161 = arith.constant 0 : i32
    %dma_wait3A_1162 = tpu.memref_slice %arg7[%dma_wait3A_1147, %dma_wait3A_1160, %dma_wait3A_1161] : memref<5x64x256xf32, #tpu.memory_space<vmem>> -> memref<1x64x256xf32, #tpu.memory_space<vmem>>
    %dma_wait3A_1163 = tpu.memref_squeeze %dma_wait3A_1162 : memref<1x64x256xf32, #tpu.memory_space<vmem>> -> memref<64x256xf32, #tpu.memory_space<vmem>>
    tpu.wait_dma2 semaphore(%arg11 : memref<!tpu.dma_semaphore, #tpu.memory_space<semaphore_mem>>) src(%dma_wait3A_1163 : memref<64x256xf32, #tpu.memory_space<vmem>>) dst(%dma_wait3A_1159 : memref<64x256xf32, #tpu.memory_space<hbm>>)
    %dma_wait3A_1164 = arith.constant 4 : i32
    %dma_wait3A_1165 = arith.constant 0 : i32
    %dma_wait3A_1166 = arith.constant 0 : i32
    %dma_wait3A_1167 = tpu.memref_slice %arg7[%dma_wait3A_1164, %dma_wait3A_1165, %dma_wait3A_1166] : memref<5x64x256xf32, #tpu.memory_space<vmem>> -> memref<1x64x256xf32, #tpu.memory_space<vmem>>
    %dma_wait3A_1168 = tpu.memref_squeeze %dma_wait3A_1167 : memref<1x64x256xf32, #tpu.memory_space<vmem>> -> memref<64x256xf32, #tpu.memory_space<vmem>>
    %dma_wait3A_1169 = tpu.memref_reshape %arg4 : memref<150x1024x256xf32, #tpu.memory_space<hbm>> -> memref<153600x256xf32, #tpu.memory_space<hbm>>
    %dma_wait3A_1170 = arith.constant 0 : i32
    %dma_wait3A_1171 = arith.constant 0 : i32
    %dma_wait3A_1172 = tpu.memref_slice %dma_wait3A_1169[%dma_wait3A_1170, %dma_wait3A_1171] : memref<153600x256xf32, #tpu.memory_space<hbm>> -> memref<64x256xf32, #tpu.memory_space<hbm>>
    %dma_wait3A_1173 = tpu.memref_reshape %arg4 : memref<150x1024x256xf32, #tpu.memory_space<hbm>> -> memref<153600x256xf32, #tpu.memory_space<hbm>>
    %dma_wait3A_1174 = arith.constant 0 : i32
    %dma_wait3A_1175 = arith.constant 0 : i32
    %dma_wait3A_1176 = tpu.memref_slice %dma_wait3A_1173[%dma_wait3A_1174, %dma_wait3A_1175] : memref<153600x256xf32, #tpu.memory_space<hbm>> -> memref<64x256xf32, #tpu.memory_space<hbm>>
    %dma_wait3A_1177 = arith.constant 0 : i32
    %dma_wait3A_1178 = arith.constant 0 : i32
    %dma_wait3A_1179 = tpu.memref_slice %arg7[%dma_wait3A_1164, %dma_wait3A_1177, %dma_wait3A_1178] : memref<5x64x256xf32, #tpu.memory_space<vmem>> -> memref<1x64x256xf32, #tpu.memory_space<vmem>>
    %dma_wait3A_1180 = tpu.memref_squeeze %dma_wait3A_1179 : memref<1x64x256xf32, #tpu.memory_space<vmem>> -> memref<64x256xf32, #tpu.memory_space<vmem>>
    tpu.wait_dma2 semaphore(%arg12 : memref<!tpu.dma_semaphore, #tpu.memory_space<semaphore_mem>>) src(%dma_wait3A_1180 : memref<64x256xf32, #tpu.memory_space<vmem>>) dst(%dma_wait3A_1176 : memref<64x256xf32, #tpu.memory_space<hbm>>)
    return
  }
}

</mosaic_0001>

<sc_bundles>
// kernel: kernel.3.cloned.1.call-start
scs
__scs_entry_jumppad:
0x0: {  	(pc) =	sbr.rel $0x88, $3  }
0x1: {  	(tag) =	ssettag $0x0;
	lr =	simm.s32 $0x1  }
0x2: {  	[smem:$0x3F9F] =	sst lr;
	_ =	strace $0xD0000000  }
0x3: {  	_ = 	snop  }
0x4: {  	_ = 	snop  }
0x5: {  	_ = 	snop  }
0x6: {  	_ = 	snop  }
0x7: {  	_ = 	snop  }
__scs_overlays_trampoline_lowered:
0x8: {  	[smem:$0x3FAE] =	sst s0  }
0x9: {  	[smem:$0x3FAF] =	sst s1  }
0xa: {  	[smem:$0x3FB0] =	sst s2  }
0xb: {  	[smem:$0x3FB1] =	sst s3  }
0xc: {  	[smem:$0x3FB2] =	sst s4  }
0xd: {  	[smem:$0x3FB3] =	sst s5  }
0xe: {  	[smem:$0x3FB4] =	sst s6  }
0xf: {  	[smem:$0x3FB5] =	sst s7  }
0x10: {  	[smem:$0x3FB6] =	sst s8  }
0x11: {  	[smem:$0x3FB7] =	sst s9;
	s0 =	simm.s32 @!p0 $0x0  }
0x12: {  	s1 =	sld [smem:$0x3F9D];
	s0 =	simm.s32 @p0 $0x1  }
0x13: {  	[smem:$0x3FB8] =	sst s0;
	s0 =	simm.s32 @!p1 $0x0  }
0x14: {  	s2 =	sld [smem:$0x3F9C];
	s0 =	simm.s32 @p1 $0x1  }
0x15: {  	[smem:$0x3FB9] =	sst s0;
	s0 =	simm.s32 @!p2 $0x0  }
0x16: {  	s3 =	sld [smem:$0x3FDB];
	s0 =	simm.s32 @p2 $0x1  }
0x17: {  	s4 =	simm.s32 $0x1BF5;
	[smem:$0x3FBB] =	sst s0  }
0x18: {  	s0 =	sld [smem:$0x3F9E];
	_ =	swait.ge [sflag:s4], $0x0  }
0x19: {  	s7 =	sld [smem:$0x3F9F]  }
0x1a: {  	s8 =	sadd.s32 $0xFFFFE003, lr  }
0x1b: {  	s9 =	sadd.s32 $0xFFFFFEF7, lr;
	s5 =	simm.s32 $0xFFFFFFFF;
	p2 =	slt.u32 s8, $0xFFFFF086  }
0x1c: {  	p1 =	slt.u32 s9, $0xF7A;
	s5 =	simm.s32 @!p2 $0x0  }
0x1d: {  	s5 =	simm.s32 @p1 $0x1;
	p0 =	seq.s32 s7, s2  }
0x1e: {  	s7 =	smul.u32 @!p0 $0xF7A, s2;
	p2 =	seq.s32 @!p0 s5, $0x0  }
0x1f: {  	s9 =	smul.u32 $0xF7A, s1;
	s8 =	simm.s32 @!p0 $0x1BF5;
	p2 =	por !p2, p0  }
0x20: {  	[sflag:s8] =	ssyncset.s32 @!p0 $0xFFFFF086;
	s6 =	sadd.s32 @!p0 s3, s7;
	s7 =	simm.s32 @!p0 $0x108  }
0x21: {  	s3 =	sadd.s32 s3, s9;
	s6 =	sadd.s32 @!p0 $0x88, s6;
	s7 =	simm.s32 @p2 $0x1082  }
0x22: {  	[simem:s7], [sflag:s8] =	dma.local @!p0 [hbm:s6], $0xF7A  }
0x23: {  	s9 =	sor.u32 $0xD0000000, s2;
	s6 =	simm.s32 $0x108;
	_ =	swait.ge @!p0 [sflag:s8], $0x0  }
0x24: {  	s3 =	sadd.s32 $0x88, s3;
	s6 =	simm.s32 @!p1 $0x1082;
	[sflag:s4] =	ssyncset.s32 $0xFFFFF086  }
0x25: {  	[simem:s6], [sflag:s4] =	dma.local [hbm:s3], $0xF7A  }
0x26: {  	[smem:$0x3F9F] =	sst s1;
	(tag) =	ssettag s2;
	_ =	strace s9  }
0x27: {  	s1 =	sld [smem:$0x3FAF]  }
0x28: {  	s2 =	sld [smem:$0x3FB0]  }
0x29: {  	s4 =	sld [smem:$0x3FB2]  }
0x2a: {  	p0 =	seq.s32 s5, $0x0;
	s5 =	sld [smem:$0x3FB3]  }
0x2b: {  	s6 =	sld [smem:$0x3FB4]  }
0x2c: {  	s7 =	sld [smem:$0x3FB5]  }
0x2d: {  	s3 =	simm.s32 $0x108;
	s8 =	sld [smem:$0x3FB6]  }
0x2e: {  	s3 =	simm.s32 @!p0 $0x1082;
	s9 =	sld [smem:$0x3FB7]  }
0x2f: {  	lr =	sadd.s32 s0, s3;
	s0 =	sld [smem:$0x3FAE]  }
0x30: {  	s3 =	sld [smem:$0x3FB1]  }
0x31: {  	[smem:$0x3FBA] =	sst s10  }
0x32: {  	s10 =	sld [smem:$0x3FB8];
	_ =	sdelay $0x3  }
0x33: {  	p0 =	seq.s32 s10, $0x1;
	s10 =	sld [smem:$0x3FBA];
	_ =	sdelay $0x3  }
0x34: {  	[smem:$0x3FBA] =	sst s10  }
0x35: {  	s10 =	sld [smem:$0x3FB9];
	_ =	sdelay $0x3  }
0x36: {  	p1 =	seq.s32 s10, $0x1;
	s10 =	sld [smem:$0x3FBA];
	_ =	sdelay $0x3  }
0x37: {  	[smem:$0x3FBA] =	sst s10  }
0x38: {  	s10 =	sld [smem:$0x3FBB]  }
0x39: {  	_ = 	snop;
	(pc) =	sbr.ind lr, $3  }
0x3a: {  	_ = 	snop  }
0x3b: {  	_ = 	snop  }
0x3c: {  	p2 =	seq.s32 s10, $0x1;
	s10 =	sld [smem:$0x3FBA]  }
0x3d: {  	_ =	shalt  }
0x3e: {  	_ =	shalt  }
0x3f: {  	_ =	shalt  }
0x40: {  	_ =	shalt  }
0x41: {  	_ =	shalt  }
0x42: {  	_ =	shalt  }
0x43: {  	_ =	shalt  }
0x44: {  	_ =	shalt  }
0x45: {  	_ =	shalt  }
0x46: {  	_ =	shalt  }
0x47: {  	_ =	shalt  }
0x48: {  	_ =	shalt  }
0x49: {  	_ =	shalt  }
0x4a: {  	_ =	shalt  }
0x4b: {  	_ =	shalt  }
0x4c: {  	_ =	shalt  }
0x4d: {  	_ =	shalt  }
0x4e: {  	_ =	shalt  }
0x4f: {  	_ =	shalt  }
0x50: {  	_ =	shalt  }
0x51: {  	_ =	shalt  }
0x52: {  	_ =	shalt  }
0x53: {  	_ =	shalt  }
0x54: {  	_ =	shalt  }
0x55: {  	_ =	shalt  }
0x56: {  	_ =	shalt  }
0x57: {  	_ =	shalt  }
0x58: {  	_ =	shalt  }
0x59: {  	_ =	shalt  }
0x5a: {  	_ =	shalt  }
0x5b: {  	_ =	shalt  }
0x5c: {  	_ =	shalt  }
0x5d: {  	_ =	shalt  }
0x5e: {  	_ =	shalt  }
0x5f: {  	_ =	shalt  }
0x60: {  	_ =	shalt  }
0x61: {  	_ =	shalt  }
0x62: {  	_ =	shalt  }
0x63: {  	_ =	shalt  }
0x64: {  	_ =	shalt  }
0x65: {  	_ =	shalt  }
0x66: {  	_ =	shalt  }
0x67: {  	_ =	shalt  }
0x68: {  	_ =	shalt  }
0x69: {  	_ =	shalt  }
0x6a: {  	_ =	shalt  }
0x6b: {  	_ =	shalt  }
0x6c: {  	_ =	shalt  }
0x6d: {  	_ =	shalt  }
0x6e: {  	_ =	shalt  }
0x6f: {  	_ =	shalt  }
0x70: {  	_ =	shalt  }
0x71: {  	_ =	shalt  }
0x72: {  	_ =	shalt  }
0x73: {  	_ =	shalt  }
0x74: {  	_ =	shalt  }
0x75: {  	_ =	shalt  }
0x76: {  	_ =	shalt  }
0x77: {  	_ =	shalt  }
0x78: {  	_ =	shalt  }
0x79: {  	_ =	shalt  }
0x7a: {  	_ =	shalt  }
0x7b: {  	_ =	shalt  }
0x7c: {  	_ =	shalt  }
0x7d: {  	_ =	shalt  }
0x7e: {  	_ =	shalt  }
0x7f: {  	_ =	shalt  }
0x80: {  	_ =	shalt  }
0x81: {  	_ =	shalt  }
0x82: {  	_ =	shalt  }
0x83: {  	_ =	shalt  }
0x84: {  	_ =	shalt  }
0x85: {  	_ =	shalt  }
0x86: {  	_ =	shalt  }
0x87: {  	_ =	shalt  }
.Lfunc_end0:
.L_simem_size_0:
called_computation_lowered:
.L_overlay_start_0:
0x88: {  	s2 =	sld [smem:$0x3FD9]  }
0x89: {  	s3 =	sld [smem:$0x3FFE];
	_ =	sdelay $0x1  }
0x8a: {  	s1 =	srdreg.scid  }
0x8b: {  	s0 =	sand.u32 $0x1, s1  }
0x8c: {  	s18 =	sshll.u32 s0, $0xA;
	s2 =	sadd.s32 s3, s2  }
0x8d: {  	s2 =	sadd.s32 s2, s18  }
0x8e: {  	[smem:$0x3FC6] =	sst s2  }
0x8f: {  	_ = 	snop  }
0x90: {  	s2 =	sld [smem:$0x3FC9]  }
0x91: {  	s19 =	sld [smem:$0x3FC8]  }
0x92: {  	s4 =	sld [smem:$0x3FD0];
	(tm) =	ssettm $0x1  }
0x93: {  	s5 =	sld [smem:$0x3FFB];
	_ =	sdelay $0x3  }
0x94: {  	_ =	strace s5  }
0x95: {  	s5 =	sld [smem:$0x3FFC];
	_ =	sdelay $0x3  }
0x96: {  	_ =	strace s5  }
0x97: {  	s5 =	sld [smem:$0x3FFD];
	_ =	sdelay $0x3  }
0x98: {  	_ =	strace s5  }
0x99: {  	_ =	strace $0x8FFFFFFF  }
0x9a: {  	s20 =	sld [smem:$0x3FDB];
	_ =	sdelay $0x1  }
0x9b: {  	s6 =	simm.s32 $_scs_section_size  }
0x9c: {  	s7 =	simm.s32 $_size__tile_overlayer_lowered;
	s8 =	simm.s32 $_tile_overlayer_lowered  }
0x9d: {  	s23 =	simm.s32 $0x1BFF;
	s22 =	sshll.u32 s8, $0x1;
	s5 =	sadd.s32 s6, s20  }
0x9e: {  	s9 =	simm.s32 $0x0;
	s21 =	sshll.u32 s7, $0x1;
	s7 =	sadd.s32 s22, s5  }
0x9f: {  	[timem:s9], [sflag:s23] =	dma.local [hbm:s7], s21  }
0xa0: {  	_ =	swait.ge [sflag:s23], s21  }
0xa1: {  	s6 =	ssub.s32 $0x0, s21;
	[sflag:s23] =	ssyncset.done $0x0  }
0xa2: {  	[sflag:s23] =	ssyncadd.s32 s6;
	_ =	sdelay $0x1  }
0xa3: {  	s24 =	simm.s32 $0x1B8B  }
0xa4: {  	_ =	swait.ge [sflag:s24], $0x1  }
0xa5: {  	[sflag:s24] =	ssyncset.done $0x0  }
0xa6: {  	s25 =	simm.s32 $0x1B8E;
	[sflag:s24] =	ssyncadd.s32 $0xFFFFFFFF  }
0xa7: {  	s26 =	simm.s32 $execute0_lowered;
	[smem:$0x3FD2] =	sst s25  }
0xa8: {  	s6 =	sshll.u32 s26, $0x1;
	_ =	strace $0x80000046;
	[dreg:$0x1] =	wrdreg $0xFFFFFFFF  }
0xa9: {  	s28 =	simm.s32 $_size_execute0_lowered;
	s5 =	sadd.s32 s5, s6;
	[dreg:$0x0] =	wrdreg $0x0  }
0xaa: {  	s6 =	sshll.u32 s28, $0x1;
	[dreg:$0x2] =	wrdreg s5  }
0xab: {  	[dreg:$0x3] =	wrdreg s6  }
0xac: {  	[dreg:$0x4] =	wrdreg $0xC0  }
0xad: {  	_ =	task [dreg:s9], $0x5FFFF  }
0xae: {  	[dreg:$0x1] =	wrdreg $0xFFFFFFFF  }
0xaf: {  	[dreg:$0x0] =	wrdreg $0x60  }
0xb0: {  	[dreg:$0x2] =	wrdreg s19  }
0xb1: {  	[dreg:$0x3] =	wrdreg s2  }
0xb2: {  	[dreg:$0x4] =	wrdreg s4  }
0xb3: {  	[dreg:$0x5] =	wrdreg $0x9  }
0xb4: {  	_ =	task.clear_ibuf [dreg:s9], $0x6FFFF;
	_ =	strace $0x90000046  }
0xb5: {  	s29 =	simm.s32 $0x9;
	_ =	strace $0x80000048  }
0xb6: {  	_ =	swait.ge [sflag:s29], $0x1  }
0xb7: {  	[sflag:s29] =	ssyncadd.s32 $0xFFFFFFFF  }
0xb8: {  	_ =	strace $0x90000048  }
0xb9: {  	_ =	sfence  }
0xba: {  	s30 =	sld [smem:$0x0];
	_ =	sdelay $0x2  }
0xbb: {  	s31 =	sshll.u32 s1, $0xD;
	s1 =	sshrl.u32 s1, $0x2  }
0xbc: {  	s3 =	sand.u32 $0x4000, s31;
	s1 =	sadd.s32 s1, s30  }
0xbd: {  	s0 =	sor.u32 s3, s0;
	s1 =	sshll.u32 s1, $0x11  }
0xbe: {  	s0 =	sor.u32 s1, s0  }
0xbf: {  	s0 =	sadd.s32 $0x8F2B, s0  }
0xc0: {  	[sflag:s0] =	ssyncadd.remote.s32 $0x1  }
0xc1: {  	_ =	sfence.sel $0xFFFF  }
0xc2: {  	[dreg:$0x0] =	wrdreg $0xFFFFFFFF;
	(pc) =	sbr.abs _section_cstart, $3  }
0xc3: {  	[dreg:$0x1] =	wrdreg $0xFFFFFFFF  }
0xc4: {  	_ =	task.clear_ibuf [dreg:s9], $0x2FFFF;
	_ =	strace $0x9FFFFFFF  }
0xc5: {  	(tm) =	ssettm $0x7FFFFFFF  }
tec
execute0_lowered:
.L_overlay_start_1:
0x0: {  	(tag) =	ssettag $0x1  }
0x1: {  	s1 =	rddreg [dreg:$0x0];
	s0 =	srdreg.scid  }
0x2: {  	s16 =	stileid.u32;
	s28 =	rddreg [dreg:$0x2];
	s5 =	simm.s32 $0x0  }
0x3: {  	s2 =	sand.u32 $0x1, s0;
	s10 =	sshll.u32 s16, $0x1;
	s18 =	smul.u32 $0x2580, s16  }
0x4: {  	s4 =	sor.u32 s2, s10;
	s11 =	ssub.s32 $0x2, s2;
	s17 =	smul.u32 $0x12C000, s2  }
0x5: {  	[smem:$0x7FF] =	sst s5;
	s8 =	smul.u32 $0x12C0, s4;
	s3 =	sshrl.u32 s11, $0x1  }
0x6: {  	_ =	strace $0x80000047;
	s24 =	ssub.s32 s11, s3;
	s11 =	smul.u32 $0x258000, s16  }
0x7: {  	s12 =	sshrl.u32 s8, $0xA;
	s6 =	sadd.s32 $0x40, s8;
	s7 =	sadd.s32 $0x80, s8  }
0x8: {  	s3 =	sadd.s32 $0x100, s8;
	s9 =	sand.u32 $0x40, s8;
	s25 =	sadd.s32 $0x200, s8  }
0x9: {  	s19 =	sadd.s32 $0x50, s8;
	s23 =	sadd.s32 $0x60, s8;
	s0 =	smul.u32 $0x3E8, s12  }
0xa: {  	s13 =	sshrl.u32 s6, $0xA;
	s14 =	sand.u32 $0x380, s7;
	s10 =	sand.u32 $0x380, s3  }
0xb: {  	s12 =	smul.u32 $0x4B000, s16;
	s11 =	sadd.s32 s17, s11;
	s21 =	sshrl.u32 s19, $0xA  }
0xc: {  	s26 =	sshrl.u32 s23, $0xA;
	s17 =	sadd.s32 $0xA0, s8;
	s22 =	smul.u32 $0x3E8, s21  }
0xd: {  	s15 =	sor.u32 s9, s10;
	[smem:$0x7EC] =	sst s0;
	s0 =	smul.u32 $0x3E8, s13  }
0xe: {  	s10 =	sadd.s32 $0x70, s8;
	[dreg:$0x5] =	wrdreg s15;
	s15 =	smul.u32 $0x25800, s2  }
0xf: {  	s2 =	smul.u32 $0x12C0, s2;
	[smem:$0x7EE] =	sst s22;
	s22 =	sadd.s32 $0xC0, s8  }
0x10: {  	[smem:$0x7ED] =	sst s0;
	s0 =	sor.u32 s9, s14;
	s14 =	sand.u32 $0x380, s25  }
0x11: {  	s20 =	sadd.s32 s15, s12;
	s2 =	sadd.s32 s2, s18;
	[dreg:$0x4] =	wrdreg s0  }
0x12: {  	s12 =	sshrl.u32 s10, $0xA;
	s15 =	sadd.s32 $0x90, s8;
	[smem:$0x7D9] =	sst s20  }
0x13: {  	s18 =	sshrl.u32 s17, $0xA;
	s0 =	sadd.s32 $0x180, s8;
	[smem:$0x7DA] =	sst s2  }
0x14: {  	s2 =	sand.u32 $0x3E0, s23;
	s16 =	sshrl.u32 s15, $0xA;
	s20 =	sadd.s32 $0xB0, s8  }
0x15: {  	s13 =	sand.u32 $0x380, s0;
	[dreg:$0x9] =	wrdreg s2;
	s2 =	sand.u32 $0x3F0, s10  }
0x16: {  	s23 =	sshrl.u32 s22, $0xA;
	s13 =	sor.u32 s9, s13;
	[dreg:$0xa] =	wrdreg s2  }
0x17: {  	s10 =	smul.u32 $0x3E8, s23;
	s9 =	sor.u32 s9, s14;
	[dreg:$0x6] =	wrdreg s13  }
0x18: {  	s21 =	sshrl.u32 s20, $0xA;
	s23 =	sadd.s32 $0x120, s8;
	[dreg:$0x7] =	wrdreg s9  }
0x19: {  	s0 =	sshrl.u32 s0, $0xA;
	s13 =	sand.u32 $0x3D0, s19;
	[smem:$0x7F5] =	sst s10  }
0x1a: {  	s14 =	sshrl.u32 s7, $0xA;
	s19 =	sand.u32 $0x3E0, s17;
	[dreg:$0x8] =	wrdreg s13  }
0x1b: {  	s9 =	smul.u32 $0x3E8, s26;
	s10 =	sand.u32 $0x3E0, s23;
	[dreg:$0xc] =	wrdreg s19  }
0x1c: {  	s7 =	sshll.u32 s7, $0x5;
	s2 =	smul.u32 $0x3E8, s14;
	[dreg:$0x13] =	wrdreg s10  }
0x1d: {  	s26 =	sadd.s32 $0xD0, s8;
	s17 =	sadd.s32 $0xF0, s8;
	[smem:$0x7EF] =	sst s9  }
0x1e: {  	s13 =	smul.u32 $0x3E8, s12;
	s14 =	sand.u32 $0x3D0, s26;
	[smem:$0x7F1] =	sst s2  }
0x1f: {  	s12 =	sshrl.u32 s26, $0xA;
	s10 =	smul.u32 $0x3E8, s0;
	[dreg:$0xf] =	wrdreg s14  }
0x20: {  	s9 =	sand.u32 $0x3D0, s15;
	s2 =	smul.u32 $0x3E8, s16;
	[smem:$0x7F0] =	sst s13  }
0x21: {  	s26 =	sshrl.u32 s23, $0xA;
	[dreg:$0xb] =	wrdreg s9;
	s9 =	smul.u32 $0x3E8, s21  }
0x22: {  	s15 =	sadd.s32 $0xE0, s8;
	[smem:$0x7F2] =	sst s2;
	s2 =	smul.u32 $0x3E8, s18  }
0x23: {  	s16 =	sshrl.u32 s15, $0xA;
	s18 =	sshrl.u32 s17, $0xA;
	[smem:$0x7F4] =	sst s9  }
0x24: {  	s9 =	smul.u32 $0x3E8, s16;
	[smem:$0x7F3] =	sst s2;
	s2 =	sand.u32 $0x3F0, s20  }
0x25: {  	s23 =	sadd.s32 $0x170, s8;
	s19 =	smul.u32 $0x3E8, s18;
	[dreg:$0xd] =	wrdreg s2  }
0x26: {  	s14 =	sadd.s32 $0x140, s8;
	s21 =	sadd.s32 $0x110, s8;
	[smem:$0x7F7] =	sst s9  }
0x27: {  	s20 =	sshrl.u32 s3, $0xA;
	s3 =	sand.u32 $0x3D0, s21;
	[smem:$0x7F8] =	sst s19  }
0x28: {  	s16 =	sadd.s32 $0x150, s8;
	s2 =	sand.u32 $0x3C0, s22;
	[dreg:$0x12] =	wrdreg s3  }
0x29: {  	s22 =	sshrl.u32 s21, $0xA;
	[dreg:$0xe] =	wrdreg s2;
	s2 =	smul.u32 $0x3E8, s12  }
0x2a: {  	s19 =	sshrl.u32 s16, $0xA;
	s21 =	sadd.s32 $0x160, s8;
	s12 =	sadd.s32 $0x130, s8  }
0x2b: {  	s9 =	sadd.s32 $0x190, s8;
	s13 =	sshrl.u32 s12, $0xA;
	[smem:$0x7F6] =	sst s2  }
0x2c: {  	s2 =	sand.u32 $0x3E0, s15;
	s3 =	smul.u32 $0x3E8, s13;
	s15 =	sshrl.u32 s14, $0xA  }
0x2d: {  	[dreg:$0x10] =	wrdreg s2;
	s2 =	sand.u32 $0x3F0, s17;
	s17 =	smul.u32 $0x3E8, s26  }
0x2e: {  	s13 =	sadd.s32 $0x1A0, s8;
	s18 =	smul.u32 $0x3E8, s15;
	[dreg:$0x11] =	wrdreg s2  }
0x2f: {  	s26 =	sshrl.u32 s23, $0xA;
	s15 =	sand.u32 $0x3E0, s13;
	[smem:$0x7FB] =	sst s3  }
0x30: {  	s2 =	smul.u32 $0x3E8, s20;
	s20 =	sand.u32 $0x3D0, s16;
	[dreg:$0x1a] =	wrdreg s15  }
0x31: {  	s30 =	smul.u32 $0x3E8, s26;
	s16 =	sadd.s32 $0x1B0, s8;
	[smem:$0x7FC] =	sst s18  }
0x32: {  	[dreg:$0x16] =	wrdreg s20;
	s18 =	sshrl.u32 s16, $0xA;
	s0 =	sand.u32 $0x3F0, s16  }
0x33: {  	s16 =	sshrl.u32 s25, $0xA;
	[smem:$0x7F9] =	sst s2;
	s2 =	smul.u32 $0x3E8, s22  }
0x34: {  	s22 =	sshrl.u32 s21, $0xA;
	[dreg:$0x1b] =	wrdreg s0;
	s3 =	smul.u32 $0x3E8, s18  }
0x35: {  	s18 =	sadd.s32 $0x210, s8;
	[smem:$0x7FA] =	sst s2;
	s2 =	sand.u32 $0x3F0, s12  }
0x36: {  	s31 =	smul.u32 $0x3E8, s22;
	s12 =	sshrl.u32 s9, $0xA;
	[dreg:$0x14] =	wrdreg s2  }
0x37: {  	s2 =	sand.u32 $0x3C0, s14;
	s29 =	smul.u32 $0x3E8, s12;
	s14 =	sshrl.u32 s13, $0xA  }
0x38: {  	s12 =	sadd.s32 $0x1E0, s8;
	[dreg:$0x15] =	wrdreg s2;
	s2 =	smul.u32 $0x3E8, s19  }
0x39: {  	s26 =	smul.u32 $0x3E8, s14;
	s19 =	sadd.s32 $0x1C0, s8;
	s13 =	sshrl.u32 s12, $0xA  }
0x3a: {  	s14 =	sadd.s32 $0x1F0, s8;
	s20 =	sshrl.u32 s19, $0xA;
	s0 =	sand.u32 $0x3C0, s19  }
0x3b: {  	s15 =	sshrl.u32 s14, $0xA;
	s19 =	sshrl.u32 s18, $0xA;
	[smem:$0x7FD] =	sst s2  }
0x3c: {  	s2 =	sand.u32 $0x3E0, s21;
	s21 =	sadd.s32 $0x1D0, s8;
	[dreg:$0x1c] =	wrdreg s0  }
0x3d: {  	s0 =	sand.u32 $0x3E0, s12;
	[dreg:$0x17] =	wrdreg s2;
	s2 =	sand.u32 $0x3F0, s23  }
0x3e: {  	s23 =	smul.u32 $0x3E8, s20;
	s22 =	sshrl.u32 s21, $0xA;
	[dreg:$0x1e] =	wrdreg s0  }
0x3f: {  	s0 =	smul.u32 $0x3E8, s13;
	s13 =	sand.u32 $0x3F0, s14;
	s20 =	sadd.s32 $0x220, s8  }
0x40: {  	s14 =	sadd.s32 $0x230, s8;
	[dreg:$0x18] =	wrdreg s2;
	s2 =	sand.u32 $0x3D0, s9  }
0x41: {  	s9 =	sand.u32 $0x3D0, s21;
	[dreg:$0x1f] =	wrdreg s13;
	s21 =	smul.u32 $0x3E8, s16  }
0x42: {  	s13 =	sand.u32 $0x3D0, s18;
	s18 =	smul.u32 $0x3E8, s19;
	[dreg:$0x19] =	wrdreg s2  }
0x43: {  	s25 =	sshrl.u32 s20, $0xA;
	s12 =	sand.u32 $0x3E0, s20;
	[dreg:$0x1d] =	wrdreg s9  }
0x44: {  	s16 =	sadd.s32 $0x240, s8;
	s2 =	smul.u32 $0x3E8, s22;
	[smem:$0x7DB] =	sst s13  }
0x45: {  	s19 =	sadd.s32 $0x250, s8;
	s22 =	smul.u32 $0x3E8, s15;
	[smem:$0x7DC] =	sst s12  }
0x46: {  	s20 =	smul.u32 $0x3E8, s25;
	s15 =	sshrl.u32 s14, $0xA;
	s9 =	sand.u32 $0x3F0, s14  }
0x47: {  	s12 =	sshrl.u32 s16, $0xA;
	s25 =	sadd.s32 $0x260, s8;
	s13 =	smul.u32 $0x3E8, s15  }
0x48: {  	s14 =	sand.u32 $0x3C0, s16;
	[smem:$0x7DD] =	sst s9;
	s9 =	smul.u32 $0x3E8, s12  }
0x49: {  	s15 =	sshrl.u32 s19, $0xA;
	[smem:$0x7DE] =	sst s14;
	s19 =	sand.u32 $0x3D0, s19  }
0x4a: {  	s12 =	sshrl.u32 s25, $0xA;
	s16 =	sand.u32 $0x3E0, s25;
	[smem:$0x7DF] =	sst s19  }
0x4b: {  	s25 =	sand.u32 $0x3C0, s8;
	s8 =	sadd.s32 $0x270, s8;
	[smem:$0x7E0] =	sst s16  }
0x4c: {  	[smem:$0x7E1] =	sst s25;
	s16 =	sshrl.u32 s8, $0xA;
	s8 =	sand.u32 $0x3F0, s8  }
0x4d: {  	s14 =	smul.u32 $0x3E8, s12;
	s25 =	sadd.s32 s28, s7;
	[smem:$0x7E2] =	sst s8  }
0x4e: {  	s12 =	smul.u32 $0x25800, s4;
	[smem:$0x7E6] =	sst s25  }
0x4f: {  	s19 =	smul.u32 $0x3E8, s16;
	s16 =	sand.u32 $0x3C0, s6;
	s25 =	sld [smem:$0x7ED]  }
0x50: {  	s6 =	sshll.u32 s6, $0x5;
	s8 =	sadd.s32 $0x18000, s11;
	[smem:$0x7E4] =	sst s16  }
0x51: {  	s12 =	sadd.s32 s28, s12;
	s16 =	sadd.s32 $0x1C000, s11;
	s11 =	sld [smem:$0x7F2]  }
0x52: {  	s4 =	smul.u32 $0x12C000, s4;
	s6 =	sadd.s32 s28, s6;
	[smem:$0x7E3] =	sst s12  }
0x53: {  	[smem:$0x7E5] =	sst s6  }
0x54: {  	s4 =	sshrl.u32 s4, $0x3;
	s12 =	smax.u32 s24, $0x1;
	s24 =	sld [smem:$0x7EC]  }
0x55: {  	s4 =	sadd.s32 s28, s4;
	s28 =	sld [smem:$0x7EE]  }
0x56: {  	s6 =	sld [smem:$0x7EF]  }
0x57: {  	[smem:$0x7E9] =	sst s12  }
0x58: {  	s7 =	sadd.s32 $0x24800, s4;
	v1 =	vmov s25;
	s25 =	sld [smem:$0x7F5]  }
0x59: {  	s4 =	sadd.s32 $0x25000, s4;
	[smem:$0x7E7] =	sst s7  }
0x5a: {  	[smem:$0x7E8] =	sst s4  }
0x5b: {  	s7 =	sld [smem:$0x7F0]  }
0x5c: {  	s4 =	sshrl.u32 s8, $0x3;
	s8 =	sld [smem:$0x7F1]  }
0x5d: {  	v39 =	vlaneseq.u32;
	vm0 =	vmmov $0xffff;
	v6 =	vmov s11;
	s11 =	sld [smem:$0x7F9]  }
0x5e: {  	v37 =	vand.u32 $0x7, v39;
	v21 =	vmov s10;
	s10 =	simm.s32 $0x14C00;
	v15 =	vmov s17;
	s17 =	simm.s32 $0xAC00;
	[smem:$0x7EA] =	sst s4  }
0x5f: {  	v38 =	vshrl.u32 v39, $0x3;
	v39 =	vor.u32 $0x8, v39;
	v20 =	vmov s30;
	s30 =	simm.s32 $0xDC00;
	s4 =	sshrl.u32 s16, $0x3;
	s16 =	sld [smem:$0x7F3]  }
0x60: {  	v24 =	vmov s3;
	s3 =	simm.s32 $0x14400;
	v19 =	vmov s31;
	s31 =	simm.s32 $0x3C00;
	v0 =	vmov s24;
	s24 =	sld [smem:$0x7F4]  }
0x61: {  	v22 =	vmov s29;
	s29 =	simm.s32 $0x11400;
	v23 =	vmov s26;
	s26 =	simm.s32 $0x10400;
	v2 =	vmov s28;
	s28 =	sld [smem:$0x7F6]  }
0x62: {  	v25 =	vmov s23;
	s23 =	simm.s32 $0x5;
	v30 =	vmov s18;
	s18 =	simm.s32 $0x12400;
	v9 =	vmov s25;
	s25 =	sld [smem:$0x7FC]  }
0x63: {  	v38 =	vmul.u32 $0x8, v38;
	v29 =	vmov s21;
	s21 =	simm.s32 $0x3;
	s15 =	smul.u32 $0x3E8, s15;
	v4 =	vmov s7;
	s7 =	sld [smem:$0x7F7]  }
0x64: {  	v26 =	vmov s2;
	s2 =	simm.s32 $0x3400;
	v31 =	vmov s20;
	s20 =	simm.s32 $0x2;
	v5 =	vmov s8;
	s8 =	sld [smem:$0x7F8]  }
0x65: {  	v28 =	vmov s22;
	s22 =	simm.s32 $0x4;
	v33 =	vmov s9;
	s9 =	simm.s32 $0x13C00;
	v7 =	vmov s16;
	s16 =	sld [smem:$0x7FA]  }
0x66: {  	v32 =	vmov s13;
	s13 =	simm.s32 $0x15400;
	v35 =	vmov s14;
	s14 =	simm.s32 $0x15C00;
	v8 =	vmov s24;
	s24 =	sld [smem:$0x7FB]  }
0x67: {  	v34 =	vmov s15;
	s15 =	simm.s32 $0x16400;
	v36 =	vmov s19;
	s19 =	simm.s32 $0x1;
	v10 =	vmov s28;
	s28 =	sld [smem:$0x7FD]  }
0x68: {  	v27 =	vmov s0;
	s12 =	simm.s32 $0x2C00;
	v3 =	vmov s6;
	s6 =	simm.s32 $0x6C00;
	[smem:$0x7EB] =	sst s4;
	v13 =	vmov s11  }
0x69: {  	s4 =	simm.s32 $0xF400;
	s11 =	simm.s32 $0x10C00;
	v17 =	vmov s25;
	v11 =	vmov s7;
	v12 =	vmov s8;
	s7 =	simm.s32 $0xEC00  }
0x6a: {  	s8 =	simm.s32 $0xFC00;
	v14 =	vmov s16;
	v16 =	vmov s24;
	v18 =	vmov s28;
	s16 =	simm.s32 $0x12C00;
	s24 =	simm.s32 $0x0  }
.LBB2_1:
0x6b: {  	[smem:$0x7D8] =	sst s24  }
0x6c: {  	s0 =	rddreg [dreg:$0x1];
	s24 =	simm.s32 $0x6  }
0x6d: {  	[tilespmem:s5], [sflag:$0x6] =	stream.linear.gather [hbm4b:s0+s5], $0x400, $0x38;
	[tilespmem:$0x16C00] =	vst v63  }
0x6e: {  	_ =	swait.ge [sflag:s24], $0x400  }
0x6f: {  	s25 =	sld [smem:$0x7E1]  }
0x70: {  	[sflag:s24] =	ssyncset.done $0x0  }
0x71: {  	[sflag:s24] =	ssyncadd.s32 $0xFFFFFC00  }
0x72: {  	v40 =	vld [tilespmem:s25+$0x0];
	_ =	sdelay $0x4  }
0x73: {  	v41 =	vadd.s32 v0, v40  }
0x74: {  	[tilespmem:$0x400] =	vst v41  }
0x75: {  	v42 =	vld [tilespmem:s25+$0x10];
	_ =	sdelay $0x4  }
0x76: {  	v42 =	vadd.s32 v0, v42  }
0x77: {  	[tilespmem:$0x410] =	vst v42  }
0x78: {  	v42 =	vld [tilespmem:s25+$0x20];
	_ =	sdelay $0x4  }
0x79: {  	v42 =	vadd.s32 v0, v42  }
0x7a: {  	[tilespmem:$0x420] =	vst v42  }
0x7b: {  	v42 =	vld [tilespmem:s25+$0x30];
	_ =	sdelay $0x3  }
0x7c: {  	s24 =	sld [smem:$0x7E4]  }
0x7d: {  	v42 =	vadd.s32 v0, v42  }
0x7e: {  	[tilespmem:$0x430] =	vst v42  }
0x7f: {  	v42 =	vld [tilespmem:s24+$0x0];
	_ =	sdelay $0x4  }
0x80: {  	v42 =	vadd.s32 v1, v42  }
0x81: {  	s25 =	rddreg [dreg:$0x8];
	[tilespmem:$0x480] =	vst v42  }
0x82: {  	v42 =	vld [tilespmem:s25+$0x0];
	_ =	sdelay $0x4  }
0x83: {  	v42 =	vadd.s32 v2, v42  }
0x84: {  	s24 =	rddreg [dreg:$0x9];
	[tilespmem:$0x490] =	vst v42  }
0x85: {  	v42 =	vld [tilespmem:s24+$0x0];
	_ =	sdelay $0x4  }
0x86: {  	v42 =	vadd.s32 v3, v42  }
0x87: {  	s25 =	rddreg [dreg:$0xa];
	[tilespmem:$0x4A0] =	vst v42  }
0x88: {  	v42 =	vld [tilespmem:s25+$0x0];
	_ =	sdelay $0x4  }
0x89: {  	v42 =	vadd.s32 v4, v42  }
0x8a: {  	s24 =	rddreg [dreg:$0x4];
	[tilespmem:$0x4B0] =	vst v42  }
0x8b: {  	v42 =	vld [tilespmem:s24+$0x0];
	_ =	sdelay $0x4  }
0x8c: {  	v42 =	vadd.s32 v5, v42  }
0x8d: {  	s25 =	rddreg [dreg:$0xb];
	[tilespmem:$0x500] =	vst v42  }
0x8e: {  	v42 =	vld [tilespmem:s25+$0x0];
	_ =	sdelay $0x4  }
0x8f: {  	v42 =	vadd.s32 v6, v42  }
0x90: {  	s24 =	rddreg [dreg:$0xc];
	[tilespmem:$0x510] =	vst v42  }
0x91: {  	v42 =	vld [tilespmem:s24+$0x0];
	_ =	sdelay $0x4  }
0x92: {  	v42 =	vadd.s32 v7, v42  }
0x93: {  	s25 =	rddreg [dreg:$0xd];
	[tilespmem:$0x520] =	vst v42  }
0x94: {  	v42 =	vld [tilespmem:s25+$0x0];
	_ =	sdelay $0x4  }
0x95: {  	v42 =	vadd.s32 v8, v42  }
0x96: {  	s24 =	rddreg [dreg:$0xe];
	[tilespmem:$0x530] =	vst v42  }
0x97: {  	v42 =	vld [tilespmem:s24+$0x0];
	_ =	sdelay $0x4  }
0x98: {  	v42 =	vadd.s32 v9, v42  }
0x99: {  	s25 =	rddreg [dreg:$0xf];
	[tilespmem:$0x580] =	vst v42  }
0x9a: {  	v42 =	vld [tilespmem:s25+$0x0];
	_ =	sdelay $0x4  }
0x9b: {  	v42 =	vadd.s32 v10, v42  }
0x9c: {  	s24 =	rddreg [dreg:$0x10];
	[tilespmem:$0x590] =	vst v42  }
0x9d: {  	v42 =	vld [tilespmem:s24+$0x0];
	_ =	sdelay $0x4  }
0x9e: {  	v42 =	vadd.s32 v11, v42  }
0x9f: {  	s25 =	rddreg [dreg:$0x11];
	[tilespmem:$0x5A0] =	vst v42  }
0xa0: {  	v42 =	vld [tilespmem:s25+$0x0];
	_ =	sdelay $0x4  }
0xa1: {  	v42 =	vadd.s32 v12, v42  }
0xa2: {  	s24 =	rddreg [dreg:$0x5];
	[tilespmem:$0x5B0] =	vst v42  }
0xa3: {  	v42 =	vld [tilespmem:s24+$0x0];
	_ =	sdelay $0x4  }
0xa4: {  	v42 =	vadd.s32 v13, v42  }
0xa5: {  	s25 =	rddreg [dreg:$0x12];
	[tilespmem:$0x600] =	vst v42  }
0xa6: {  	v42 =	vld [tilespmem:s25+$0x0];
	_ =	sdelay $0x4  }
0xa7: {  	v42 =	vadd.s32 v14, v42  }
0xa8: {  	s24 =	rddreg [dreg:$0x13];
	[tilespmem:$0x610] =	vst v42  }
0xa9: {  	v42 =	vld [tilespmem:s24+$0x0];
	_ =	sdelay $0x3  }
0xaa: {  	v41 =	vshll.u32 v41, $0x1  }
0xab: {  	v40 =	vand.u32 $0x7, v40;
	v41 =	vand.u32 $0xFFFFFFF0, v41;
	v42 =	vadd.s32 v15, v42  }
0xac: {  	v40 =	vor.u32 v40, v41;
	s25 =	rddreg [dreg:$0x14];
	[tilespmem:$0x620] =	vst v42  }
0xad: {  	v63 =	vperm.xlane v40, v37;
	v62 =	vld [tilespmem:s25+$0x0];
	_ =	sdelay $0x1  }
0xae: {  	v40 =	vperm.xlane v40, v39;
	v42 =	vadd.s32 v38, v63;
	_ =	sdelay $0x1  }
0xaf: {  	v40 =	vadd.s32 v38, v40  }
0xb0: {  	v41 =	vadd.s32 v16, v62  }
0xb1: {  	[tilespmem:$0x630] =	vst v41  }
0xb2: {  	[tilespmem:s12], [sflag:$0x1] =	stream.indirect_vreg.gather [hbm4b:s1+s5], $0x80, v42, vm0, $0xb8;
	[tilespmem:$0x16C00] =	vst v63  }
0xb3: {  	_ = 	snop  }
0xb4: {  	[tilespmem:s2], [sflag:$0x1] =	stream.indirect_vreg.gather [hbm4b:s1+s5], $0x80, v40, vm0, $0xb8;
	[tilespmem:$0x16C00] =	vst v63  }
0xb5: {  	v40 =	vld [tilespmem:$0x410];
	_ =	sdelay $0x4  }
0xb6: {  	v45 =	vshll.u32 v40, $0x1  }
0xb7: {  	v40 =	vand.u32 $0x7, v40;
	v41 =	vand.u32 $0xFFFFFFF0, v45  }
0xb8: {  	v40 =	vor.u32 v40, v41  }
0xb9: {  	v41 =	vperm.xlane v40, v37;
	_ =	sdelay $0x1  }
0xba: {  	v40 =	vperm.xlane v40, v39;
	v41 =	vadd.s32 v38, v41;
	_ =	sdelay $0x1  }
0xbb: {  	v40 =	vadd.s32 v38, v40;
	_ =	sdelay $0x2  }
0xbc: {  	[tilespmem:s31], [sflag:$0x1] =	stream.indirect_vreg.gather [hbm4b:s1+s5], $0x80, v41, vm0, $0xb8;
	[tilespmem:$0x16C00] =	vst v63  }
0xbd: {  	s24 =	simm.s32 $0x4400  }
0xbe: {  	[tilespmem:s24], [sflag:$0x1] =	stream.indirect_vreg.gather [hbm4b:s1+s5], $0x80, v40, vm0, $0xb8;
	[tilespmem:$0x16C00] =	vst v63  }
0xbf: {  	v40 =	vld [tilespmem:$0x420];
	_ =	sdelay $0x4  }
0xc0: {  	v46 =	vshll.u32 v40, $0x1  }
0xc1: {  	v40 =	vand.u32 $0x7, v40;
	v41 =	vand.u32 $0xFFFFFFF0, v46  }
0xc2: {  	v40 =	vor.u32 v40, v41  }
0xc3: {  	v41 =	vperm.xlane v40, v37;
	_ =	sdelay $0x1  }
0xc4: {  	v40 =	vperm.xlane v40, v39;
	v41 =	vadd.s32 v38, v41;
	_ =	sdelay $0x1  }
0xc5: {  	v40 =	vadd.s32 v38, v40;
	_ =	sdelay $0x1  }
0xc6: {  	s25 =	simm.s32 $0x4C00  }
0xc7: {  	[tilespmem:s25], [sflag:$0x1] =	stream.indirect_vreg.gather [hbm4b:s1+s5], $0x80, v41, vm0, $0xb8;
	[tilespmem:$0x16C00] =	vst v63  }
0xc8: {  	s24 =	simm.s32 $0x5400  }
0xc9: {  	[tilespmem:s24], [sflag:$0x1] =	stream.indirect_vreg.gather [hbm4b:s1+s5], $0x80, v40, vm0, $0xb8;
	[tilespmem:$0x16C00] =	vst v63  }
0xca: {  	v40 =	vld [tilespmem:$0x430];
	_ =	sdelay $0x4  }
0xcb: {  	v47 =	vshll.u32 v40, $0x1  }
0xcc: {  	v40 =	vand.u32 $0x7, v40;
	v41 =	vand.u32 $0xFFFFFFF0, v47  }
0xcd: {  	v40 =	vor.u32 v40, v41  }
0xce: {  	v41 =	vperm.xlane v40, v37;
	_ =	sdelay $0x1  }
0xcf: {  	v40 =	vperm.xlane v40, v39;
	v41 =	vadd.s32 v38, v41;
	_ =	sdelay $0x1  }
0xd0: {  	v40 =	vadd.s32 v38, v40;
	_ =	sdelay $0x1  }
0xd1: {  	s25 =	simm.s32 $0x5C00  }
0xd2: {  	[tilespmem:s25], [sflag:$0x1] =	stream.indirect_vreg.gather [hbm4b:s1+s5], $0x80, v41, vm0, $0xb8;
	[tilespmem:$0x16C00] =	vst v63  }
0xd3: {  	s24 =	simm.s32 $0x6400  }
0xd4: {  	[tilespmem:s24], [sflag:$0x1] =	stream.indirect_vreg.gather [hbm4b:s1+s5], $0x80, v40, vm0, $0xb8;
	[tilespmem:$0x16C00] =	vst v63  }
0xd5: {  	v40 =	vld [tilespmem:$0x480];
	_ =	sdelay $0x4  }
0xd6: {  	v48 =	vshll.u32 v40, $0x1  }
0xd7: {  	v40 =	vand.u32 $0x7, v40;
	v41 =	vand.u32 $0xFFFFFFF0, v48  }
0xd8: {  	v40 =	vor.u32 v40, v41  }
0xd9: {  	v41 =	vperm.xlane v40, v37;
	_ =	sdelay $0x1  }
0xda: {  	v40 =	vperm.xlane v40, v39;
	v41 =	vadd.s32 v38, v41;
	_ =	sdelay $0x1  }
0xdb: {  	v40 =	vadd.s32 v38, v40;
	_ =	sdelay $0x2  }
0xdc: {  	[tilespmem:s6], [sflag:$0x2] =	stream.indirect_vreg.gather [hbm4b:s1+s5], $0x80, v41, vm0, $0xb8;
	[tilespmem:$0x16C00] =	vst v63  }
0xdd: {  	s25 =	simm.s32 $0x7400  }
0xde: {  	[tilespmem:s25], [sflag:$0x2] =	stream.indirect_vreg.gather [hbm4b:s1+s5], $0x80, v40, vm0, $0xb8;
	[tilespmem:$0x16C00] =	vst v63  }
0xdf: {  	v40 =	vld [tilespmem:$0x490];
	_ =	sdelay $0x4  }
0xe0: {  	v49 =	vshll.u32 v40, $0x1  }
0xe1: {  	v40 =	vand.u32 $0x7, v40;
	v41 =	vand.u32 $0xFFFFFFF0, v49  }
0xe2: {  	v40 =	vor.u32 v40, v41  }
0xe3: {  	v41 =	vperm.xlane v40, v37;
	_ =	sdelay $0x1  }
0xe4: {  	v40 =	vperm.xlane v40, v39;
	v41 =	vadd.s32 v38, v41;
	_ =	sdelay $0x1  }
0xe5: {  	v40 =	vadd.s32 v38, v40;
	_ =	sdelay $0x1  }
0xe6: {  	s24 =	simm.s32 $0x7C00  }
0xe7: {  	[tilespmem:s24], [sflag:$0x2] =	stream.indirect_vreg.gather [hbm4b:s1+s5], $0x80, v41, vm0, $0xb8;
	[tilespmem:$0x16C00] =	vst v63  }
0xe8: {  	s25 =	simm.s32 $0x8400  }
0xe9: {  	[tilespmem:s25], [sflag:$0x2] =	stream.indirect_vreg.gather [hbm4b:s1+s5], $0x80, v40, vm0, $0xb8;
	[tilespmem:$0x16C00] =	vst v63  }
0xea: {  	v40 =	vld [tilespmem:$0x4A0];
	_ =	sdelay $0x4  }
0xeb: {  	v50 =	vshll.u32 v40, $0x1  }
0xec: {  	v40 =	vand.u32 $0x7, v40;
	v41 =	vand.u32 $0xFFFFFFF0, v50  }
0xed: {  	v40 =	vor.u32 v40, v41  }
0xee: {  	v41 =	vperm.xlane v40, v37;
	_ =	sdelay $0x1  }
0xef: {  	v40 =	vperm.xlane v40, v39;
	v41 =	vadd.s32 v38, v41;
	_ =	sdelay $0x1  }
0xf0: {  	v40 =	vadd.s32 v38, v40;
	_ =	sdelay $0x1  }
0xf1: {  	s24 =	simm.s32 $0x8C00  }
0xf2: {  	[tilespmem:s24], [sflag:$0x2] =	stream.indirect_vreg.gather [hbm4b:s1+s5], $0x80, v41, vm0, $0xb8;
	[tilespmem:$0x16C00] =	vst v63  }
0xf3: {  	s25 =	simm.s32 $0x9400  }
0xf4: {  	[tilespmem:s25], [sflag:$0x2] =	stream.indirect_vreg.gather [hbm4b:s1+s5], $0x80, v40, vm0, $0xb8;
	[tilespmem:$0x16C00] =	vst v63  }
0xf5: {  	v40 =	vld [tilespmem:$0x4B0];
	_ =	sdelay $0x4  }
0xf6: {  	v51 =	vshll.u32 v40, $0x1  }
0xf7: {  	v40 =	vand.u32 $0x7, v40;
	v41 =	vand.u32 $0xFFFFFFF0, v51  }
0xf8: {  	v40 =	vor.u32 v40, v41  }
0xf9: {  	v41 =	vperm.xlane v40, v37;
	_ =	sdelay $0x1  }
0xfa: {  	v40 =	vperm.xlane v40, v39;
	v41 =	vadd.s32 v38, v41;
	_ =	sdelay $0x1  }
0xfb: {  	v40 =	vadd.s32 v38, v40;
	_ =	sdelay $0x1  }
0xfc: {  	s24 =	simm.s32 $0x9C00  }
0xfd: {  	[tilespmem:s24], [sflag:$0x2] =	stream.indirect_vreg.gather [hbm4b:s1+s5], $0x80, v41, vm0, $0xb8;
	[tilespmem:$0x16C00] =	vst v63  }
0xfe: {  	s25 =	simm.s32 $0xA400  }
0xff: {  	[tilespmem:s25], [sflag:$0x2] =	stream.indirect_vreg.gather [hbm4b:s1+s5], $0x80, v40, vm0, $0xb8;
	[tilespmem:$0x16C00] =	vst v63  }
0x100: {  	v40 =	vld [tilespmem:$0x500];
	_ =	sdelay $0x4  }
0x101: {  	v52 =	vshll.u32 v40, $0x1  }
0x102: {  	v40 =	vand.u32 $0x7, v40;
	v41 =	vand.u32 $0xFFFFFFF0, v52  }
0x103: {  	v40 =	vor.u32 v40, v41  }
0x104: {  	v41 =	vperm.xlane v40, v37;
	_ =	sdelay $0x1  }
0x105: {  	v40 =	vperm.xlane v40, v39;
	v41 =	vadd.s32 v38, v41;
	_ =	sdelay $0x1  }
0x106: {  	v40 =	vadd.s32 v38, v40;
	_ =	sdelay $0x2  }
0x107: {  	[tilespmem:s17], [sflag:$0x3] =	stream.indirect_vreg.gather [hbm4b:s1+s5], $0x80, v41, vm0, $0xb8;
	[tilespmem:$0x16C00] =	vst v63  }
0x108: {  	s24 =	simm.s32 $0xB400  }
0x109: {  	[tilespmem:s24], [sflag:$0x3] =	stream.indirect_vreg.gather [hbm4b:s1+s5], $0x80, v40, vm0, $0xb8;
	[tilespmem:$0x16C00] =	vst v63  }
0x10a: {  	v40 =	vld [tilespmem:$0x510];
	_ =	sdelay $0x4  }
0x10b: {  	v53 =	vshll.u32 v40, $0x1  }
0x10c: {  	v40 =	vand.u32 $0x7, v40;
	v41 =	vand.u32 $0xFFFFFFF0, v53  }
0x10d: {  	v40 =	vor.u32 v40, v41  }
0x10e: {  	v41 =	vperm.xlane v40, v37;
	_ =	sdelay $0x1  }
0x10f: {  	v40 =	vperm.xlane v40, v39;
	v41 =	vadd.s32 v38, v41;
	_ =	sdelay $0x1  }
0x110: {  	v40 =	vadd.s32 v38, v40;
	_ =	sdelay $0x1  }
0x111: {  	s25 =	simm.s32 $0xBC00  }
0x112: {  	[tilespmem:s25], [sflag:$0x3] =	stream.indirect_vreg.gather [hbm4b:s1+s5], $0x80, v41, vm0, $0xb8;
	[tilespmem:$0x16C00] =	vst v63  }
0x113: {  	s24 =	simm.s32 $0xC400  }
0x114: {  	[tilespmem:s24], [sflag:$0x3] =	stream.indirect_vreg.gather [hbm4b:s1+s5], $0x80, v40, vm0, $0xb8;
	[tilespmem:$0x16C00] =	vst v63  }
0x115: {  	v40 =	vld [tilespmem:$0x520];
	_ =	sdelay $0x4  }
0x116: {  	v54 =	vshll.u32 v40, $0x1  }
0x117: {  	v40 =	vand.u32 $0x7, v40;
	v41 =	vand.u32 $0xFFFFFFF0, v54  }
0x118: {  	v40 =	vor.u32 v40, v41  }
0x119: {  	v41 =	vperm.xlane v40, v37;
	_ =	sdelay $0x1  }
0x11a: {  	v40 =	vperm.xlane v40, v39;
	v41 =	vadd.s32 v38, v41;
	_ =	sdelay $0x1  }
0x11b: {  	v40 =	vadd.s32 v38, v40;
	_ =	sdelay $0x1  }
0x11c: {  	s25 =	simm.s32 $0xCC00  }
0x11d: {  	[tilespmem:s25], [sflag:$0x3] =	stream.indirect_vreg.gather [hbm4b:s1+s5], $0x80, v41, vm0, $0xb8;
	[tilespmem:$0x16C00] =	vst v63  }
0x11e: {  	s24 =	simm.s32 $0xD400  }
0x11f: {  	[tilespmem:s24], [sflag:$0x3] =	stream.indirect_vreg.gather [hbm4b:s1+s5], $0x80, v40, vm0, $0xb8;
	[tilespmem:$0x16C00] =	vst v63  }
0x120: {  	v40 =	vld [tilespmem:$0x530];
	_ =	sdelay $0x4  }
0x121: {  	v55 =	vshll.u32 v40, $0x1  }
0x122: {  	v40 =	vand.u32 $0x7, v40;
	v41 =	vand.u32 $0xFFFFFFF0, v55  }
0x123: {  	v40 =	vor.u32 v40, v41  }
0x124: {  	v41 =	vperm.xlane v40, v37;
	_ =	sdelay $0x1  }
0x125: {  	v40 =	vperm.xlane v40, v39;
	v41 =	vadd.s32 v38, v41;
	_ =	sdelay $0x1  }
0x126: {  	v40 =	vadd.s32 v38, v40;
	_ =	sdelay $0x2  }
0x127: {  	[tilespmem:s30], [sflag:$0x3] =	stream.indirect_vreg.gather [hbm4b:s1+s5], $0x80, v41, vm0, $0xb8;
	[tilespmem:$0x16C00] =	vst v63  }
0x128: {  	s25 =	simm.s32 $0xE400  }
0x129: {  	[tilespmem:s25], [sflag:$0x3] =	stream.indirect_vreg.gather [hbm4b:s1+s5], $0x80, v40, vm0, $0xb8;
	[tilespmem:$0x16C00] =	vst v63  }
0x12a: {  	v40 =	vld [tilespmem:$0x580];
	_ =	sdelay $0x4  }
0x12b: {  	v56 =	vshll.u32 v40, $0x1  }
0x12c: {  	v40 =	vand.u32 $0x7, v40;
	v41 =	vand.u32 $0xFFFFFFF0, v56  }
0x12d: {  	v40 =	vor.u32 v40, v41  }
0x12e: {  	v41 =	vperm.xlane v40, v37;
	_ =	sdelay $0x1  }
0x12f: {  	v40 =	vperm.xlane v40, v39;
	v41 =	vadd.s32 v38, v41;
	_ =	sdelay $0x1  }
0x130: {  	v40 =	vadd.s32 v38, v40;
	_ =	sdelay $0x2  }
0x131: {  	[tilespmem:s7], [sflag:$0x4] =	stream.indirect_vreg.gather [hbm4b:s1+s5], $0x80, v41, vm0, $0xb8;
	[tilespmem:$0x16C00] =	vst v63  }
0x132: {  	_ = 	snop  }
0x133: {  	[tilespmem:s4], [sflag:$0x4] =	stream.indirect_vreg.gather [hbm4b:s1+s5], $0x80, v40, vm0, $0xb8;
	[tilespmem:$0x16C00] =	vst v63  }
0x134: {  	v40 =	vld [tilespmem:$0x590];
	_ =	sdelay $0x4  }
0x135: {  	v57 =	vshll.u32 v40, $0x1  }
0x136: {  	v40 =	vand.u32 $0x7, v40;
	v41 =	vand.u32 $0xFFFFFFF0, v57  }
0x137: {  	v40 =	vor.u32 v40, v41  }
0x138: {  	v41 =	vperm.xlane v40, v37;
	_ =	sdelay $0x1  }
0x139: {  	v40 =	vperm.xlane v40, v39;
	v41 =	vadd.s32 v38, v41;
	_ =	sdelay $0x1  }
0x13a: {  	v40 =	vadd.s32 v38, v40;
	_ =	sdelay $0x2  }
0x13b: {  	[tilespmem:s8], [sflag:$0x4] =	stream.indirect_vreg.gather [hbm4b:s1+s5], $0x80, v41, vm0, $0xb8;
	[tilespmem:$0x16C00] =	vst v63  }
0x13c: {  	_ = 	snop  }
0x13d: {  	[tilespmem:s26], [sflag:$0x4] =	stream.indirect_vreg.gather [hbm4b:s1+s5], $0x80, v40, vm0, $0xb8;
	[tilespmem:$0x16C00] =	vst v63  }
0x13e: {  	v40 =	vld [tilespmem:$0x5A0];
	_ =	sdelay $0x4  }
0x13f: {  	v58 =	vshll.u32 v40, $0x1  }
0x140: {  	v40 =	vand.u32 $0x7, v40;
	v41 =	vand.u32 $0xFFFFFFF0, v58  }
0x141: {  	v40 =	vor.u32 v40, v41  }
0x142: {  	v41 =	vperm.xlane v40, v37;
	_ =	sdelay $0x1  }
0x143: {  	v40 =	vperm.xlane v40, v39;
	v41 =	vadd.s32 v38, v41;
	_ =	sdelay $0x1  }
0x144: {  	v40 =	vadd.s32 v38, v40;
	_ =	sdelay $0x2  }
0x145: {  	[tilespmem:s11], [sflag:$0x4] =	stream.indirect_vreg.gather [hbm4b:s1+s5], $0x80, v41, vm0, $0xb8;
	[tilespmem:$0x16C00] =	vst v63  }
0x146: {  	_ = 	snop  }
0x147: {  	[tilespmem:s29], [sflag:$0x4] =	stream.indirect_vreg.gather [hbm4b:s1+s5], $0x80, v40, vm0, $0xb8;
	[tilespmem:$0x16C00] =	vst v63  }
0x148: {  	v40 =	vld [tilespmem:$0x5B0];
	_ =	sdelay $0x4  }
0x149: {  	v59 =	vshll.u32 v40, $0x1  }
0x14a: {  	v40 =	vand.u32 $0x7, v40;
	v41 =	vand.u32 $0xFFFFFFF0, v59  }
0x14b: {  	v40 =	vor.u32 v40, v41  }
0x14c: {  	v41 =	vperm.xlane v40, v37;
	_ =	sdelay $0x1  }
0x14d: {  	v40 =	vperm.xlane v40, v39;
	v41 =	vadd.s32 v38, v41;
	_ =	sdelay $0x1  }
0x14e: {  	v40 =	vadd.s32 v38, v40;
	_ =	sdelay $0x1  }
0x14f: {  	s8 =	simm.s32 $0x11C00  }
0x150: {  	[tilespmem:s8], [sflag:$0x4] =	stream.indirect_vreg.gather [hbm4b:s1+s5], $0x80, v41, vm0, $0xb8;
	[tilespmem:$0x16C00] =	vst v63  }
0x151: {  	_ = 	snop  }
0x152: {  	[tilespmem:s18], [sflag:$0x4] =	stream.indirect_vreg.gather [hbm4b:s1+s5], $0x80, v40, vm0, $0xb8;
	[tilespmem:$0x16C00] =	vst v63  }
0x153: {  	v40 =	vld [tilespmem:$0x600];
	_ =	sdelay $0x4  }
0x154: {  	v60 =	vshll.u32 v40, $0x1  }
0x155: {  	v40 =	vand.u32 $0x7, v40;
	v41 =	vand.u32 $0xFFFFFFF0, v60  }
0x156: {  	v40 =	vor.u32 v40, v41  }
0x157: {  	v41 =	vperm.xlane v40, v37;
	_ =	sdelay $0x1  }
0x158: {  	v40 =	vperm.xlane v40, v39;
	v41 =	vadd.s32 v38, v41;
	_ =	sdelay $0x1  }
0x159: {  	v40 =	vadd.s32 v38, v40;
	_ =	sdelay $0x2  }
0x15a: {  	[tilespmem:s16], [sflag:$0x5] =	stream.indirect_vreg.gather [hbm4b:s1+s5], $0x80, v41, vm0, $0xb8;
	[tilespmem:$0x16C00] =	vst v63  }
0x15b: {  	s11 =	simm.s32 $0x13400  }
0x15c: {  	[tilespmem:s11], [sflag:$0x5] =	stream.indirect_vreg.gather [hbm4b:s1+s5], $0x80, v40, vm0, $0xb8;
	[tilespmem:$0x16C00] =	vst v63  }
0x15d: {  	v40 =	vld [tilespmem:$0x610];
	_ =	sdelay $0x4  }
0x15e: {  	v61 =	vshll.u32 v40, $0x1  }
0x15f: {  	v40 =	vand.u32 $0x7, v40;
	v41 =	vand.u32 $0xFFFFFFF0, v61  }
0x160: {  	v40 =	vor.u32 v40, v41  }
0x161: {  	v41 =	vperm.xlane v40, v37;
	_ =	sdelay $0x1  }
0x162: {  	v40 =	vperm.xlane v40, v39;
	v41 =	vadd.s32 v38, v41;
	_ =	sdelay $0x1  }
0x163: {  	v40 =	vadd.s32 v38, v40;
	_ =	sdelay $0x2  }
0x164: {  	[tilespmem:s9], [sflag:$0x5] =	stream.indirect_vreg.gather [hbm4b:s1+s5], $0x80, v41, vm0, $0xb8;
	[tilespmem:$0x16C00] =	vst v63  }
0x165: {  	_ = 	snop  }
0x166: {  	[tilespmem:s3], [sflag:$0x5] =	stream.indirect_vreg.gather [hbm4b:s1+s5], $0x80, v40, vm0, $0xb8;
	[tilespmem:$0x16C00] =	vst v63  }
0x167: {  	v40 =	vld [tilespmem:$0x620];
	_ =	sdelay $0x4  }
0x168: {  	v62 =	vshll.u32 v40, $0x1  }
0x169: {  	v40 =	vand.u32 $0x7, v40;
	v41 =	vand.u32 $0xFFFFFFF0, v62  }
0x16a: {  	v40 =	vor.u32 v40, v41  }
0x16b: {  	v41 =	vperm.xlane v40, v37;
	_ =	sdelay $0x1  }
0x16c: {  	v40 =	vperm.xlane v40, v39;
	v41 =	vadd.s32 v38, v41;
	_ =	sdelay $0x1  }
0x16d: {  	v40 =	vadd.s32 v38, v40;
	_ =	sdelay $0x2  }
0x16e: {  	[tilespmem:s10], [sflag:$0x5] =	stream.indirect_vreg.gather [hbm4b:s1+s5], $0x80, v41, vm0, $0xb8;
	[tilespmem:$0x16C00] =	vst v63  }
0x16f: {  	_ = 	snop  }
0x170: {  	[tilespmem:s13], [sflag:$0x5] =	stream.indirect_vreg.gather [hbm4b:s1+s5], $0x80, v40, vm0, $0xb8;
	[tilespmem:$0x16C00] =	vst v63  }
0x171: {  	v40 =	vld [tilespmem:$0x630];
	_ =	sdelay $0x4  }
0x172: {  	v63 =	vshll.u32 v40, $0x1  }
0x173: {  	v40 =	vand.u32 $0x7, v40;
	v41 =	vand.u32 $0xFFFFFFF0, v63  }
0x174: {  	v40 =	vor.u32 v40, v41  }
0x175: {  	v41 =	vperm.xlane v40, v37;
	_ =	sdelay $0x1  }
0x176: {  	v40 =	vperm.xlane v40, v39;
	v41 =	vadd.s32 v38, v41;
	_ =	sdelay $0x1  }
0x177: {  	v40 =	vadd.s32 v38, v40;
	_ =	sdelay $0x2  }
0x178: {  	[tilespmem:s14], [sflag:$0x5] =	stream.indirect_vreg.gather [hbm4b:s1+s5], $0x80, v41, vm0, $0xb8;
	[tilespmem:$0x16C00] =	vst v63  }
0x179: {  	s13 =	rddreg [dreg:$0x15]  }
0x17a: {  	[tilespmem:s15], [sflag:$0x5] =	stream.indirect_vreg.gather [hbm4b:s1+s5], $0x80, v40, vm0, $0xb8;
	[tilespmem:$0x16C00] =	vst v63  }
0x17b: {  	v40 =	vld [tilespmem:s13+$0x0];
	_ =	sdelay $0x4  }
0x17c: {  	v40 =	vadd.s32 v17, v40  }
0x17d: {  	s14 =	rddreg [dreg:$0x16];
	[tilespmem:$0x680] =	vst v40  }
0x17e: {  	v40 =	vld [tilespmem:s14+$0x0];
	_ =	sdelay $0x4  }
0x17f: {  	v40 =	vadd.s32 v18, v40  }
0x180: {  	s15 =	rddreg [dreg:$0x17];
	[tilespmem:$0x690] =	vst v40  }
0x181: {  	v40 =	vld [tilespmem:s15+$0x0];
	_ =	sdelay $0x4  }
0x182: {  	v40 =	vadd.s32 v19, v40  }
0x183: {  	s16 =	rddreg [dreg:$0x18];
	[tilespmem:$0x6A0] =	vst v40  }
0x184: {  	v40 =	vld [tilespmem:s16+$0x0];
	_ =	sdelay $0x4  }
0x185: {  	v40 =	vadd.s32 v20, v40  }
0x186: {  	s18 =	rddreg [dreg:$0x6];
	[tilespmem:$0x6B0] =	vst v40  }
0x187: {  	v40 =	vld [tilespmem:s18+$0x0];
	_ =	sdelay $0x4  }
0x188: {  	v40 =	vadd.s32 v21, v40  }
0x189: {  	s24 =	rddreg [dreg:$0x19];
	[tilespmem:$0x700] =	vst v40  }
0x18a: {  	v40 =	vld [tilespmem:s24+$0x0];
	_ =	sdelay $0x4  }
0x18b: {  	v40 =	vadd.s32 v22, v40  }
0x18c: {  	s25 =	rddreg [dreg:$0x1a];
	[tilespmem:$0x710] =	vst v40  }
0x18d: {  	v40 =	vld [tilespmem:s25+$0x0];
	_ =	sdelay $0x4  }
0x18e: {  	v40 =	vadd.s32 v23, v40  }
0x18f: {  	s26 =	rddreg [dreg:$0x1b];
	[tilespmem:$0x720] =	vst v40  }
0x190: {  	v40 =	vld [tilespmem:s26+$0x0];
	_ =	sdelay $0x4  }
0x191: {  	v40 =	vadd.s32 v24, v40  }
0x192: {  	s3 =	rddreg [dreg:$0x1c];
	[tilespmem:$0x730] =	vst v40  }
0x193: {  	v40 =	vld [tilespmem:s3+$0x0];
	_ =	sdelay $0x4  }
0x194: {  	v40 =	vadd.s32 v25, v40  }
0x195: {  	s4 =	rddreg [dreg:$0x1d];
	[tilespmem:$0x780] =	vst v40  }
0x196: {  	v40 =	vld [tilespmem:s4+$0x0];
	_ =	sdelay $0x4  }
0x197: {  	v40 =	vadd.s32 v26, v40  }
0x198: {  	s7 =	rddreg [dreg:$0x1e];
	[tilespmem:$0x790] =	vst v40  }
0x199: {  	v40 =	vld [tilespmem:s7+$0x0];
	_ =	sdelay $0x4  }
0x19a: {  	v40 =	vadd.s32 v27, v40  }
0x19b: {  	s8 =	rddreg [dreg:$0x1f];
	[tilespmem:$0x7A0] =	vst v40  }
0x19c: {  	v40 =	vld [tilespmem:s8+$0x0];
	_ =	sdelay $0x4  }
0x19d: {  	v40 =	vadd.s32 v28, v40  }
0x19e: {  	s9 =	rddreg [dreg:$0x7];
	[tilespmem:$0x7B0] =	vst v40  }
0x19f: {  	v40 =	vld [tilespmem:s9+$0x0];
	_ =	sdelay $0x3  }
0x1a0: {  	s10 =	sld [smem:$0x7DB]  }
0x1a1: {  	v40 =	vadd.s32 v29, v40  }
0x1a2: {  	[tilespmem:$0x800] =	vst v40  }
0x1a3: {  	v40 =	vld [tilespmem:s10+$0x0];
	_ =	sdelay $0x3  }
0x1a4: {  	s11 =	sld [smem:$0x7DC]  }
0x1a5: {  	v40 =	vadd.s32 v30, v40  }
0x1a6: {  	[tilespmem:$0x810] =	vst v40  }
0x1a7: {  	v40 =	vld [tilespmem:s11+$0x0];
	_ =	sdelay $0x3  }
0x1a8: {  	s13 =	sld [smem:$0x7DD]  }
0x1a9: {  	v40 =	vadd.s32 v31, v40  }
0x1aa: {  	[tilespmem:$0x820] =	vst v40  }
0x1ab: {  	v40 =	vld [tilespmem:s13+$0x0];
	_ =	sdelay $0x3  }
0x1ac: {  	s14 =	sld [smem:$0x7DE]  }
0x1ad: {  	v40 =	vadd.s32 v32, v40  }
0x1ae: {  	[tilespmem:$0x830] =	vst v40  }
0x1af: {  	v40 =	vld [tilespmem:s14+$0x0];
	_ =	sdelay $0x3  }
0x1b0: {  	s15 =	sld [smem:$0x7DF]  }
0x1b1: {  	v40 =	vadd.s32 v33, v40  }
0x1b2: {  	[tilespmem:$0x880] =	vst v40  }
0x1b3: {  	v40 =	vld [tilespmem:s15+$0x0];
	_ =	sdelay $0x3  }
0x1b4: {  	s16 =	sld [smem:$0x7E0]  }
0x1b5: {  	v40 =	vadd.s32 v34, v40  }
0x1b6: {  	[tilespmem:$0x890] =	vst v40  }
0x1b7: {  	v40 =	vld [tilespmem:s16+$0x0];
	_ =	sdelay $0x3  }
0x1b8: {  	s18 =	sld [smem:$0x7E2]  }
0x1b9: {  	v40 =	vadd.s32 v35, v40  }
0x1ba: {  	[tilespmem:$0x8A0] =	vst v40  }
0x1bb: {  	v40 =	vld [tilespmem:s18+$0x0];
	_ =	sdelay $0x4  }
0x1bc: {  	v40 =	vadd.s32 v36, v40  }
0x1bd: {  	[tilespmem:$0x8B0] =	vst v40  }
0x1be: {  	_ =	swait.ge [sflag:s19], $0x4000  }
0x1bf: {  	s24 =	sld [smem:$0x7E3]  }
0x1c0: {  	[sflag:s19] =	ssyncset.done $0x0  }
0x1c1: {  	[sflag:s19] =	ssyncadd.s32 $0xFFFFC000  }
0x1c2: {  	[hbm4b:s24+s5] =	stream.linear.scatter [tilespmem:s12], [sflag:$0x1], $0x4000, $0x38;
	[tilespmem:$0x16C00] =	vst v63  }
0x1c3: {  	_ =	swait.ge [sflag:s20], $0x4000  }
0x1c4: {  	s25 =	sld [smem:$0x7E5]  }
0x1c5: {  	[sflag:s20] =	ssyncset.done $0x0  }
0x1c6: {  	s30 =	simm.s32 $0x7A0;
	[sflag:s20] =	ssyncadd.s32 $0xFFFFC000  }
0x1c7: {  	[hbm4b:s25+s5] =	stream.linear.scatter [tilespmem:s6], [sflag:$0x2], $0x4000, $0x38;
	[tilespmem:$0x16C00] =	vst v63  }
0x1c8: {  	s3 =	simm.s32 $0x14400;
	s4 =	simm.s32 $0x15400;
	_ =	swait.ge [sflag:s21], $0x4000  }
0x1c9: {  	s8 =	simm.s32 $0x15C00;
	s9 =	simm.s32 $0x10400;
	s26 =	sld [smem:$0x7E6]  }
0x1ca: {  	s10 =	simm.s32 $0x16400;
	s11 =	simm.s32 $0x10C00;
	s12 =	sld [smem:$0x7D9]  }
0x1cb: {  	s13 =	simm.s32 $0x11400;
	s15 =	simm.s32 $0xAC00;
	s14 =	sld [smem:$0x7DA]  }
0x1cc: {  	s24 =	simm.s32 $0x14C00;
	[sflag:s21] =	ssyncset.done $0x0;
	s25 =	sld [smem:$0x7EA]  }
0x1cd: {  	s6 =	simm.s32 $0x2C00;
	s28 =	sld [smem:$0x7EB];
	[sflag:s21] =	ssyncadd.s32 $0xFFFFC000  }
0x1ce: {  	[hbm4b:s26+s5] =	stream.linear.scatter [tilespmem:s17], [sflag:$0x3], $0x4000, $0x38;
	[tilespmem:$0x16C00] =	vst v63  }
0x1cf: {  	s29 =	rddreg [dreg:$0x2];
	s26 =	simm.s32 $0x0;
	s17 =	simm.s32 $0x6C00  }
.LBB2_2:
0x1d0: {  	_ =	swait.ge [sflag:s19], $0x4000  }
0x1d1: {  	[sflag:s19] =	ssyncset.done $0x0  }
0x1d2: {  	[sflag:s19] =	ssyncadd.s32 $0xFFFFC000  }
0x1d3: {  	v40 =	vld [tilespmem:s30+$0xFFFFFEE0];
	_ =	sdelay $0x4  }
0x1d4: {  	v41 =	vshll.u32 v40, $0x1  }
0x1d5: {  	v40 =	vand.u32 $0x7, v40;
	v41 =	vand.u32 $0xFFFFFFF0, v41  }
0x1d6: {  	v40 =	vor.u32 v40, v41  }
0x1d7: {  	v41 =	vperm.xlane v40, v37;
	_ =	sdelay $0x1  }
0x1d8: {  	v40 =	vperm.xlane v40, v39;
	v41 =	vadd.s32 v38, v41;
	_ =	sdelay $0x1  }
0x1d9: {  	v40 =	vadd.s32 v38, v40;
	_ =	sdelay $0x2  }
0x1da: {  	[tilespmem:s6], [sflag:$0x1] =	stream.indirect_vreg.gather [hbm4b:s1+s5], $0x80, v41, vm0, $0xb8;
	[tilespmem:$0x16C00] =	vst v63  }
0x1db: {  	_ = 	snop  }
0x1dc: {  	[tilespmem:s2], [sflag:$0x1] =	stream.indirect_vreg.gather [hbm4b:s1+s5], $0x80, v40, vm0, $0xb8;
	[tilespmem:$0x16C00] =	vst v63  }
0x1dd: {  	v40 =	vld [tilespmem:s30+$0xFFFFFEF0];
	_ =	sdelay $0x4  }
0x1de: {  	v61 =	vshll.u32 v40, $0x1  }
0x1df: {  	v40 =	vand.u32 $0x7, v40;
	v41 =	vand.u32 $0xFFFFFFF0, v61  }
0x1e0: {  	v40 =	vor.u32 v40, v41  }
0x1e1: {  	v41 =	vperm.xlane v40, v37;
	_ =	sdelay $0x1  }
0x1e2: {  	v40 =	vperm.xlane v40, v39;
	v41 =	vadd.s32 v38, v41;
	_ =	sdelay $0x1  }
0x1e3: {  	v40 =	vadd.s32 v38, v40;
	_ =	sdelay $0x2  }
0x1e4: {  	[tilespmem:s31], [sflag:$0x1] =	stream.indirect_vreg.gather [hbm4b:s1+s5], $0x80, v41, vm0, $0xb8;
	[tilespmem:$0x16C00] =	vst v63  }
0x1e5: {  	s0 =	simm.s32 $0x4400  }
0x1e6: {  	[tilespmem:s0], [sflag:$0x1] =	stream.indirect_vreg.gather [hbm4b:s1+s5], $0x80, v40, vm0, $0xb8;
	[tilespmem:$0x16C00] =	vst v63  }
0x1e7: {  	v40 =	vld [tilespmem:s30+$0xFFFFFF00];
	_ =	sdelay $0x4  }
0x1e8: {  	v62 =	vshll.u32 v40, $0x1  }
0x1e9: {  	v40 =	vand.u32 $0x7, v40;
	v41 =	vand.u32 $0xFFFFFFF0, v62  }
0x1ea: {  	v40 =	vor.u32 v40, v41  }
0x1eb: {  	v41 =	vperm.xlane v40, v37;
	_ =	sdelay $0x1  }
0x1ec: {  	v40 =	vperm.xlane v40, v39;
	v41 =	vadd.s32 v38, v41;
	_ =	sdelay $0x1  }
0x1ed: {  	v40 =	vadd.s32 v38, v40;
	_ =	sdelay $0x1  }
0x1ee: {  	s16 =	simm.s32 $0x4C00  }
0x1ef: {  	[tilespmem:s16], [sflag:$0x1] =	stream.indirect_vreg.gather [hbm4b:s1+s5], $0x80, v41, vm0, $0xb8;
	[tilespmem:$0x16C00] =	vst v63  }
0x1f0: {  	s18 =	simm.s32 $0x5400  }
0x1f1: {  	[tilespmem:s18], [sflag:$0x1] =	stream.indirect_vreg.gather [hbm4b:s1+s5], $0x80, v40, vm0, $0xb8;
	[tilespmem:$0x16C00] =	vst v63  }
0x1f2: {  	v40 =	vld [tilespmem:s30+$0xFFFFFF10];
	_ =	sdelay $0x4  }
0x1f3: {  	v63 =	vshll.u32 v40, $0x1  }
0x1f4: {  	v40 =	vand.u32 $0x7, v40;
	v41 =	vand.u32 $0xFFFFFFF0, v63  }
0x1f5: {  	v40 =	vor.u32 v40, v41  }
0x1f6: {  	v41 =	vperm.xlane v40, v37;
	_ =	sdelay $0x1  }
0x1f7: {  	v40 =	vperm.xlane v40, v39;
	v41 =	vadd.s32 v38, v41;
	_ =	sdelay $0x1  }
0x1f8: {  	v40 =	vadd.s32 v38, v40;
	_ =	sdelay $0x1  }
0x1f9: {  	s2 =	simm.s32 $0x5C00  }
0x1fa: {  	[tilespmem:s2], [sflag:$0x1] =	stream.indirect_vreg.gather [hbm4b:s1+s5], $0x80, v41, vm0, $0xb8;
	[tilespmem:$0x16C00] =	vst v63  }
0x1fb: {  	s7 =	simm.s32 $0x6400  }
0x1fc: {  	[tilespmem:s7], [sflag:$0x1] =	stream.indirect_vreg.gather [hbm4b:s1+s5], $0x80, v40, vm0, $0xb8;
	[tilespmem:$0x16C00] =	vst v63  }
0x1fd: {  	_ =	swait.ge [sflag:s22], $0x4000  }
0x1fe: {  	s31 =	sadd.s32 s29, s12;
	[sflag:s22] =	ssyncset.done $0x0  }
0x1ff: {  	s0 =	simm.s32 $0xEC00;
	s16 =	sadd.s32 $0x1800, s31;
	[sflag:s22] =	ssyncadd.s32 $0xFFFFC000  }
0x200: {  	[hbm4b:s16+s5] =	stream.linear.scatter [tilespmem:s0], [sflag:$0x4], $0x4000, $0x38;
	[tilespmem:$0x16C00] =	vst v63  }
0x201: {  	_ =	swait.ge [sflag:s20], $0x4000  }
0x202: {  	[sflag:s20] =	ssyncset.done $0x0  }
0x203: {  	[sflag:s20] =	ssyncadd.s32 $0xFFFFC000  }
0x204: {  	v44 =	vld [tilespmem:s30+$0xFFFFFF60];
	_ =	sdelay $0x4  }
0x205: {  	v45 =	vshll.u32 v44, $0x1  }
0x206: {  	v40 =	vand.u32 $0x7, v44;
	v41 =	vand.u32 $0xFFFFFFF0, v45  }
0x207: {  	v40 =	vor.u32 v40, v41  }
0x208: {  	v41 =	vperm.xlane v40, v37;
	_ =	sdelay $0x1  }
0x209: {  	v40 =	vperm.xlane v40, v39;
	v41 =	vadd.s32 v38, v41;
	_ =	sdelay $0x1  }
0x20a: {  	v40 =	vadd.s32 v38, v40;
	_ =	sdelay $0x2  }
0x20b: {  	[tilespmem:s17], [sflag:$0x2] =	stream.indirect_vreg.gather [hbm4b:s1+s5], $0x80, v41, vm0, $0xb8;
	[tilespmem:$0x16C00] =	vst v63  }
0x20c: {  	s18 =	simm.s32 $0x7400  }
0x20d: {  	[tilespmem:s18], [sflag:$0x2] =	stream.indirect_vreg.gather [hbm4b:s1+s5], $0x80, v40, vm0, $0xb8;
	[tilespmem:$0x16C00] =	vst v63  }
0x20e: {  	v40 =	vld [tilespmem:s30+$0xFFFFFF70];
	_ =	sdelay $0x4  }
0x20f: {  	v46 =	vshll.u32 v40, $0x1  }
0x210: {  	v40 =	vand.u32 $0x7, v40;
	v41 =	vand.u32 $0xFFFFFFF0, v46  }
0x211: {  	v40 =	vor.u32 v40, v41  }
0x212: {  	v41 =	vperm.xlane v40, v37;
	_ =	sdelay $0x1  }
0x213: {  	v40 =	vperm.xlane v40, v39;
	v41 =	vadd.s32 v38, v41;
	_ =	sdelay $0x1  }
0x214: {  	v40 =	vadd.s32 v38, v40;
	_ =	sdelay $0x1  }
0x215: {  	s7 =	simm.s32 $0x7C00  }
0x216: {  	[tilespmem:s7], [sflag:$0x2] =	stream.indirect_vreg.gather [hbm4b:s1+s5], $0x80, v41, vm0, $0xb8;
	[tilespmem:$0x16C00] =	vst v63  }
0x217: {  	s16 =	simm.s32 $0x8400  }
0x218: {  	[tilespmem:s16], [sflag:$0x2] =	stream.indirect_vreg.gather [hbm4b:s1+s5], $0x80, v40, vm0, $0xb8;
	[tilespmem:$0x16C00] =	vst v63  }
0x219: {  	v40 =	vld [tilespmem:s30+$0xFFFFFF80];
	_ =	sdelay $0x4  }
0x21a: {  	v47 =	vshll.u32 v40, $0x1  }
0x21b: {  	v40 =	vand.u32 $0x7, v40;
	v41 =	vand.u32 $0xFFFFFFF0, v47  }
0x21c: {  	v40 =	vor.u32 v40, v41  }
0x21d: {  	v41 =	vperm.xlane v40, v37;
	_ =	sdelay $0x1  }
0x21e: {  	v40 =	vperm.xlane v40, v39;
	v41 =	vadd.s32 v38, v41;
	_ =	sdelay $0x1  }
0x21f: {  	v40 =	vadd.s32 v38, v40;
	_ =	sdelay $0x1  }
0x220: {  	s18 =	simm.s32 $0x8C00  }
0x221: {  	[tilespmem:s18], [sflag:$0x2] =	stream.indirect_vreg.gather [hbm4b:s1+s5], $0x80, v41, vm0, $0xb8;
	[tilespmem:$0x16C00] =	vst v63  }
0x222: {  	s7 =	simm.s32 $0x9400  }
0x223: {  	[tilespmem:s7], [sflag:$0x2] =	stream.indirect_vreg.gather [hbm4b:s1+s5], $0x80, v40, vm0, $0xb8;
	[tilespmem:$0x16C00] =	vst v63  }
0x224: {  	v40 =	vld [tilespmem:s30+$0xFFFFFF90];
	_ =	sdelay $0x4  }
0x225: {  	v48 =	vshll.u32 v40, $0x1  }
0x226: {  	v40 =	vand.u32 $0x7, v40;
	v41 =	vand.u32 $0xFFFFFFF0, v48  }
0x227: {  	v40 =	vor.u32 v40, v41  }
0x228: {  	v41 =	vperm.xlane v40, v37;
	_ =	sdelay $0x1  }
0x229: {  	v40 =	vperm.xlane v40, v39;
	v41 =	vadd.s32 v38, v41;
	_ =	sdelay $0x1  }
0x22a: {  	v40 =	vadd.s32 v38, v40;
	_ =	sdelay $0x1  }
0x22b: {  	s16 =	simm.s32 $0x9C00  }
0x22c: {  	[tilespmem:s16], [sflag:$0x2] =	stream.indirect_vreg.gather [hbm4b:s1+s5], $0x80, v41, vm0, $0xb8;
	[tilespmem:$0x16C00] =	vst v63  }
0x22d: {  	s18 =	simm.s32 $0xA400  }
0x22e: {  	[tilespmem:s18], [sflag:$0x2] =	stream.indirect_vreg.gather [hbm4b:s1+s5], $0x80, v40, vm0, $0xb8;
	[tilespmem:$0x16C00] =	vst v63  }
0x22f: {  	_ =	swait.ge [sflag:s23], $0x4000  }
0x230: {  	[sflag:s23] =	ssyncset.done $0x0  }
0x231: {  	s7 =	sadd.s32 $0x2000, s31;
	s18 =	simm.s32 $0x12C00;
	[sflag:s23] =	ssyncadd.s32 $0xFFFFC000  }
0x232: {  	[hbm4b:s7+s5] =	stream.linear.scatter [tilespmem:s18], [sflag:$0x5], $0x4000, $0x38;
	[tilespmem:$0x16C00] =	vst v63  }
0x233: {  	_ =	swait.ge [sflag:s21], $0x4000  }
0x234: {  	[sflag:s21] =	ssyncset.done $0x0  }
0x235: {  	[sflag:s21] =	ssyncadd.s32 $0xFFFFC000  }
0x236: {  	v49 =	vld [tilespmem:s30+$0xFFFFFFE0];
	_ =	sdelay $0x4  }
0x237: {  	v50 =	vshll.u32 v49, $0x1  }
0x238: {  	v40 =	vand.u32 $0x7, v49;
	v41 =	vand.u32 $0xFFFFFFF0, v50  }
0x239: {  	v40 =	vor.u32 v40, v41  }
0x23a: {  	v41 =	vperm.xlane v40, v37;
	_ =	sdelay $0x1  }
0x23b: {  	v40 =	vperm.xlane v40, v39;
	v41 =	vadd.s32 v38, v41;
	_ =	sdelay $0x1  }
0x23c: {  	v40 =	vadd.s32 v38, v40;
	_ =	sdelay $0x2  }
0x23d: {  	[tilespmem:s15], [sflag:$0x3] =	stream.indirect_vreg.gather [hbm4b:s1+s5], $0x80, v41, vm0, $0xb8;
	[tilespmem:$0x16C00] =	vst v63  }
0x23e: {  	s16 =	simm.s32 $0xB400  }
0x23f: {  	[tilespmem:s16], [sflag:$0x3] =	stream.indirect_vreg.gather [hbm4b:s1+s5], $0x80, v40, vm0, $0xb8;
	[tilespmem:$0x16C00] =	vst v63  }
0x240: {  	v40 =	vld [tilespmem:s30+$0xFFFFFFF0];
	_ =	sdelay $0x4  }
0x241: {  	v51 =	vshll.u32 v40, $0x1  }
0x242: {  	v40 =	vand.u32 $0x7, v40;
	v41 =	vand.u32 $0xFFFFFFF0, v51  }
0x243: {  	v40 =	vor.u32 v40, v41  }
0x244: {  	v41 =	vperm.xlane v40, v37;
	_ =	sdelay $0x1  }
0x245: {  	v40 =	vperm.xlane v40, v39;
	v41 =	vadd.s32 v38, v41;
	_ =	sdelay $0x1  }
0x246: {  	v40 =	vadd.s32 v38, v40;
	_ =	sdelay $0x1  }
0x247: {  	s7 =	simm.s32 $0xBC00  }
0x248: {  	[tilespmem:s7], [sflag:$0x3] =	stream.indirect_vreg.gather [hbm4b:s1+s5], $0x80, v41, vm0, $0xb8;
	[tilespmem:$0x16C00] =	vst v63  }
0x249: {  	s16 =	simm.s32 $0xC400  }
0x24a: {  	[tilespmem:s16], [sflag:$0x3] =	stream.indirect_vreg.gather [hbm4b:s1+s5], $0x80, v40, vm0, $0xb8;
	[tilespmem:$0x16C00] =	vst v63  }
0x24b: {  	v40 =	vld [tilespmem:s30+$0x0];
	_ =	sdelay $0x4  }
0x24c: {  	v52 =	vshll.u32 v40, $0x1  }
0x24d: {  	v40 =	vand.u32 $0x7, v40;
	v41 =	vand.u32 $0xFFFFFFF0, v52  }
0x24e: {  	v40 =	vor.u32 v40, v41  }
0x24f: {  	v41 =	vperm.xlane v40, v37;
	_ =	sdelay $0x1  }
0x250: {  	v40 =	vperm.xlane v40, v39;
	v41 =	vadd.s32 v38, v41;
	_ =	sdelay $0x1  }
0x251: {  	v40 =	vadd.s32 v38, v40;
	_ =	sdelay $0x1  }
0x252: {  	s7 =	simm.s32 $0xCC00  }
0x253: {  	[tilespmem:s7], [sflag:$0x3] =	stream.indirect_vreg.gather [hbm4b:s1+s5], $0x80, v41, vm0, $0xb8;
	[tilespmem:$0x16C00] =	vst v63  }
0x254: {  	s16 =	simm.s32 $0xD400  }
0x255: {  	[tilespmem:s16], [sflag:$0x3] =	stream.indirect_vreg.gather [hbm4b:s1+s5], $0x80, v40, vm0, $0xb8;
	[tilespmem:$0x16C00] =	vst v63  }
0x256: {  	v40 =	vld [tilespmem:s30+$0x10];
	_ =	sdelay $0x4  }
0x257: {  	v53 =	vshll.u32 v40, $0x1  }
0x258: {  	v40 =	vand.u32 $0x7, v40;
	v41 =	vand.u32 $0xFFFFFFF0, v53  }
0x259: {  	v40 =	vor.u32 v40, v41  }
0x25a: {  	v41 =	vperm.xlane v40, v37;
	_ =	sdelay $0x1  }
0x25b: {  	v40 =	vperm.xlane v40, v39;
	v41 =	vadd.s32 v38, v41;
	_ =	sdelay $0x1  }
0x25c: {  	v40 =	vadd.s32 v38, v40;
	_ =	sdelay $0x1  }
0x25d: {  	s7 =	simm.s32 $0xDC00  }
0x25e: {  	[tilespmem:s7], [sflag:$0x3] =	stream.indirect_vreg.gather [hbm4b:s1+s5], $0x80, v41, vm0, $0xb8;
	[tilespmem:$0x16C00] =	vst v63  }
0x25f: {  	s16 =	simm.s32 $0xE400  }
0x260: {  	[tilespmem:s16], [sflag:$0x3] =	stream.indirect_vreg.gather [hbm4b:s1+s5], $0x80, v40, vm0, $0xb8;
	[tilespmem:$0x16C00] =	vst v63  }
0x261: {  	_ =	swait.ge [sflag:s19], $0x4000  }
0x262: {  	[sflag:s19] =	ssyncset.done $0x0  }
0x263: {  	s7 =	sadd.s32 $0x2800, s31;
	[sflag:s19] =	ssyncadd.s32 $0xFFFFC000  }
0x264: {  	[hbm4b:s7+s5] =	stream.linear.scatter [tilespmem:s6], [sflag:$0x1], $0x4000, $0x38;
	[tilespmem:$0x16C00] =	vst v63  }
0x265: {  	_ =	swait.ge [sflag:s22], $0x4000  }
0x266: {  	[sflag:s22] =	ssyncset.done $0x0  }
0x267: {  	[sflag:s22] =	ssyncadd.s32 $0xFFFFC000  }
0x268: {  	v54 =	vld [tilespmem:s30+$0x60];
	_ =	sdelay $0x4  }
0x269: {  	v55 =	vshll.u32 v54, $0x1  }
0x26a: {  	v40 =	vand.u32 $0x7, v54;
	v41 =	vand.u32 $0xFFFFFFF0, v55  }
0x26b: {  	v40 =	vor.u32 v40, v41  }
0x26c: {  	v41 =	vperm.xlane v40, v37;
	_ =	sdelay $0x1  }
0x26d: {  	v40 =	vperm.xlane v40, v39;
	v41 =	vadd.s32 v38, v41;
	_ =	sdelay $0x1  }
0x26e: {  	v40 =	vadd.s32 v38, v40;
	_ =	sdelay $0x2  }
0x26f: {  	[tilespmem:s0], [sflag:$0x4] =	stream.indirect_vreg.gather [hbm4b:s1+s5], $0x80, v41, vm0, $0xb8;
	[tilespmem:$0x16C00] =	vst v63  }
0x270: {  	s16 =	simm.s32 $0xF400  }
0x271: {  	[tilespmem:s16], [sflag:$0x4] =	stream.indirect_vreg.gather [hbm4b:s1+s5], $0x80, v40, vm0, $0xb8;
	[tilespmem:$0x16C00] =	vst v63  }
0x272: {  	v40 =	vld [tilespmem:s30+$0x70];
	_ =	sdelay $0x4  }
0x273: {  	v56 =	vshll.u32 v40, $0x1  }
0x274: {  	v40 =	vand.u32 $0x7, v40;
	v41 =	vand.u32 $0xFFFFFFF0, v56  }
0x275: {  	v40 =	vor.u32 v40, v41  }
0x276: {  	v41 =	vperm.xlane v40, v37;
	_ =	sdelay $0x1  }
0x277: {  	v40 =	vperm.xlane v40, v39;
	v41 =	vadd.s32 v38, v41;
	_ =	sdelay $0x1  }
0x278: {  	v40 =	vadd.s32 v38, v40;
	_ =	sdelay $0x1  }
0x279: {  	s2 =	simm.s32 $0xFC00  }
0x27a: {  	[tilespmem:s2], [sflag:$0x4] =	stream.indirect_vreg.gather [hbm4b:s1+s5], $0x80, v41, vm0, $0xb8;
	[tilespmem:$0x16C00] =	vst v63  }
0x27b: {  	_ = 	snop  }
0x27c: {  	[tilespmem:s9], [sflag:$0x4] =	stream.indirect_vreg.gather [hbm4b:s1+s5], $0x80, v40, vm0, $0xb8;
	[tilespmem:$0x16C00] =	vst v63  }
0x27d: {  	v40 =	vld [tilespmem:s30+$0x80];
	_ =	sdelay $0x4  }
0x27e: {  	v57 =	vshll.u32 v40, $0x1  }
0x27f: {  	v40 =	vand.u32 $0x7, v40;
	v41 =	vand.u32 $0xFFFFFFF0, v57  }
0x280: {  	v40 =	vor.u32 v40, v41  }
0x281: {  	v41 =	vperm.xlane v40, v37;
	_ =	sdelay $0x1  }
0x282: {  	v40 =	vperm.xlane v40, v39;
	v41 =	vadd.s32 v38, v41;
	_ =	sdelay $0x1  }
0x283: {  	v40 =	vadd.s32 v38, v40;
	_ =	sdelay $0x2  }
0x284: {  	[tilespmem:s11], [sflag:$0x4] =	stream.indirect_vreg.gather [hbm4b:s1+s5], $0x80, v41, vm0, $0xb8;
	[tilespmem:$0x16C00] =	vst v63  }
0x285: {  	_ = 	snop  }
0x286: {  	[tilespmem:s13], [sflag:$0x4] =	stream.indirect_vreg.gather [hbm4b:s1+s5], $0x80, v40, vm0, $0xb8;
	[tilespmem:$0x16C00] =	vst v63  }
0x287: {  	v40 =	vld [tilespmem:s30+$0x90];
	_ =	sdelay $0x4  }
0x288: {  	v58 =	vshll.u32 v40, $0x1  }
0x289: {  	v40 =	vand.u32 $0x7, v40;
	v41 =	vand.u32 $0xFFFFFFF0, v58  }
0x28a: {  	v40 =	vor.u32 v40, v41  }
0x28b: {  	v41 =	vperm.xlane v40, v37;
	_ =	sdelay $0x1  }
0x28c: {  	v40 =	vperm.xlane v40, v39;
	v41 =	vadd.s32 v38, v41;
	_ =	sdelay $0x1  }
0x28d: {  	v40 =	vadd.s32 v38, v40;
	_ =	sdelay $0x1  }
0x28e: {  	s16 =	simm.s32 $0x11C00  }
0x28f: {  	[tilespmem:s16], [sflag:$0x4] =	stream.indirect_vreg.gather [hbm4b:s1+s5], $0x80, v41, vm0, $0xb8;
	[tilespmem:$0x16C00] =	vst v63  }
0x290: {  	s2 =	simm.s32 $0x12400  }
0x291: {  	[tilespmem:s2], [sflag:$0x4] =	stream.indirect_vreg.gather [hbm4b:s1+s5], $0x80, v40, vm0, $0xb8;
	[tilespmem:$0x16C00] =	vst v63  }
0x292: {  	_ =	swait.ge [sflag:s20], $0x4000  }
0x293: {  	[sflag:s20] =	ssyncset.done $0x0  }
0x294: {  	s16 =	sadd.s32 s29, s25;
	[sflag:s20] =	ssyncadd.s32 $0xFFFFC000  }
0x295: {  	[hbm4b:s16+s5] =	stream.linear.scatter [tilespmem:s17], [sflag:$0x2], $0x4000, $0x38;
	[tilespmem:$0x16C00] =	vst v63  }
0x296: {  	_ =	swait.ge [sflag:s23], $0x4000  }
0x297: {  	[sflag:s23] =	ssyncset.done $0x0  }
0x298: {  	[sflag:s23] =	ssyncadd.s32 $0xFFFFC000  }
0x299: {  	v59 =	vld [tilespmem:s30+$0xE0];
	_ =	sdelay $0x4  }
0x29a: {  	v60 =	vshll.u32 v59, $0x1  }
0x29b: {  	v40 =	vand.u32 $0x7, v59;
	v41 =	vand.u32 $0xFFFFFFF0, v60  }
0x29c: {  	v40 =	vor.u32 v40, v41  }
0x29d: {  	v41 =	vperm.xlane v40, v37;
	_ =	sdelay $0x1  }
0x29e: {  	v40 =	vperm.xlane v40, v39;
	v41 =	vadd.s32 v38, v41;
	_ =	sdelay $0x1  }
0x29f: {  	v40 =	vadd.s32 v38, v40;
	_ =	sdelay $0x2  }
0x2a0: {  	[tilespmem:s18], [sflag:$0x5] =	stream.indirect_vreg.gather [hbm4b:s1+s5], $0x80, v41, vm0, $0xb8;
	[tilespmem:$0x16C00] =	vst v63  }
0x2a1: {  	s18 =	simm.s32 $0x13400  }
0x2a2: {  	[tilespmem:s18], [sflag:$0x5] =	stream.indirect_vreg.gather [hbm4b:s1+s5], $0x80, v40, vm0, $0xb8;
	[tilespmem:$0x16C00] =	vst v63  }
0x2a3: {  	v40 =	vld [tilespmem:s30+$0xF0];
	_ =	sdelay $0x4  }
0x2a4: {  	v61 =	vshll.u32 v40, $0x1  }
0x2a5: {  	v40 =	vand.u32 $0x7, v40;
	v41 =	vand.u32 $0xFFFFFFF0, v61  }
0x2a6: {  	v40 =	vor.u32 v40, v41  }
0x2a7: {  	v41 =	vperm.xlane v40, v37;
	_ =	sdelay $0x1  }
0x2a8: {  	v40 =	vperm.xlane v40, v39;
	v41 =	vadd.s32 v38, v41;
	_ =	sdelay $0x1  }
0x2a9: {  	v40 =	vadd.s32 v38, v40;
	_ =	sdelay $0x1  }
0x2aa: {  	s2 =	simm.s32 $0x13C00  }
0x2ab: {  	[tilespmem:s2], [sflag:$0x5] =	stream.indirect_vreg.gather [hbm4b:s1+s5], $0x80, v41, vm0, $0xb8;
	[tilespmem:$0x16C00] =	vst v63  }
0x2ac: {  	_ = 	snop  }
0x2ad: {  	[tilespmem:s3], [sflag:$0x5] =	stream.indirect_vreg.gather [hbm4b:s1+s5], $0x80, v40, vm0, $0xb8;
	[tilespmem:$0x16C00] =	vst v63  }
0x2ae: {  	v40 =	vld [tilespmem:s30+$0x100];
	_ =	sdelay $0x4  }
0x2af: {  	v62 =	vshll.u32 v40, $0x1  }
0x2b0: {  	v40 =	vand.u32 $0x7, v40;
	v41 =	vand.u32 $0xFFFFFFF0, v62  }
0x2b1: {  	v40 =	vor.u32 v40, v41  }
0x2b2: {  	v41 =	vperm.xlane v40, v37;
	_ =	sdelay $0x1  }
0x2b3: {  	v40 =	vperm.xlane v40, v39;
	v41 =	vadd.s32 v38, v41;
	_ =	sdelay $0x1  }
0x2b4: {  	v40 =	vadd.s32 v38, v40;
	_ =	sdelay $0x2  }
0x2b5: {  	[tilespmem:s24], [sflag:$0x5] =	stream.indirect_vreg.gather [hbm4b:s1+s5], $0x80, v41, vm0, $0xb8;
	[tilespmem:$0x16C00] =	vst v63  }
0x2b6: {  	_ = 	snop  }
0x2b7: {  	[tilespmem:s4], [sflag:$0x5] =	stream.indirect_vreg.gather [hbm4b:s1+s5], $0x80, v40, vm0, $0xb8;
	[tilespmem:$0x16C00] =	vst v63  }
0x2b8: {  	v40 =	vld [tilespmem:s30+$0x110];
	_ =	sdelay $0x4  }
0x2b9: {  	v63 =	vshll.u32 v40, $0x1  }
0x2ba: {  	v40 =	vand.u32 $0x7, v40;
	v41 =	vand.u32 $0xFFFFFFF0, v63  }
0x2bb: {  	v40 =	vor.u32 v40, v41  }
0x2bc: {  	v41 =	vperm.xlane v40, v37;
	_ =	sdelay $0x1  }
0x2bd: {  	v40 =	vperm.xlane v40, v39;
	v41 =	vadd.s32 v38, v41;
	_ =	sdelay $0x1  }
0x2be: {  	v40 =	vadd.s32 v38, v40;
	_ =	sdelay $0x2  }
0x2bf: {  	[tilespmem:s8], [sflag:$0x5] =	stream.indirect_vreg.gather [hbm4b:s1+s5], $0x80, v41, vm0, $0xb8;
	[tilespmem:$0x16C00] =	vst v63  }
0x2c0: {  	p0 =	seq.s32 s26, $0x1040  }
0x2c1: {  	[tilespmem:s10], [sflag:$0x5] =	stream.indirect_vreg.gather [hbm4b:s1+s5], $0x80, v40, vm0, $0xb8;
	[tilespmem:$0x16C00] =	vst v63  }
0x2c2: {  	s31 =	sadd.s32 @!p0 s26, s14;
	_ =	swait.ge [sflag:s21], $0x4000  }
0x2c3: {  	s2 =	sadd.s32 @!p0 $0x280, s31;
	[sflag:s21] =	ssyncset.done $0x0  }
0x2c4: {  	s18 =	sadd.s32 s29, s28;
	s0 =	sand.u32 @!p0 $0x3C0, s2;
	[sflag:s21] =	ssyncadd.s32 $0xFFFFC000  }
0x2c5: {  	[hbm4b:s18+s5] =	stream.linear.scatter [tilespmem:s15], [sflag:$0x3], $0x4000, $0x38;
	[tilespmem:$0x16C00] =	vst v63  }
0x2c6: {  	v40 =	vld @!p0 [tilespmem:s0+$0x0];
	_ =	sdelay $0x1  }
0x2c7: {  	s2 =	sshrl.u32 @!p0 s2, $0xA  }
0x2c8: {  	s2 =	smul.u32 @!p0 $0x3E8, s2;
	_ =	sdelay $0x1  }
0x2c9: {  	v40 =	vadd.s32 @!p0 s2, v40  }
0x2ca: {  	[tilespmem:s30+$0x160] =	vst @!p0 v40  }
0x2cb: {  	v40 =	vld @!p0 [tilespmem:s0+$0x10];
	_ =	sdelay $0x4  }
0x2cc: {  	v40 =	vadd.s32 @!p0 s2, v40  }
0x2cd: {  	[tilespmem:s30+$0x170] =	vst @!p0 v40  }
0x2ce: {  	v40 =	vld @!p0 [tilespmem:s0+$0x20];
	_ =	sdelay $0x4  }
0x2cf: {  	v40 =	vadd.s32 @!p0 s2, v40  }
0x2d0: {  	[tilespmem:s30+$0x180] =	vst @!p0 v40  }
0x2d1: {  	v40 =	vld @!p0 [tilespmem:s0+$0x30];
	_ =	sdelay $0x4  }
0x2d2: {  	s0 =	sadd.s32 @!p0 $0x2C0, s31;
	v40 =	vadd.s32 @!p0 s2, v40  }
0x2d3: {  	s2 =	sand.u32 @!p0 $0x3C0, s0;
	[tilespmem:s30+$0x190] =	vst @!p0 v40  }
0x2d4: {  	v40 =	vld @!p0 [tilespmem:s2+$0x0];
	_ =	sdelay $0x1  }
0x2d5: {  	s0 =	sshrl.u32 @!p0 s0, $0xA  }
0x2d6: {  	s0 =	smul.u32 @!p0 $0x3E8, s0;
	_ =	sdelay $0x1  }
0x2d7: {  	v40 =	vadd.s32 @!p0 s0, v40  }
0x2d8: {  	[tilespmem:s30+$0x1E0] =	vst @!p0 v40  }
0x2d9: {  	v40 =	vld @!p0 [tilespmem:s2+$0x10];
	_ =	sdelay $0x4  }
0x2da: {  	v40 =	vadd.s32 @!p0 s0, v40  }
0x2db: {  	[tilespmem:s30+$0x1F0] =	vst @!p0 v40  }
0x2dc: {  	v40 =	vld @!p0 [tilespmem:s2+$0x20];
	_ =	sdelay $0x4  }
0x2dd: {  	v40 =	vadd.s32 @!p0 s0, v40  }
0x2de: {  	[tilespmem:s30+$0x200] =	vst @!p0 v40  }
0x2df: {  	v40 =	vld @!p0 [tilespmem:s2+$0x30];
	_ =	sdelay $0x4  }
0x2e0: {  	v40 =	vadd.s32 @!p0 s0, v40;
	s0 =	sadd.s32 @!p0 $0x300, s31  }
0x2e1: {  	[tilespmem:s30+$0x210] =	vst @!p0 v40;
	s2 =	sand.u32 @!p0 $0x3C0, s0  }
0x2e2: {  	v40 =	vld @!p0 [tilespmem:s2+$0x0];
	_ =	sdelay $0x1  }
0x2e3: {  	s0 =	sshrl.u32 @!p0 s0, $0xA  }
0x2e4: {  	s0 =	smul.u32 @!p0 $0x3E8, s0;
	_ =	sdelay $0x1  }
0x2e5: {  	v40 =	vadd.s32 @!p0 s0, v40  }
0x2e6: {  	[tilespmem:s30+$0x260] =	vst @!p0 v40  }
0x2e7: {  	v40 =	vld @!p0 [tilespmem:s2+$0x10];
	_ =	sdelay $0x4  }
0x2e8: {  	v40 =	vadd.s32 @!p0 s0, v40  }
0x2e9: {  	[tilespmem:s30+$0x270] =	vst @!p0 v40  }
0x2ea: {  	v40 =	vld @!p0 [tilespmem:s2+$0x20];
	_ =	sdelay $0x4  }
0x2eb: {  	v40 =	vadd.s32 @!p0 s0, v40  }
0x2ec: {  	[tilespmem:s30+$0x280] =	vst @!p0 v40  }
0x2ed: {  	v40 =	vld @!p0 [tilespmem:s2+$0x30];
	_ =	sdelay $0x4  }
0x2ee: {  	v40 =	vadd.s32 @!p0 s0, v40;
	s0 =	sadd.s32 @!p0 $0x340, s31  }
0x2ef: {  	[tilespmem:s30+$0x290] =	vst @!p0 v40;
	s2 =	sand.u32 @!p0 $0x3C0, s0  }
0x2f0: {  	v40 =	vld @!p0 [tilespmem:s2+$0x0];
	_ =	sdelay $0x1  }
0x2f1: {  	s0 =	sshrl.u32 @!p0 s0, $0xA  }
0x2f2: {  	s0 =	smul.u32 @!p0 $0x3E8, s0;
	_ =	sdelay $0x1  }
0x2f3: {  	v40 =	vadd.s32 @!p0 s0, v40  }
0x2f4: {  	[tilespmem:s30+$0x2E0] =	vst @!p0 v40  }
0x2f5: {  	v40 =	vld @!p0 [tilespmem:s2+$0x10];
	_ =	sdelay $0x4  }
0x2f6: {  	v40 =	vadd.s32 @!p0 s0, v40  }
0x2f7: {  	[tilespmem:s30+$0x2F0] =	vst @!p0 v40  }
0x2f8: {  	v40 =	vld @!p0 [tilespmem:s2+$0x20];
	_ =	sdelay $0x4  }
0x2f9: {  	v40 =	vadd.s32 @!p0 s0, v40  }
0x2fa: {  	[tilespmem:s30+$0x300] =	vst @!p0 v40  }
0x2fb: {  	v40 =	vld @!p0 [tilespmem:s2+$0x30];
	_ =	sdelay $0x4  }
0x2fc: {  	v40 =	vadd.s32 @!p0 s0, v40;
	s0 =	sadd.s32 @!p0 $0x380, s31  }
0x2fd: {  	[tilespmem:s30+$0x310] =	vst @!p0 v40;
	s2 =	sand.u32 @!p0 $0x3C0, s0  }
0x2fe: {  	v40 =	vld @!p0 [tilespmem:s2+$0x0];
	_ =	sdelay $0x1  }
0x2ff: {  	s0 =	sshrl.u32 @!p0 s0, $0xA  }
0x300: {  	s0 =	smul.u32 @!p0 $0x3E8, s0;
	_ =	sdelay $0x1  }
0x301: {  	v40 =	vadd.s32 @!p0 s0, v40  }
0x302: {  	[tilespmem:s30+$0x360] =	vst @!p0 v40  }
0x303: {  	v40 =	vld @!p0 [tilespmem:s2+$0x10];
	_ =	sdelay $0x4  }
0x304: {  	v40 =	vadd.s32 @!p0 s0, v40  }
0x305: {  	[tilespmem:s30+$0x370] =	vst @!p0 v40  }
0x306: {  	v40 =	vld @!p0 [tilespmem:s2+$0x20];
	_ =	sdelay $0x4  }
0x307: {  	v40 =	vadd.s32 @!p0 s0, v40  }
0x308: {  	s26 =	sadd.s32 @!p0 $0x140, s26;
	[tilespmem:s30+$0x380] =	vst @!p0 v40  }
0x309: {  	p1 =	sne.s32 @!p0 s26, $0x1180;
	v40 =	vld @!p0 [tilespmem:s2+$0x30]  }
0x30a: {  	p1 =	por p0, !p1  }
.Ltmp0:
0x30b: {  	_ = 	snop;
	(pc) =	sbr.rel @!p1 .LBB2_2-.Ltmp0, $3  }
0x30c: {  	_ =	sdelay $0x1  }
0x30d: {  	s7 =	simm.s32 $0xEC00;
	s16 =	simm.s32 $0x12C00;
	s29 =	sadd.s32 @!p0 $0x2800, s29;
	v40 =	vadd.s32 @!p0 s0, v40  }
0x30e: {  	s31 =	simm.s32 $0x3C00;
	s2 =	simm.s32 $0x3400;
	[tilespmem:s30+$0x390] =	vst @!p0 v40;
	s30 =	sadd.s32 @!p0 $0x280, s30  }
0x30f: {  	_ =	swait.ge [sflag:s22], $0x4000  }
0x310: {  	s0 =	sld [smem:$0x7E7]  }
0x311: {  	[sflag:s22] =	ssyncset.done $0x0  }
0x312: {  	[sflag:s22] =	ssyncadd.s32 $0xFFFFC000  }
0x313: {  	[hbm4b:s0+s5] =	stream.linear.scatter [tilespmem:s7], [sflag:$0x4], $0x4000, $0x38;
	[tilespmem:$0x16C00] =	vst v63  }
0x314: {  	_ =	swait.ge [sflag:s23], $0x4000  }
0x315: {  	s26 =	sld [smem:$0x7E8]  }
0x316: {  	[sflag:s23] =	ssyncset.done $0x0  }
0x317: {  	[sflag:s23] =	ssyncadd.s32 $0xFFFFC000  }
0x318: {  	[hbm4b:s26+s5] =	stream.linear.scatter [tilespmem:s16], [sflag:$0x5], $0x4000, $0x38;
	[tilespmem:$0x16C00] =	vst v63  }
0x319: {  	_ =	swait.ge [sflag:s19], $0x4000  }
0x31a: {  	[sflag:s19] =	ssyncset.done $0x0  }
0x31b: {  	[sflag:s19] =	ssyncadd.s32 $0xFFFFC000  }
0x31c: {  	_ =	swait.ge [sflag:s20], $0x4000  }
0x31d: {  	[sflag:s20] =	ssyncset.done $0x0  }
0x31e: {  	[sflag:s20] =	ssyncadd.s32 $0xFFFFC000  }
0x31f: {  	_ =	swait.ge [sflag:s21], $0x4000  }
0x320: {  	[sflag:s21] =	ssyncset.done $0x0  }
0x321: {  	[sflag:s21] =	ssyncadd.s32 $0xFFFFC000  }
0x322: {  	_ =	swait.ge [sflag:s22], $0x4000  }
0x323: {  	[sflag:s22] =	ssyncset.done $0x0  }
0x324: {  	[sflag:s22] =	ssyncadd.s32 $0xFFFFC000  }
0x325: {  	_ =	swait.ge [sflag:s23], $0x4000  }
0x326: {  	s24 =	sld [smem:$0x7D8]  }
0x327: {  	s28 =	sld [smem:$0x7E9];
	_ =	sdelay $0x1  }
0x328: {  	s30 =	simm.s32 $0xDC00;
	s4 =	simm.s32 $0xF400;
	s24 =	sadd.s32 $0x1, s24  }
0x329: {  	s8 =	simm.s32 $0xFC00;
	s11 =	simm.s32 $0x10C00;
	p0 =	sne.s32 s24, s28  }
.Ltmp1:
0x32a: {  	s29 =	simm.s32 $0x11400;
	s18 =	simm.s32 $0x12400;
	(pc) =	sbr.rel @p0 .LBB2_1-.Ltmp1, $4  }
0x32b: {  	s9 =	simm.s32 $0x13C00;
	s3 =	simm.s32 $0x14400;
	s10 =	simm.s32 $0x14C00  }
0x32c: {  	s12 =	simm.s32 $0x2C00;
	s6 =	simm.s32 $0x6C00;
	s17 =	simm.s32 $0xAC00  }
0x32d: {  	s13 =	simm.s32 $0x15400;
	s14 =	simm.s32 $0x15C00;
	[sflag:s23] =	ssyncset.done $0x0  }
0x32e: {  	s15 =	simm.s32 $0x16400;
	s26 =	simm.s32 $0x10400;
	[sflag:s23] =	ssyncadd.s32 $0xFFFFC000  }
0x32f: {  	_ =	sfence.sel $0x180000  }
0x330: {  	[bflag:$0x0] =	sbarrier.arrive $0xFFFF  }
0x331: {  	_ =	strace $0x90000047  }
0x332: {  	s0 =	stileid.u32;
	[bflag:$0x2] =	sbarrier.arrive $0xFFFF  }
0x333: {  	p0 =	sne.s32 s0, $0x0;
	s0 =	rddreg [dreg:$0x3]  }
0x334: {  	s0 =	sadd.s32 @!p0 $0x100000, s0  }
0x335: {  	[sflag:s0] =	ssyncadd.tile.s32 @!p0 $0x1;
	_ =	shalt  }
.Lfunc_end2:
_tile_overlayer_lowered:
.L_overlay_start_2:
0x336: {  	(tag) =	ssettag $0x2  }
0x337: {  	s0 =	rddreg [dreg:$0x0];
	s2 =	stileid.u32  }
0x338: {  	s1 =	rddreg [dreg:$0x1];
	p0 =	sne.s32 s2, $0x0  }
0x339: {  	s3 =	rddreg [dreg:$0x2];
	[bflag:$0x3] =	sbarrier.arrive $0xFFFF;
	s2 =	simm.s32 @!p0 $0x1C06  }
0x33a: {  	[timem:s3], [sflag:s2] =	dma.local @!p0 [hbm:s0], s1  }
0x33b: {  	s0 =	simm.s32 @!p0 $0x6  }
0x33c: {  	_ =	swait.ge @!p0 [sflag:s0], s1  }
0x33d: {  	s1 =	ssub.s32 @!p0 $0x0, s1;
	[sflag:s0] =	ssyncset.done @!p0 $0x0  }
0x33e: {  	[sflag:s0] =	ssyncadd.s32 @!p0 s1  }
0x33f: {  	[bflag:$0x3] =	sbarrier.arrive $0xFFFF  }
0x340: {  	_ =	shalt  }

</sc_bundles>
